<compile_context>
chip_gen: v7x
topology: tpu7x:2x2x1
jax: 0.10.2.dev20260603
libtpu: 0.0.44.dev20260713+nightly
codegen_flags: <defaults>
</compile_context>

<pallas_src>
import functools

import jax
import jax.numpy as jnp
from jax import lax
from jax.experimental import pallas as pl
from jax.experimental.pallas import tpu as pltpu
from jax.experimental.pallas import tpu_sc as plsc

K = 64
L = 16
NC, NS = 2, 16
NW = NC * NS
TOTAL = 8 * 80 * 1600
PER_W = TOTAL // NW
UNROLL = 10
NCHUNK = 4
CHW = PER_W // NCHUNK
STEPS = (32, 16, 8, 4, 2, 1)


@functools.partial(
    pl.kernel,
    mesh=plsc.VectorSubcoreMesh(core_axis_name="c", subcore_axis_name="s"),
    compiler_params=pltpu.CompilerParams(needs_layout_passes=False),
    out_type=jax.ShapeDtypeStruct((TOTAL,), jnp.float32),
    scratch_types=[
        pltpu.VMEM((PER_W,), jnp.float32),
        pltpu.VMEM((PER_W,), jnp.float32),
        pltpu.VMEM((K,), jnp.float32),
        pltpu.VMEM((65 * L,), jnp.float32),
        pltpu.VMEM((65 * L,), jnp.float32),
        [pltpu.SemaphoreType.DMA] * NCHUNK,
        [pltpu.SemaphoreType.DMA] * NCHUNK,
    ],
)
def _discretize_sc(x_hbm, cent_hbm, out_hbm, xv, ov, centv, midrep, crep,
                   isems, osems):
    wid = lax.axis_index("s") * NC + lax.axis_index("c")
    base = wid * PER_W

    in_cps = [
        pltpu.async_copy(
            x_hbm.at[pl.ds(base + c * CHW, CHW)],
            xv.at[pl.ds(c * CHW, CHW)],
            isems[c],
        )
        for c in range(NCHUNK)
    ]
    pltpu.sync_copy(cent_hbm, centv)

    lanes = lax.iota(jnp.int32, L)
    for g in range(K // L):
        gi = lanes + g * L
        lo = centv[pl.ds(g * L, L)]
        hi = plsc.load_gather(centv, [jnp.minimum(gi + 1, K - 1)])
        mid = (lo + hi) * jnp.float32(0.5)
        mid = jnp.where(gi == K - 1, jnp.float32(jnp.inf), mid)
        for r in range(L):
            midrep[pl.ds(65 * r + g * L, L)] = mid
            crep[pl.ds(65 * r + g * L, L)] = lo

    loff = lanes * 65
    loff32 = loff + 32
    m31b = plsc.load_gather(midrep, [loff + 31])
    m15b = plsc.load_gather(midrep, [loff + 15])
    m47b = plsc.load_gather(midrep, [loff + 47])

    out_cps = []
    for c in range(NCHUNK):
        in_cps[c].wait()

        @plsc.parallel_loop(c * (CHW // L), (c + 1) * (CHW // L), 1,
                            unroll=UNROLL)
        def _(v):
            off = v * L
            x = xv[pl.ds(off, L)]
            hi32 = m31b < x
            posl = jnp.where(hi32, loff32, loff)
            probe16 = jnp.where(hi32, m47b, m15b)
            posl = jnp.where(probe16 < x, posl + 16, posl)
            for step in (8, 4, 2, 1):
                probe = plsc.load_gather(midrep, [posl + (step - 1)])
                posl = jnp.where(probe < x, posl + step, posl)
            ov[pl.ds(off, L)] = plsc.load_gather(crep, [posl])

        out_cps.append(
            pltpu.async_copy(
                ov.at[pl.ds(c * CHW, CHW)],
                out_hbm.at[pl.ds(base + c * CHW, CHW)],
                osems[c],
            )
        )
    for cp in out_cps:
        cp.wait()


def kernel(melspecs, centroids):
    flat = melspecs.reshape(-1)
    out = _discretize_sc(flat, centroids)
    return out.reshape(melspecs.shape)

# --- scband reference (transcript-rebuilt; emitter-appended) ---
"""Pipeline reference for scband-global-mel-spec-discretizer-16252156248526 (READ-ONLY COPY).

The authoritative reference and input builder live on the scoring server;
editing this copy changes nothing except your own understanding.
"""

import jax, jax.numpy as jnp
import numpy as np

NUM_CENTROIDS = 64
B, N_MELS, T = 8, 80, 1600

def setup_inputs(seed: int = 0) -> dict:
    key = jax.random.key(seed)
    k1, k2 = jax.random.split(key)
    melspecs = jax.random.normal(k1, (B, N_MELS, T), dtype=jnp.float32)
    # learned scalar centroids (1-D codebook over mel magnitude values)
    centroids = jnp.sort(jax.random.normal(k2, (NUM_CENTROIDS,), dtype=jnp.float32))
    return {"melspecs": melspecs, "centroids": centroids}

def reference(melspecs, centroids):
    # mel_to_class: broadcast |melspecs - centroid| over a per-batch repeated codebook
    # torch: distances = |melspecs.unsqueeze(1) - centroids.unsqueeze(-1).unsqueeze(-1)|.transpose(1,2)
    # shapes: [B,1,M,T] - [K,1,1] -> [B,K,M,T] -> transpose -> [B,M,K,T]
    distances = jnp.abs(melspecs[:, None, :, :] - centroids[None, :, None, None])
    distances = jnp.transpose(distances, (0, 2, 1, 3))  # [B, M, K, T]
    cluster_assignments = jnp.argmin(distances, axis=2)  # [B, M, T]
    # class_to_centroids: scalar codebook gather (equivalent to the torch masked-assign loop)
    values = jnp.take(centroids, cluster_assignments, axis=0)
    return values

if __name__ == "__main__":
    import jax
    _d = setup_inputs()
    print(jax.jit(kernel)(*tuple(_d.values())))

</pallas_src>

<mosaic_0001>
#map = affine_map<(d0, d1) -> (0)>
module attributes {stable_mosaic.version = 14 : i64} {
  func.func @_discretize_sc(%arg0: i32, %arg1: i32, %arg2: memref<1024000xf32, #tpu.memory_space<hbm>>, %arg3: memref<64xf32, #tpu.memory_space<hbm>>, %arg4: memref<1024000xf32, #tpu.memory_space<hbm>>, %arg5: memref<32000xf32, #tpu.memory_space<vmem>>, %arg6: memref<32000xf32, #tpu.memory_space<vmem>>, %arg7: memref<64xf32, #tpu.memory_space<vmem>>, %arg8: memref<1040xf32, #tpu.memory_space<vmem>>, %arg9: memref<1040xf32, #tpu.memory_space<vmem>>, %arg10: memref<!tpu.dma_semaphore, #tpu.memory_space<semaphore_mem>>, %arg11: memref<!tpu.dma_semaphore, #tpu.memory_space<semaphore_mem>>, %arg12: memref<!tpu.dma_semaphore, #tpu.memory_space<semaphore_mem>>, %arg13: memref<!tpu.dma_semaphore, #tpu.memory_space<semaphore_mem>>, %arg14: memref<!tpu.dma_semaphore, #tpu.memory_space<semaphore_mem>>, %arg15: memref<!tpu.dma_semaphore, #tpu.memory_space<semaphore_mem>>, %arg16: memref<!tpu.dma_semaphore, #tpu.memory_space<semaphore_mem>>, %arg17: memref<!tpu.dma_semaphore, #tpu.memory_space<semaphore_mem>>) attributes {dimension_semantics = [#tpu.dimension_semantics<core_parallel>, #tpu.dimension_semantics<subcore_parallel>], iteration_bounds = array<i64: 2, 16>, scalar_prefetch = 0 : i64, scratch_operands = 13 : i64, tpu.core_type = #tpu.core_type<sc_vector_subcore>, window_params = [{transform_indices = #map}, {transform_indices = #map}, {transform_indices = #map}]} {
    %mul3A = arith.constant 2 : i32
    %mul3A_0 = arith.muli %arg1, %mul3A : i32
    %add3A = arith.addi %mul3A_0, %arg0 : i32
    %mul3A_1 = arith.constant 32000 : i32
    %mul3A_2 = arith.muli %add3A, %mul3A_1 : i32
    %add3A_3 = arith.constant 0 : i32
    %add3A_4 = arith.addi %mul3A_2, %add3A_3 : i32
    %dma_start3A = arith.constant 0 : i32
    %dma_start3A_5 = tpu.memref_slice %arg5[%dma_start3A] : memref<32000xf32, #tpu.memory_space<vmem>> -> memref<8000xf32, #tpu.memory_space<vmem>>
    %dma_start3A_6 = tpu.memref_slice %arg2[%add3A_4] : memref<1024000xf32, #tpu.memory_space<hbm>> -> memref<8000xf32, #tpu.memory_space<hbm>>
    %dma_start3A_7 = arith.constant 0 : i32
    %dma_start3A_8 = tpu.memref_slice %arg5[%dma_start3A_7] : memref<32000xf32, #tpu.memory_space<vmem>> -> memref<8000xf32, #tpu.memory_space<vmem>>
    %dma_start3A_9 = tpu.memref_slice %arg2[%add3A_4] : memref<1024000xf32, #tpu.memory_space<hbm>> -> memref<8000xf32, #tpu.memory_space<hbm>>
    tpu.enqueue_dma source(%dma_start3A_9 : memref<8000xf32, #tpu.memory_space<hbm>>) target(%dma_start3A_8 : memref<8000xf32, #tpu.memory_space<vmem>>) target_semaphore(%arg10 : memref<!tpu.dma_semaphore, #tpu.memory_space<semaphore_mem>>)
    %add3A_10 = arith.constant 8000 : i32
    %add3A_11 = arith.addi %mul3A_2, %add3A_10 : i32
    %dma_start3A_12 = arith.constant 8000 : i32
    %dma_start3A_13 = tpu.memref_slice %arg5[%dma_start3A_12] : memref<32000xf32, #tpu.memory_space<vmem>> -> memref<8000xf32, #tpu.memory_space<vmem>>
    %dma_start3A_14 = tpu.memref_slice %arg2[%add3A_11] : memref<1024000xf32, #tpu.memory_space<hbm>> -> memref<8000xf32, #tpu.memory_space<hbm>>
    %dma_start3A_15 = arith.constant 8000 : i32
    %dma_start3A_16 = tpu.memref_slice %arg5[%dma_start3A_15] : memref<32000xf32, #tpu.memory_space<vmem>> -> memref<8000xf32, #tpu.memory_space<vmem>>
    %dma_start3A_17 = tpu.memref_slice %arg2[%add3A_11] : memref<1024000xf32, #tpu.memory_space<hbm>> -> memref<8000xf32, #tpu.memory_space<hbm>>
    tpu.enqueue_dma source(%dma_start3A_17 : memref<8000xf32, #tpu.memory_space<hbm>>) target(%dma_start3A_16 : memref<8000xf32, #tpu.memory_space<vmem>>) target_semaphore(%arg11 : memref<!tpu.dma_semaphore, #tpu.memory_space<semaphore_mem>>)
    %add3A_18 = arith.constant 16000 : i32
    %add3A_19 = arith.addi %mul3A_2, %add3A_18 : i32
    %dma_start3A_20 = arith.constant 16000 : i32
    %dma_start3A_21 = tpu.memref_slice %arg5[%dma_start3A_20] : memref<32000xf32, #tpu.memory_space<vmem>> -> memref<8000xf32, #tpu.memory_space<vmem>>
    %dma_start3A_22 = tpu.memref_slice %arg2[%add3A_19] : memref<1024000xf32, #tpu.memory_space<hbm>> -> memref<8000xf32, #tpu.memory_space<hbm>>
    %dma_start3A_23 = arith.constant 16000 : i32
    %dma_start3A_24 = tpu.memref_slice %arg5[%dma_start3A_23] : memref<32000xf32, #tpu.memory_space<vmem>> -> memref<8000xf32, #tpu.memory_space<vmem>>
    %dma_start3A_25 = tpu.memref_slice %arg2[%add3A_19] : memref<1024000xf32, #tpu.memory_space<hbm>> -> memref<8000xf32, #tpu.memory_space<hbm>>
    tpu.enqueue_dma source(%dma_start3A_25 : memref<8000xf32, #tpu.memory_space<hbm>>) target(%dma_start3A_24 : memref<8000xf32, #tpu.memory_space<vmem>>) target_semaphore(%arg12 : memref<!tpu.dma_semaphore, #tpu.memory_space<semaphore_mem>>)
    %add3A_26 = arith.constant 24000 : i32
    %add3A_27 = arith.addi %mul3A_2, %add3A_26 : i32
    %dma_start3A_28 = arith.constant 24000 : i32
    %dma_start3A_29 = tpu.memref_slice %arg5[%dma_start3A_28] : memref<32000xf32, #tpu.memory_space<vmem>> -> memref<8000xf32, #tpu.memory_space<vmem>>
    %dma_start3A_30 = tpu.memref_slice %arg2[%add3A_27] : memref<1024000xf32, #tpu.memory_space<hbm>> -> memref<8000xf32, #tpu.memory_space<hbm>>
    %dma_start3A_31 = arith.constant 24000 : i32
    %dma_start3A_32 = tpu.memref_slice %arg5[%dma_start3A_31] : memref<32000xf32, #tpu.memory_space<vmem>> -> memref<8000xf32, #tpu.memory_space<vmem>>
    %dma_start3A_33 = tpu.memref_slice %arg2[%add3A_27] : memref<1024000xf32, #tpu.memory_space<hbm>> -> memref<8000xf32, #tpu.memory_space<hbm>>
    tpu.enqueue_dma source(%dma_start3A_33 : memref<8000xf32, #tpu.memory_space<hbm>>) target(%dma_start3A_32 : memref<8000xf32, #tpu.memory_space<vmem>>) target_semaphore(%arg13 : memref<!tpu.dma_semaphore, #tpu.memory_space<semaphore_mem>>)
    "tpu.region"() ({
      %run_scoped3A = tpu.sem_alloc : memref<!tpu.dma_semaphore, #tpu.memory_space<semaphore_mem>>
      tpu.enqueue_dma source(%arg3 : memref<64xf32, #tpu.memory_space<hbm>>) target(%arg7 : memref<64xf32, #tpu.memory_space<vmem>>) target_semaphore(%run_scoped3A : memref<!tpu.dma_semaphore, #tpu.memory_space<semaphore_mem>>)
      tpu.wait_dma2 semaphore(%run_scoped3A : memref<!tpu.dma_semaphore, #tpu.memory_space<semaphore_mem>>) src(%arg3 : memref<64xf32, #tpu.memory_space<hbm>>) dst(%arg7 : memref<64xf32, #tpu.memory_space<vmem>>)
      tpu.yield
    }) : () -> ()
    %iota3A = tpu.iota {dimensions = array<i32: 0>} : vector<16xi32>
    %add3A_34 = arith.constant 0 : i32
    %add3A_35 = vector.broadcast %add3A_34 : i32 to vector<16xi32>
    %add3A_36 = arith.addi %iota3A, %add3A_35 : vector<16xi32>
    %get3A = arith.constant 0 : index
    %get3A_37 = tpu.vector_load %arg7[%get3A] {strides = array<i32>} : memref<64xf32, #tpu.memory_space<vmem>>, vector<16xf32>,
    %add3A_38 = arith.constant 1 : i32
    %add3A_39 = vector.broadcast %add3A_38 : i32 to vector<16xi32>
    %add3A_40 = arith.addi %add3A_36, %add3A_39 : vector<16xi32>
    %min3A = arith.constant 63 : i32
    %min3A_41 = vector.broadcast %min3A : i32 to vector<16xi32>
    %min3A_42 = arith.minsi %add3A_40, %min3A_41 : vector<16xi32>
    %gather3A = tpu.vector_load_idx %arg7[%min3A_42] : memref<64xf32, #tpu.memory_space<vmem>>[vector<16xi32>], vector<16xf32>,
    %add3A_43 = arith.addf %get3A_37, %gather3A : vector<16xf32>
    %mul3A_44 = arith.constant 5.000000e-01 : f32
    %mul3A_45 = vector.broadcast %mul3A_44 : f32 to vector<16xf32>
    %mul3A_46 = arith.mulf %add3A_43, %mul3A_45 : vector<16xf32>
    %eq3A = arith.constant 63 : i32
    %eq3A_47 = vector.broadcast %eq3A : i32 to vector<16xi32>
    %eq3A_48 = arith.cmpi eq, %add3A_36, %eq3A_47 : vector<16xi32>
    %jit3A = arith.constant 0x7F800000 : f32
    %broadcast_in_dim3A = vector.broadcast %jit3A : f32 to vector<16xf32>
    %select_n3A = arith.select %eq3A_48, %broadcast_in_dim3A, %mul3A_46 : vector<16xi1>, vector<16xf32>
    %swap3A = arith.constant 0 : index
    %swap3A_49 = tpu.vector_load %arg8[%swap3A] {strides = array<i32>} : memref<1040xf32, #tpu.memory_space<vmem>>, vector<16xf32>,
    tpu.vector_store %arg8[%swap3A], %select_n3A {strides = array<i32>} : memref<1040xf32, #tpu.memory_space<vmem>>, vector<16xf32>,
    %swap3A_50 = arith.constant 0 : index
    %swap3A_51 = tpu.vector_load %arg9[%swap3A_50] {strides = array<i32>} : memref<1040xf32, #tpu.memory_space<vmem>>, vector<16xf32>,
    tpu.vector_store %arg9[%swap3A_50], %get3A_37 {strides = array<i32>} : memref<1040xf32, #tpu.memory_space<vmem>>, vector<16xf32>,
    %swap3A_52 = arith.constant 65 : index
    %swap3A_53 = tpu.vector_load %arg8[%swap3A_52] {strides = array<i32>} : memref<1040xf32, #tpu.memory_space<vmem>>, vector<16xf32>,
    tpu.vector_store %arg8[%swap3A_52], %select_n3A {strides = array<i32>} : memref<1040xf32, #tpu.memory_space<vmem>>, vector<16xf32>,
    %swap3A_54 = arith.constant 65 : index
    %swap3A_55 = tpu.vector_load %arg9[%swap3A_54] {strides = array<i32>} : memref<1040xf32, #tpu.memory_space<vmem>>, vector<16xf32>,
    tpu.vector_store %arg9[%swap3A_54], %get3A_37 {strides = array<i32>} : memref<1040xf32, #tpu.memory_space<vmem>>, vector<16xf32>,
    %swap3A_56 = arith.constant 130 : index
    %swap3A_57 = tpu.vector_load %arg8[%swap3A_56] {strides = array<i32>} : memref<1040xf32, #tpu.memory_space<vmem>>, vector<16xf32>,
    tpu.vector_store %arg8[%swap3A_56], %select_n3A {strides = array<i32>} : memref<1040xf32, #tpu.memory_space<vmem>>, vector<16xf32>,
    %swap3A_58 = arith.constant 130 : index
    %swap3A_59 = tpu.vector_load %arg9[%swap3A_58] {strides = array<i32>} : memref<1040xf32, #tpu.memory_space<vmem>>, vector<16xf32>,
    tpu.vector_store %arg9[%swap3A_58], %get3A_37 {strides = array<i32>} : memref<1040xf32, #tpu.memory_space<vmem>>, vector<16xf32>,
    %swap3A_60 = arith.constant 195 : index
    %swap3A_61 = tpu.vector_load %arg8[%swap3A_60] {strides = array<i32>} : memref<1040xf32, #tpu.memory_space<vmem>>, vector<16xf32>,
    tpu.vector_store %arg8[%swap3A_60], %select_n3A {strides = array<i32>} : memref<1040xf32, #tpu.memory_space<vmem>>, vector<16xf32>,
    %swap3A_62 = arith.constant 195 : index
    %swap3A_63 = tpu.vector_load %arg9[%swap3A_62] {strides = array<i32>} : memref<1040xf32, #tpu.memory_space<vmem>>, vector<16xf32>,
    tpu.vector_store %arg9[%swap3A_62], %get3A_37 {strides = array<i32>} : memref<1040xf32, #tpu.memory_space<vmem>>, vector<16xf32>,
    %swap3A_64 = arith.constant 260 : index
    %swap3A_65 = tpu.vector_load %arg8[%swap3A_64] {strides = array<i32>} : memref<1040xf32, #tpu.memory_space<vmem>>, vector<16xf32>,
    tpu.vector_store %arg8[%swap3A_64], %select_n3A {strides = array<i32>} : memref<1040xf32, #tpu.memory_space<vmem>>, vector<16xf32>,
    %swap3A_66 = arith.constant 260 : index
    %swap3A_67 = tpu.vector_load %arg9[%swap3A_66] {strides = array<i32>} : memref<1040xf32, #tpu.memory_space<vmem>>, vector<16xf32>,
    tpu.vector_store %arg9[%swap3A_66], %get3A_37 {strides = array<i32>} : memref<1040xf32, #tpu.memory_space<vmem>>, vector<16xf32>,
    %swap3A_68 = arith.constant 325 : index
    %swap3A_69 = tpu.vector_load %arg8[%swap3A_68] {strides = array<i32>} : memref<1040xf32, #tpu.memory_space<vmem>>, vector<16xf32>,
    tpu.vector_store %arg8[%swap3A_68], %select_n3A {strides = array<i32>} : memref<1040xf32, #tpu.memory_space<vmem>>, vector<16xf32>,
    %swap3A_70 = arith.constant 325 : index
    %swap3A_71 = tpu.vector_load %arg9[%swap3A_70] {strides = array<i32>} : memref<1040xf32, #tpu.memory_space<vmem>>, vector<16xf32>,
    tpu.vector_store %arg9[%swap3A_70], %get3A_37 {strides = array<i32>} : memref<1040xf32, #tpu.memory_space<vmem>>, vector<16xf32>,
    %swap3A_72 = arith.constant 390 : index
    %swap3A_73 = tpu.vector_load %arg8[%swap3A_72] {strides = array<i32>} : memref<1040xf32, #tpu.memory_space<vmem>>, vector<16xf32>,
    tpu.vector_store %arg8[%swap3A_72], %select_n3A {strides = array<i32>} : memref<1040xf32, #tpu.memory_space<vmem>>, vector<16xf32>,
    %swap3A_74 = arith.constant 390 : index
    %swap3A_75 = tpu.vector_load %arg9[%swap3A_74] {strides = array<i32>} : memref<1040xf32, #tpu.memory_space<vmem>>, vector<16xf32>,
    tpu.vector_store %arg9[%swap3A_74], %get3A_37 {strides = array<i32>} : memref<1040xf32, #tpu.memory_space<vmem>>, vector<16xf32>,
    %swap3A_76 = arith.constant 455 : index
    %swap3A_77 = tpu.vector_load %arg8[%swap3A_76] {strides = array<i32>} : memref<1040xf32, #tpu.memory_space<vmem>>, vector<16xf32>,
    tpu.vector_store %arg8[%swap3A_76], %select_n3A {strides = array<i32>} : memref<1040xf32, #tpu.memory_space<vmem>>, vector<16xf32>,
    %swap3A_78 = arith.constant 455 : index
    %swap3A_79 = tpu.vector_load %arg9[%swap3A_78] {strides = array<i32>} : memref<1040xf32, #tpu.memory_space<vmem>>, vector<16xf32>,
    tpu.vector_store %arg9[%swap3A_78], %get3A_37 {strides = array<i32>} : memref<1040xf32, #tpu.memory_space<vmem>>, vector<16xf32>,
    %swap3A_80 = arith.constant 520 : index
    %swap3A_81 = tpu.vector_load %arg8[%swap3A_80] {strides = array<i32>} : memref<1040xf32, #tpu.memory_space<vmem>>, vector<16xf32>,
    tpu.vector_store %arg8[%swap3A_80], %select_n3A {strides = array<i32>} : memref<1040xf32, #tpu.memory_space<vmem>>, vector<16xf32>,
    %swap3A_82 = arith.constant 520 : index
    %swap3A_83 = tpu.vector_load %arg9[%swap3A_82] {strides = array<i32>} : memref<1040xf32, #tpu.memory_space<vmem>>, vector<16xf32>,
    tpu.vector_store %arg9[%swap3A_82], %get3A_37 {strides = array<i32>} : memref<1040xf32, #tpu.memory_space<vmem>>, vector<16xf32>,
    %swap3A_84 = arith.constant 585 : index
    %swap3A_85 = tpu.vector_load %arg8[%swap3A_84] {strides = array<i32>} : memref<1040xf32, #tpu.memory_space<vmem>>, vector<16xf32>,
    tpu.vector_store %arg8[%swap3A_84], %select_n3A {strides = array<i32>} : memref<1040xf32, #tpu.memory_space<vmem>>, vector<16xf32>,
    %swap3A_86 = arith.constant 585 : index
    %swap3A_87 = tpu.vector_load %arg9[%swap3A_86] {strides = array<i32>} : memref<1040xf32, #tpu.memory_space<vmem>>, vector<16xf32>,
    tpu.vector_store %arg9[%swap3A_86], %get3A_37 {strides = array<i32>} : memref<1040xf32, #tpu.memory_space<vmem>>, vector<16xf32>,
    %swap3A_88 = arith.constant 650 : index
    %swap3A_89 = tpu.vector_load %arg8[%swap3A_88] {strides = array<i32>} : memref<1040xf32, #tpu.memory_space<vmem>>, vector<16xf32>,
    tpu.vector_store %arg8[%swap3A_88], %select_n3A {strides = array<i32>} : memref<1040xf32, #tpu.memory_space<vmem>>, vector<16xf32>,
    %swap3A_90 = arith.constant 650 : index
    %swap3A_91 = tpu.vector_load %arg9[%swap3A_90] {strides = array<i32>} : memref<1040xf32, #tpu.memory_space<vmem>>, vector<16xf32>,
    tpu.vector_store %arg9[%swap3A_90], %get3A_37 {strides = array<i32>} : memref<1040xf32, #tpu.memory_space<vmem>>, vector<16xf32>,
    %swap3A_92 = arith.constant 715 : index
    %swap3A_93 = tpu.vector_load %arg8[%swap3A_92] {strides = array<i32>} : memref<1040xf32, #tpu.memory_space<vmem>>, vector<16xf32>,
    tpu.vector_store %arg8[%swap3A_92], %select_n3A {strides = array<i32>} : memref<1040xf32, #tpu.memory_space<vmem>>, vector<16xf32>,
    %swap3A_94 = arith.constant 715 : index
    %swap3A_95 = tpu.vector_load %arg9[%swap3A_94] {strides = array<i32>} : memref<1040xf32, #tpu.memory_space<vmem>>, vector<16xf32>,
    tpu.vector_store %arg9[%swap3A_94], %get3A_37 {strides = array<i32>} : memref<1040xf32, #tpu.memory_space<vmem>>, vector<16xf32>,
    %swap3A_96 = arith.constant 780 : index
    %swap3A_97 = tpu.vector_load %arg8[%swap3A_96] {strides = array<i32>} : memref<1040xf32, #tpu.memory_space<vmem>>, vector<16xf32>,
    tpu.vector_store %arg8[%swap3A_96], %select_n3A {strides = array<i32>} : memref<1040xf32, #tpu.memory_space<vmem>>, vector<16xf32>,
    %swap3A_98 = arith.constant 780 : index
    %swap3A_99 = tpu.vector_load %arg9[%swap3A_98] {strides = array<i32>} : memref<1040xf32, #tpu.memory_space<vmem>>, vector<16xf32>,
    tpu.vector_store %arg9[%swap3A_98], %get3A_37 {strides = array<i32>} : memref<1040xf32, #tpu.memory_space<vmem>>, vector<16xf32>,
    %swap3A_100 = arith.constant 845 : index
    %swap3A_101 = tpu.vector_load %arg8[%swap3A_100] {strides = array<i32>} : memref<1040xf32, #tpu.memory_space<vmem>>, vector<16xf32>,
    tpu.vector_store %arg8[%swap3A_100], %select_n3A {strides = array<i32>} : memref<1040xf32, #tpu.memory_space<vmem>>, vector<16xf32>,
    %swap3A_102 = arith.constant 845 : index
    %swap3A_103 = tpu.vector_load %arg9[%swap3A_102] {strides = array<i32>} : memref<1040xf32, #tpu.memory_space<vmem>>, vector<16xf32>,
    tpu.vector_store %arg9[%swap3A_102], %get3A_37 {strides = array<i32>} : memref<1040xf32, #tpu.memory_space<vmem>>, vector<16xf32>,
    %swap3A_104 = arith.constant 910 : index
    %swap3A_105 = tpu.vector_load %arg8[%swap3A_104] {strides = array<i32>} : memref<1040xf32, #tpu.memory_space<vmem>>, vector<16xf32>,
    tpu.vector_store %arg8[%swap3A_104], %select_n3A {strides = array<i32>} : memref<1040xf32, #tpu.memory_space<vmem>>, vector<16xf32>,
    %swap3A_106 = arith.constant 910 : index
    %swap3A_107 = tpu.vector_load %arg9[%swap3A_106] {strides = array<i32>} : memref<1040xf32, #tpu.memory_space<vmem>>, vector<16xf32>,
    tpu.vector_store %arg9[%swap3A_106], %get3A_37 {strides = array<i32>} : memref<1040xf32, #tpu.memory_space<vmem>>, vector<16xf32>,
    %swap3A_108 = arith.constant 975 : index
    %swap3A_109 = tpu.vector_load %arg8[%swap3A_108] {strides = array<i32>} : memref<1040xf32, #tpu.memory_space<vmem>>, vector<16xf32>,
    tpu.vector_store %arg8[%swap3A_108], %select_n3A {strides = array<i32>} : memref<1040xf32, #tpu.memory_space<vmem>>, vector<16xf32>,
    %swap3A_110 = arith.constant 975 : index
    %swap3A_111 = tpu.vector_load %arg9[%swap3A_110] {strides = array<i32>} : memref<1040xf32, #tpu.memory_space<vmem>>, vector<16xf32>,
    tpu.vector_store %arg9[%swap3A_110], %get3A_37 {strides = array<i32>} : memref<1040xf32, #tpu.memory_space<vmem>>, vector<16xf32>,
    %add3A_112 = arith.constant 16 : i32
    %add3A_113 = vector.broadcast %add3A_112 : i32 to vector<16xi32>
    %add3A_114 = arith.addi %iota3A, %add3A_113 : vector<16xi32>
    %get3A_115 = arith.constant 16 : index
    %get3A_116 = tpu.vector_load %arg7[%get3A_115] {strides = array<i32>} : memref<64xf32, #tpu.memory_space<vmem>>, vector<16xf32>,
    %add3A_117 = arith.constant 1 : i32
    %add3A_118 = vector.broadcast %add3A_117 : i32 to vector<16xi32>
    %add3A_119 = arith.addi %add3A_114, %add3A_118 : vector<16xi32>
    %min3A_120 = arith.constant 63 : i32
    %min3A_121 = vector.broadcast %min3A_120 : i32 to vector<16xi32>
    %min3A_122 = arith.minsi %add3A_119, %min3A_121 : vector<16xi32>
    %gather3A_123 = tpu.vector_load_idx %arg7[%min3A_122] : memref<64xf32, #tpu.memory_space<vmem>>[vector<16xi32>], vector<16xf32>,
    %add3A_124 = arith.addf %get3A_116, %gather3A_123 : vector<16xf32>
    %mul3A_125 = arith.constant 5.000000e-01 : f32
    %mul3A_126 = vector.broadcast %mul3A_125 : f32 to vector<16xf32>
    %mul3A_127 = arith.mulf %add3A_124, %mul3A_126 : vector<16xf32>
    %eq3A_128 = arith.constant 63 : i32
    %eq3A_129 = vector.broadcast %eq3A_128 : i32 to vector<16xi32>
    %eq3A_130 = arith.cmpi eq, %add3A_114, %eq3A_129 : vector<16xi32>
    %jit3A_131 = arith.constant 0x7F800000 : f32
    %broadcast_in_dim3A_132 = vector.broadcast %jit3A_131 : f32 to vector<16xf32>
    %select_n3A_133 = arith.select %eq3A_130, %broadcast_in_dim3A_132, %mul3A_127 : vector<16xi1>, vector<16xf32>
    %swap3A_134 = arith.constant 16 : index
    %swap3A_135 = tpu.vector_load %arg8[%swap3A_134] {strides = array<i32>} : memref<1040xf32, #tpu.memory_space<vmem>>, vector<16xf32>,
    tpu.vector_store %arg8[%swap3A_134], %select_n3A_133 {strides = array<i32>} : memref<1040xf32, #tpu.memory_space<vmem>>, vector<16xf32>,
    %swap3A_136 = arith.constant 16 : index
    %swap3A_137 = tpu.vector_load %arg9[%swap3A_136] {strides = array<i32>} : memref<1040xf32, #tpu.memory_space<vmem>>, vector<16xf32>,
    tpu.vector_store %arg9[%swap3A_136], %get3A_116 {strides = array<i32>} : memref<1040xf32, #tpu.memory_space<vmem>>, vector<16xf32>,
    %swap3A_138 = arith.constant 81 : index
    %swap3A_139 = tpu.vector_load %arg8[%swap3A_138] {strides = array<i32>} : memref<1040xf32, #tpu.memory_space<vmem>>, vector<16xf32>,
    tpu.vector_store %arg8[%swap3A_138], %select_n3A_133 {strides = array<i32>} : memref<1040xf32, #tpu.memory_space<vmem>>, vector<16xf32>,
    %swap3A_140 = arith.constant 81 : index
    %swap3A_141 = tpu.vector_load %arg9[%swap3A_140] {strides = array<i32>} : memref<1040xf32, #tpu.memory_space<vmem>>, vector<16xf32>,
    tpu.vector_store %arg9[%swap3A_140], %get3A_116 {strides = array<i32>} : memref<1040xf32, #tpu.memory_space<vmem>>, vector<16xf32>,
    %swap3A_142 = arith.constant 146 : index
    %swap3A_143 = tpu.vector_load %arg8[%swap3A_142] {strides = array<i32>} : memref<1040xf32, #tpu.memory_space<vmem>>, vector<16xf32>,
    tpu.vector_store %arg8[%swap3A_142], %select_n3A_133 {strides = array<i32>} : memref<1040xf32, #tpu.memory_space<vmem>>, vector<16xf32>,
    %swap3A_144 = arith.constant 146 : index
    %swap3A_145 = tpu.vector_load %arg9[%swap3A_144] {strides = array<i32>} : memref<1040xf32, #tpu.memory_space<vmem>>, vector<16xf32>,
    tpu.vector_store %arg9[%swap3A_144], %get3A_116 {strides = array<i32>} : memref<1040xf32, #tpu.memory_space<vmem>>, vector<16xf32>,
    %swap3A_146 = arith.constant 211 : index
    %swap3A_147 = tpu.vector_load %arg8[%swap3A_146] {strides = array<i32>} : memref<1040xf32, #tpu.memory_space<vmem>>, vector<16xf32>,
    tpu.vector_store %arg8[%swap3A_146], %select_n3A_133 {strides = array<i32>} : memref<1040xf32, #tpu.memory_space<vmem>>, vector<16xf32>,
    %swap3A_148 = arith.constant 211 : index
    %swap3A_149 = tpu.vector_load %arg9[%swap3A_148] {strides = array<i32>} : memref<1040xf32, #tpu.memory_space<vmem>>, vector<16xf32>,
    tpu.vector_store %arg9[%swap3A_148], %get3A_116 {strides = array<i32>} : memref<1040xf32, #tpu.memory_space<vmem>>, vector<16xf32>,
    %swap3A_150 = arith.constant 276 : index
    %swap3A_151 = tpu.vector_load %arg8[%swap3A_150] {strides = array<i32>} : memref<1040xf32, #tpu.memory_space<vmem>>, vector<16xf32>,
    tpu.vector_store %arg8[%swap3A_150], %select_n3A_133 {strides = array<i32>} : memref<1040xf32, #tpu.memory_space<vmem>>, vector<16xf32>,
    %swap3A_152 = arith.constant 276 : index
    %swap3A_153 = tpu.vector_load %arg9[%swap3A_152] {strides = array<i32>} : memref<1040xf32, #tpu.memory_space<vmem>>, vector<16xf32>,
    tpu.vector_store %arg9[%swap3A_152], %get3A_116 {strides = array<i32>} : memref<1040xf32, #tpu.memory_space<vmem>>, vector<16xf32>,
    %swap3A_154 = arith.constant 341 : index
    %swap3A_155 = tpu.vector_load %arg8[%swap3A_154] {strides = array<i32>} : memref<1040xf32, #tpu.memory_space<vmem>>, vector<16xf32>,
    tpu.vector_store %arg8[%swap3A_154], %select_n3A_133 {strides = array<i32>} : memref<1040xf32, #tpu.memory_space<vmem>>, vector<16xf32>,
    %swap3A_156 = arith.constant 341 : index
    %swap3A_157 = tpu.vector_load %arg9[%swap3A_156] {strides = array<i32>} : memref<1040xf32, #tpu.memory_space<vmem>>, vector<16xf32>,
    tpu.vector_store %arg9[%swap3A_156], %get3A_116 {strides = array<i32>} : memref<1040xf32, #tpu.memory_space<vmem>>, vector<16xf32>,
    %swap3A_158 = arith.constant 406 : index
    %swap3A_159 = tpu.vector_load %arg8[%swap3A_158] {strides = array<i32>} : memref<1040xf32, #tpu.memory_space<vmem>>, vector<16xf32>,
    tpu.vector_store %arg8[%swap3A_158], %select_n3A_133 {strides = array<i32>} : memref<1040xf32, #tpu.memory_space<vmem>>, vector<16xf32>,
    %swap3A_160 = arith.constant 406 : index
    %swap3A_161 = tpu.vector_load %arg9[%swap3A_160] {strides = array<i32>} : memref<1040xf32, #tpu.memory_space<vmem>>, vector<16xf32>,
    tpu.vector_store %arg9[%swap3A_160], %get3A_116 {strides = array<i32>} : memref<1040xf32, #tpu.memory_space<vmem>>, vector<16xf32>,
    %swap3A_162 = arith.constant 471 : index
    %swap3A_163 = tpu.vector_load %arg8[%swap3A_162] {strides = array<i32>} : memref<1040xf32, #tpu.memory_space<vmem>>, vector<16xf32>,
    tpu.vector_store %arg8[%swap3A_162], %select_n3A_133 {strides = array<i32>} : memref<1040xf32, #tpu.memory_space<vmem>>, vector<16xf32>,
    %swap3A_164 = arith.constant 471 : index
    %swap3A_165 = tpu.vector_load %arg9[%swap3A_164] {strides = array<i32>} : memref<1040xf32, #tpu.memory_space<vmem>>, vector<16xf32>,
    tpu.vector_store %arg9[%swap3A_164], %get3A_116 {strides = array<i32>} : memref<1040xf32, #tpu.memory_space<vmem>>, vector<16xf32>,
    %swap3A_166 = arith.constant 536 : index
    %swap3A_167 = tpu.vector_load %arg8[%swap3A_166] {strides = array<i32>} : memref<1040xf32, #tpu.memory_space<vmem>>, vector<16xf32>,
    tpu.vector_store %arg8[%swap3A_166], %select_n3A_133 {strides = array<i32>} : memref<1040xf32, #tpu.memory_space<vmem>>, vector<16xf32>,
    %swap3A_168 = arith.constant 536 : index
    %swap3A_169 = tpu.vector_load %arg9[%swap3A_168] {strides = array<i32>} : memref<1040xf32, #tpu.memory_space<vmem>>, vector<16xf32>,
    tpu.vector_store %arg9[%swap3A_168], %get3A_116 {strides = array<i32>} : memref<1040xf32, #tpu.memory_space<vmem>>, vector<16xf32>,
    %swap3A_170 = arith.constant 601 : index
    %swap3A_171 = tpu.vector_load %arg8[%swap3A_170] {strides = array<i32>} : memref<1040xf32, #tpu.memory_space<vmem>>, vector<16xf32>,
    tpu.vector_store %arg8[%swap3A_170], %select_n3A_133 {strides = array<i32>} : memref<1040xf32, #tpu.memory_space<vmem>>, vector<16xf32>,
    %swap3A_172 = arith.constant 601 : index
    %swap3A_173 = tpu.vector_load %arg9[%swap3A_172] {strides = array<i32>} : memref<1040xf32, #tpu.memory_space<vmem>>, vector<16xf32>,
    tpu.vector_store %arg9[%swap3A_172], %get3A_116 {strides = array<i32>} : memref<1040xf32, #tpu.memory_space<vmem>>, vector<16xf32>,
    %swap3A_174 = arith.constant 666 : index
    %swap3A_175 = tpu.vector_load %arg8[%swap3A_174] {strides = array<i32>} : memref<1040xf32, #tpu.memory_space<vmem>>, vector<16xf32>,
    tpu.vector_store %arg8[%swap3A_174], %select_n3A_133 {strides = array<i32>} : memref<1040xf32, #tpu.memory_space<vmem>>, vector<16xf32>,
    %swap3A_176 = arith.constant 666 : index
    %swap3A_177 = tpu.vector_load %arg9[%swap3A_176] {strides = array<i32>} : memref<1040xf32, #tpu.memory_space<vmem>>, vector<16xf32>,
    tpu.vector_store %arg9[%swap3A_176], %get3A_116 {strides = array<i32>} : memref<1040xf32, #tpu.memory_space<vmem>>, vector<16xf32>,
    %swap3A_178 = arith.constant 731 : index
    %swap3A_179 = tpu.vector_load %arg8[%swap3A_178] {strides = array<i32>} : memref<1040xf32, #tpu.memory_space<vmem>>, vector<16xf32>,
    tpu.vector_store %arg8[%swap3A_178], %select_n3A_133 {strides = array<i32>} : memref<1040xf32, #tpu.memory_space<vmem>>, vector<16xf32>,
    %swap3A_180 = arith.constant 731 : index
    %swap3A_181 = tpu.vector_load %arg9[%swap3A_180] {strides = array<i32>} : memref<1040xf32, #tpu.memory_space<vmem>>, vector<16xf32>,
    tpu.vector_store %arg9[%swap3A_180], %get3A_116 {strides = array<i32>} : memref<1040xf32, #tpu.memory_space<vmem>>, vector<16xf32>,
    %swap3A_182 = arith.constant 796 : index
    %swap3A_183 = tpu.vector_load %arg8[%swap3A_182] {strides = array<i32>} : memref<1040xf32, #tpu.memory_space<vmem>>, vector<16xf32>,
    tpu.vector_store %arg8[%swap3A_182], %select_n3A_133 {strides = array<i32>} : memref<1040xf32, #tpu.memory_space<vmem>>, vector<16xf32>,
    %swap3A_184 = arith.constant 796 : index
    %swap3A_185 = tpu.vector_load %arg9[%swap3A_184] {strides = array<i32>} : memref<1040xf32, #tpu.memory_space<vmem>>, vector<16xf32>,
    tpu.vector_store %arg9[%swap3A_184], %get3A_116 {strides = array<i32>} : memref<1040xf32, #tpu.memory_space<vmem>>, vector<16xf32>,
    %swap3A_186 = arith.constant 861 : index
    %swap3A_187 = tpu.vector_load %arg8[%swap3A_186] {strides = array<i32>} : memref<1040xf32, #tpu.memory_space<vmem>>, vector<16xf32>,
    tpu.vector_store %arg8[%swap3A_186], %select_n3A_133 {strides = array<i32>} : memref<1040xf32, #tpu.memory_space<vmem>>, vector<16xf32>,
    %swap3A_188 = arith.constant 861 : index
    %swap3A_189 = tpu.vector_load %arg9[%swap3A_188] {strides = array<i32>} : memref<1040xf32, #tpu.memory_space<vmem>>, vector<16xf32>,
    tpu.vector_store %arg9[%swap3A_188], %get3A_116 {strides = array<i32>} : memref<1040xf32, #tpu.memory_space<vmem>>, vector<16xf32>,
    %swap3A_190 = arith.constant 926 : index
    %swap3A_191 = tpu.vector_load %arg8[%swap3A_190] {strides = array<i32>} : memref<1040xf32, #tpu.memory_space<vmem>>, vector<16xf32>,
    tpu.vector_store %arg8[%swap3A_190], %select_n3A_133 {strides = array<i32>} : memref<1040xf32, #tpu.memory_space<vmem>>, vector<16xf32>,
    %swap3A_192 = arith.constant 926 : index
    %swap3A_193 = tpu.vector_load %arg9[%swap3A_192] {strides = array<i32>} : memref<1040xf32, #tpu.memory_space<vmem>>, vector<16xf32>,
    tpu.vector_store %arg9[%swap3A_192], %get3A_116 {strides = array<i32>} : memref<1040xf32, #tpu.memory_space<vmem>>, vector<16xf32>,
    %swap3A_194 = arith.constant 991 : index
    %swap3A_195 = tpu.vector_load %arg8[%swap3A_194] {strides = array<i32>} : memref<1040xf32, #tpu.memory_space<vmem>>, vector<16xf32>,
    tpu.vector_store %arg8[%swap3A_194], %select_n3A_133 {strides = array<i32>} : memref<1040xf32, #tpu.memory_space<vmem>>, vector<16xf32>,
    %swap3A_196 = arith.constant 991 : index
    %swap3A_197 = tpu.vector_load %arg9[%swap3A_196] {strides = array<i32>} : memref<1040xf32, #tpu.memory_space<vmem>>, vector<16xf32>,
    tpu.vector_store %arg9[%swap3A_196], %get3A_116 {strides = array<i32>} : memref<1040xf32, #tpu.memory_space<vmem>>, vector<16xf32>,
    %add3A_198 = arith.constant 32 : i32
    %add3A_199 = vector.broadcast %add3A_198 : i32 to vector<16xi32>
    %add3A_200 = arith.addi %iota3A, %add3A_199 : vector<16xi32>
    %get3A_201 = arith.constant 32 : index
    %get3A_202 = tpu.vector_load %arg7[%get3A_201] {strides = array<i32>} : memref<64xf32, #tpu.memory_space<vmem>>, vector<16xf32>,
    %add3A_203 = arith.constant 1 : i32
    %add3A_204 = vector.broadcast %add3A_203 : i32 to vector<16xi32>
    %add3A_205 = arith.addi %add3A_200, %add3A_204 : vector<16xi32>
    %min3A_206 = arith.constant 63 : i32
    %min3A_207 = vector.broadcast %min3A_206 : i32 to vector<16xi32>
    %min3A_208 = arith.minsi %add3A_205, %min3A_207 : vector<16xi32>
    %gather3A_209 = tpu.vector_load_idx %arg7[%min3A_208] : memref<64xf32, #tpu.memory_space<vmem>>[vector<16xi32>], vector<16xf32>,
    %add3A_210 = arith.addf %get3A_202, %gather3A_209 : vector<16xf32>
    %mul3A_211 = arith.constant 5.000000e-01 : f32
    %mul3A_212 = vector.broadcast %mul3A_211 : f32 to vector<16xf32>
    %mul3A_213 = arith.mulf %add3A_210, %mul3A_212 : vector<16xf32>
    %eq3A_214 = arith.constant 63 : i32
    %eq3A_215 = vector.broadcast %eq3A_214 : i32 to vector<16xi32>
    %eq3A_216 = arith.cmpi eq, %add3A_200, %eq3A_215 : vector<16xi32>
    %jit3A_217 = arith.constant 0x7F800000 : f32
    %broadcast_in_dim3A_218 = vector.broadcast %jit3A_217 : f32 to vector<16xf32>
    %select_n3A_219 = arith.select %eq3A_216, %broadcast_in_dim3A_218, %mul3A_213 : vector<16xi1>, vector<16xf32>
    %swap3A_220 = arith.constant 32 : index
    %swap3A_221 = tpu.vector_load %arg8[%swap3A_220] {strides = array<i32>} : memref<1040xf32, #tpu.memory_space<vmem>>, vector<16xf32>,
    tpu.vector_store %arg8[%swap3A_220], %select_n3A_219 {strides = array<i32>} : memref<1040xf32, #tpu.memory_space<vmem>>, vector<16xf32>,
    %swap3A_222 = arith.constant 32 : index
    %swap3A_223 = tpu.vector_load %arg9[%swap3A_222] {strides = array<i32>} : memref<1040xf32, #tpu.memory_space<vmem>>, vector<16xf32>,
    tpu.vector_store %arg9[%swap3A_222], %get3A_202 {strides = array<i32>} : memref<1040xf32, #tpu.memory_space<vmem>>, vector<16xf32>,
    %swap3A_224 = arith.constant 97 : index
    %swap3A_225 = tpu.vector_load %arg8[%swap3A_224] {strides = array<i32>} : memref<1040xf32, #tpu.memory_space<vmem>>, vector<16xf32>,
    tpu.vector_store %arg8[%swap3A_224], %select_n3A_219 {strides = array<i32>} : memref<1040xf32, #tpu.memory_space<vmem>>, vector<16xf32>,
    %swap3A_226 = arith.constant 97 : index
    %swap3A_227 = tpu.vector_load %arg9[%swap3A_226] {strides = array<i32>} : memref<1040xf32, #tpu.memory_space<vmem>>, vector<16xf32>,
    tpu.vector_store %arg9[%swap3A_226], %get3A_202 {strides = array<i32>} : memref<1040xf32, #tpu.memory_space<vmem>>, vector<16xf32>,
    %swap3A_228 = arith.constant 162 : index
    %swap3A_229 = tpu.vector_load %arg8[%swap3A_228] {strides = array<i32>} : memref<1040xf32, #tpu.memory_space<vmem>>, vector<16xf32>,
    tpu.vector_store %arg8[%swap3A_228], %select_n3A_219 {strides = array<i32>} : memref<1040xf32, #tpu.memory_space<vmem>>, vector<16xf32>,
    %swap3A_230 = arith.constant 162 : index
    %swap3A_231 = tpu.vector_load %arg9[%swap3A_230] {strides = array<i32>} : memref<1040xf32, #tpu.memory_space<vmem>>, vector<16xf32>,
    tpu.vector_store %arg9[%swap3A_230], %get3A_202 {strides = array<i32>} : memref<1040xf32, #tpu.memory_space<vmem>>, vector<16xf32>,
    %swap3A_232 = arith.constant 227 : index
    %swap3A_233 = tpu.vector_load %arg8[%swap3A_232] {strides = array<i32>} : memref<1040xf32, #tpu.memory_space<vmem>>, vector<16xf32>,
    tpu.vector_store %arg8[%swap3A_232], %select_n3A_219 {strides = array<i32>} : memref<1040xf32, #tpu.memory_space<vmem>>, vector<16xf32>,
    %swap3A_234 = arith.constant 227 : index
    %swap3A_235 = tpu.vector_load %arg9[%swap3A_234] {strides = array<i32>} : memref<1040xf32, #tpu.memory_space<vmem>>, vector<16xf32>,
    tpu.vector_store %arg9[%swap3A_234], %get3A_202 {strides = array<i32>} : memref<1040xf32, #tpu.memory_space<vmem>>, vector<16xf32>,
    %swap3A_236 = arith.constant 292 : index
    %swap3A_237 = tpu.vector_load %arg8[%swap3A_236] {strides = array<i32>} : memref<1040xf32, #tpu.memory_space<vmem>>, vector<16xf32>,
    tpu.vector_store %arg8[%swap3A_236], %select_n3A_219 {strides = array<i32>} : memref<1040xf32, #tpu.memory_space<vmem>>, vector<16xf32>,
    %swap3A_238 = arith.constant 292 : index
    %swap3A_239 = tpu.vector_load %arg9[%swap3A_238] {strides = array<i32>} : memref<1040xf32, #tpu.memory_space<vmem>>, vector<16xf32>,
    tpu.vector_store %arg9[%swap3A_238], %get3A_202 {strides = array<i32>} : memref<1040xf32, #tpu.memory_space<vmem>>, vector<16xf32>,
    %swap3A_240 = arith.constant 357 : index
    %swap3A_241 = tpu.vector_load %arg8[%swap3A_240] {strides = array<i32>} : memref<1040xf32, #tpu.memory_space<vmem>>, vector<16xf32>,
    tpu.vector_store %arg8[%swap3A_240], %select_n3A_219 {strides = array<i32>} : memref<1040xf32, #tpu.memory_space<vmem>>, vector<16xf32>,
    %swap3A_242 = arith.constant 357 : index
    %swap3A_243 = tpu.vector_load %arg9[%swap3A_242] {strides = array<i32>} : memref<1040xf32, #tpu.memory_space<vmem>>, vector<16xf32>,
    tpu.vector_store %arg9[%swap3A_242], %get3A_202 {strides = array<i32>} : memref<1040xf32, #tpu.memory_space<vmem>>, vector<16xf32>,
    %swap3A_244 = arith.constant 422 : index
    %swap3A_245 = tpu.vector_load %arg8[%swap3A_244] {strides = array<i32>} : memref<1040xf32, #tpu.memory_space<vmem>>, vector<16xf32>,
    tpu.vector_store %arg8[%swap3A_244], %select_n3A_219 {strides = array<i32>} : memref<1040xf32, #tpu.memory_space<vmem>>, vector<16xf32>,
    %swap3A_246 = arith.constant 422 : index
    %swap3A_247 = tpu.vector_load %arg9[%swap3A_246] {strides = array<i32>} : memref<1040xf32, #tpu.memory_space<vmem>>, vector<16xf32>,
    tpu.vector_store %arg9[%swap3A_246], %get3A_202 {strides = array<i32>} : memref<1040xf32, #tpu.memory_space<vmem>>, vector<16xf32>,
    %swap3A_248 = arith.constant 487 : index
    %swap3A_249 = tpu.vector_load %arg8[%swap3A_248] {strides = array<i32>} : memref<1040xf32, #tpu.memory_space<vmem>>, vector<16xf32>,
    tpu.vector_store %arg8[%swap3A_248], %select_n3A_219 {strides = array<i32>} : memref<1040xf32, #tpu.memory_space<vmem>>, vector<16xf32>,
    %swap3A_250 = arith.constant 487 : index
    %swap3A_251 = tpu.vector_load %arg9[%swap3A_250] {strides = array<i32>} : memref<1040xf32, #tpu.memory_space<vmem>>, vector<16xf32>,
    tpu.vector_store %arg9[%swap3A_250], %get3A_202 {strides = array<i32>} : memref<1040xf32, #tpu.memory_space<vmem>>, vector<16xf32>,
    %swap3A_252 = arith.constant 552 : index
    %swap3A_253 = tpu.vector_load %arg8[%swap3A_252] {strides = array<i32>} : memref<1040xf32, #tpu.memory_space<vmem>>, vector<16xf32>,
    tpu.vector_store %arg8[%swap3A_252], %select_n3A_219 {strides = array<i32>} : memref<1040xf32, #tpu.memory_space<vmem>>, vector<16xf32>,
    %swap3A_254 = arith.constant 552 : index
    %swap3A_255 = tpu.vector_load %arg9[%swap3A_254] {strides = array<i32>} : memref<1040xf32, #tpu.memory_space<vmem>>, vector<16xf32>,
    tpu.vector_store %arg9[%swap3A_254], %get3A_202 {strides = array<i32>} : memref<1040xf32, #tpu.memory_space<vmem>>, vector<16xf32>,
    %swap3A_256 = arith.constant 617 : index
    %swap3A_257 = tpu.vector_load %arg8[%swap3A_256] {strides = array<i32>} : memref<1040xf32, #tpu.memory_space<vmem>>, vector<16xf32>,
    tpu.vector_store %arg8[%swap3A_256], %select_n3A_219 {strides = array<i32>} : memref<1040xf32, #tpu.memory_space<vmem>>, vector<16xf32>,
    %swap3A_258 = arith.constant 617 : index
    %swap3A_259 = tpu.vector_load %arg9[%swap3A_258] {strides = array<i32>} : memref<1040xf32, #tpu.memory_space<vmem>>, vector<16xf32>,
    tpu.vector_store %arg9[%swap3A_258], %get3A_202 {strides = array<i32>} : memref<1040xf32, #tpu.memory_space<vmem>>, vector<16xf32>,
    %swap3A_260 = arith.constant 682 : index
    %swap3A_261 = tpu.vector_load %arg8[%swap3A_260] {strides = array<i32>} : memref<1040xf32, #tpu.memory_space<vmem>>, vector<16xf32>,
    tpu.vector_store %arg8[%swap3A_260], %select_n3A_219 {strides = array<i32>} : memref<1040xf32, #tpu.memory_space<vmem>>, vector<16xf32>,
    %swap3A_262 = arith.constant 682 : index
    %swap3A_263 = tpu.vector_load %arg9[%swap3A_262] {strides = array<i32>} : memref<1040xf32, #tpu.memory_space<vmem>>, vector<16xf32>,
    tpu.vector_store %arg9[%swap3A_262], %get3A_202 {strides = array<i32>} : memref<1040xf32, #tpu.memory_space<vmem>>, vector<16xf32>,
    %swap3A_264 = arith.constant 747 : index
    %swap3A_265 = tpu.vector_load %arg8[%swap3A_264] {strides = array<i32>} : memref<1040xf32, #tpu.memory_space<vmem>>, vector<16xf32>,
    tpu.vector_store %arg8[%swap3A_264], %select_n3A_219 {strides = array<i32>} : memref<1040xf32, #tpu.memory_space<vmem>>, vector<16xf32>,
    %swap3A_266 = arith.constant 747 : index
    %swap3A_267 = tpu.vector_load %arg9[%swap3A_266] {strides = array<i32>} : memref<1040xf32, #tpu.memory_space<vmem>>, vector<16xf32>,
    tpu.vector_store %arg9[%swap3A_266], %get3A_202 {strides = array<i32>} : memref<1040xf32, #tpu.memory_space<vmem>>, vector<16xf32>,
    %swap3A_268 = arith.constant 812 : index
    %swap3A_269 = tpu.vector_load %arg8[%swap3A_268] {strides = array<i32>} : memref<1040xf32, #tpu.memory_space<vmem>>, vector<16xf32>,
    tpu.vector_store %arg8[%swap3A_268], %select_n3A_219 {strides = array<i32>} : memref<1040xf32, #tpu.memory_space<vmem>>, vector<16xf32>,
    %swap3A_270 = arith.constant 812 : index
    %swap3A_271 = tpu.vector_load %arg9[%swap3A_270] {strides = array<i32>} : memref<1040xf32, #tpu.memory_space<vmem>>, vector<16xf32>,
    tpu.vector_store %arg9[%swap3A_270], %get3A_202 {strides = array<i32>} : memref<1040xf32, #tpu.memory_space<vmem>>, vector<16xf32>,
    %swap3A_272 = arith.constant 877 : index
    %swap3A_273 = tpu.vector_load %arg8[%swap3A_272] {strides = array<i32>} : memref<1040xf32, #tpu.memory_space<vmem>>, vector<16xf32>,
    tpu.vector_store %arg8[%swap3A_272], %select_n3A_219 {strides = array<i32>} : memref<1040xf32, #tpu.memory_space<vmem>>, vector<16xf32>,
    %swap3A_274 = arith.constant 877 : index
    %swap3A_275 = tpu.vector_load %arg9[%swap3A_274] {strides = array<i32>} : memref<1040xf32, #tpu.memory_space<vmem>>, vector<16xf32>,
    tpu.vector_store %arg9[%swap3A_274], %get3A_202 {strides = array<i32>} : memref<1040xf32, #tpu.memory_space<vmem>>, vector<16xf32>,
    %swap3A_276 = arith.constant 942 : index
    %swap3A_277 = tpu.vector_load %arg8[%swap3A_276] {strides = array<i32>} : memref<1040xf32, #tpu.memory_space<vmem>>, vector<16xf32>,
    tpu.vector_store %arg8[%swap3A_276], %select_n3A_219 {strides = array<i32>} : memref<1040xf32, #tpu.memory_space<vmem>>, vector<16xf32>,
    %swap3A_278 = arith.constant 942 : index
    %swap3A_279 = tpu.vector_load %arg9[%swap3A_278] {strides = array<i32>} : memref<1040xf32, #tpu.memory_space<vmem>>, vector<16xf32>,
    tpu.vector_store %arg9[%swap3A_278], %get3A_202 {strides = array<i32>} : memref<1040xf32, #tpu.memory_space<vmem>>, vector<16xf32>,
    %swap3A_280 = arith.constant 1007 : index
    %swap3A_281 = tpu.vector_load %arg8[%swap3A_280] {strides = array<i32>} : memref<1040xf32, #tpu.memory_space<vmem>>, vector<16xf32>,
    tpu.vector_store %arg8[%swap3A_280], %select_n3A_219 {strides = array<i32>} : memref<1040xf32, #tpu.memory_space<vmem>>, vector<16xf32>,
    %swap3A_282 = arith.constant 1007 : index
    %swap3A_283 = tpu.vector_load %arg9[%swap3A_282] {strides = array<i32>} : memref<1040xf32, #tpu.memory_space<vmem>>, vector<16xf32>,
    tpu.vector_store %arg9[%swap3A_282], %get3A_202 {strides = array<i32>} : memref<1040xf32, #tpu.memory_space<vmem>>, vector<16xf32>,
    %add3A_284 = arith.constant 48 : i32
    %add3A_285 = vector.broadcast %add3A_284 : i32 to vector<16xi32>
    %add3A_286 = arith.addi %iota3A, %add3A_285 : vector<16xi32>
    %get3A_287 = arith.constant 48 : index
    %get3A_288 = tpu.vector_load %arg7[%get3A_287] {strides = array<i32>} : memref<64xf32, #tpu.memory_space<vmem>>, vector<16xf32>,
    %add3A_289 = arith.constant 1 : i32
    %add3A_290 = vector.broadcast %add3A_289 : i32 to vector<16xi32>
    %add3A_291 = arith.addi %add3A_286, %add3A_290 : vector<16xi32>
    %min3A_292 = arith.constant 63 : i32
    %min3A_293 = vector.broadcast %min3A_292 : i32 to vector<16xi32>
    %min3A_294 = arith.minsi %add3A_291, %min3A_293 : vector<16xi32>
    %gather3A_295 = tpu.vector_load_idx %arg7[%min3A_294] : memref<64xf32, #tpu.memory_space<vmem>>[vector<16xi32>], vector<16xf32>,
    %add3A_296 = arith.addf %get3A_288, %gather3A_295 : vector<16xf32>
    %mul3A_297 = arith.constant 5.000000e-01 : f32
    %mul3A_298 = vector.broadcast %mul3A_297 : f32 to vector<16xf32>
    %mul3A_299 = arith.mulf %add3A_296, %mul3A_298 : vector<16xf32>
    %eq3A_300 = arith.constant 63 : i32
    %eq3A_301 = vector.broadcast %eq3A_300 : i32 to vector<16xi32>
    %eq3A_302 = arith.cmpi eq, %add3A_286, %eq3A_301 : vector<16xi32>
    %jit3A_303 = arith.constant 0x7F800000 : f32
    %broadcast_in_dim3A_304 = vector.broadcast %jit3A_303 : f32 to vector<16xf32>
    %select_n3A_305 = arith.select %eq3A_302, %broadcast_in_dim3A_304, %mul3A_299 : vector<16xi1>, vector<16xf32>
    %swap3A_306 = arith.constant 48 : index
    %swap3A_307 = tpu.vector_load %arg8[%swap3A_306] {strides = array<i32>} : memref<1040xf32, #tpu.memory_space<vmem>>, vector<16xf32>,
    tpu.vector_store %arg8[%swap3A_306], %select_n3A_305 {strides = array<i32>} : memref<1040xf32, #tpu.memory_space<vmem>>, vector<16xf32>,
    %swap3A_308 = arith.constant 48 : index
    %swap3A_309 = tpu.vector_load %arg9[%swap3A_308] {strides = array<i32>} : memref<1040xf32, #tpu.memory_space<vmem>>, vector<16xf32>,
    tpu.vector_store %arg9[%swap3A_308], %get3A_288 {strides = array<i32>} : memref<1040xf32, #tpu.memory_space<vmem>>, vector<16xf32>,
    %swap3A_310 = arith.constant 113 : index
    %swap3A_311 = tpu.vector_load %arg8[%swap3A_310] {strides = array<i32>} : memref<1040xf32, #tpu.memory_space<vmem>>, vector<16xf32>,
    tpu.vector_store %arg8[%swap3A_310], %select_n3A_305 {strides = array<i32>} : memref<1040xf32, #tpu.memory_space<vmem>>, vector<16xf32>,
    %swap3A_312 = arith.constant 113 : index
    %swap3A_313 = tpu.vector_load %arg9[%swap3A_312] {strides = array<i32>} : memref<1040xf32, #tpu.memory_space<vmem>>, vector<16xf32>,
    tpu.vector_store %arg9[%swap3A_312], %get3A_288 {strides = array<i32>} : memref<1040xf32, #tpu.memory_space<vmem>>, vector<16xf32>,
    %swap3A_314 = arith.constant 178 : index
    %swap3A_315 = tpu.vector_load %arg8[%swap3A_314] {strides = array<i32>} : memref<1040xf32, #tpu.memory_space<vmem>>, vector<16xf32>,
    tpu.vector_store %arg8[%swap3A_314], %select_n3A_305 {strides = array<i32>} : memref<1040xf32, #tpu.memory_space<vmem>>, vector<16xf32>,
    %swap3A_316 = arith.constant 178 : index
    %swap3A_317 = tpu.vector_load %arg9[%swap3A_316] {strides = array<i32>} : memref<1040xf32, #tpu.memory_space<vmem>>, vector<16xf32>,
    tpu.vector_store %arg9[%swap3A_316], %get3A_288 {strides = array<i32>} : memref<1040xf32, #tpu.memory_space<vmem>>, vector<16xf32>,
    %swap3A_318 = arith.constant 243 : index
    %swap3A_319 = tpu.vector_load %arg8[%swap3A_318] {strides = array<i32>} : memref<1040xf32, #tpu.memory_space<vmem>>, vector<16xf32>,
    tpu.vector_store %arg8[%swap3A_318], %select_n3A_305 {strides = array<i32>} : memref<1040xf32, #tpu.memory_space<vmem>>, vector<16xf32>,
    %swap3A_320 = arith.constant 243 : index
    %swap3A_321 = tpu.vector_load %arg9[%swap3A_320] {strides = array<i32>} : memref<1040xf32, #tpu.memory_space<vmem>>, vector<16xf32>,
    tpu.vector_store %arg9[%swap3A_320], %get3A_288 {strides = array<i32>} : memref<1040xf32, #tpu.memory_space<vmem>>, vector<16xf32>,
    %swap3A_322 = arith.constant 308 : index
    %swap3A_323 = tpu.vector_load %arg8[%swap3A_322] {strides = array<i32>} : memref<1040xf32, #tpu.memory_space<vmem>>, vector<16xf32>,
    tpu.vector_store %arg8[%swap3A_322], %select_n3A_305 {strides = array<i32>} : memref<1040xf32, #tpu.memory_space<vmem>>, vector<16xf32>,
    %swap3A_324 = arith.constant 308 : index
    %swap3A_325 = tpu.vector_load %arg9[%swap3A_324] {strides = array<i32>} : memref<1040xf32, #tpu.memory_space<vmem>>, vector<16xf32>,
    tpu.vector_store %arg9[%swap3A_324], %get3A_288 {strides = array<i32>} : memref<1040xf32, #tpu.memory_space<vmem>>, vector<16xf32>,
    %swap3A_326 = arith.constant 373 : index
    %swap3A_327 = tpu.vector_load %arg8[%swap3A_326] {strides = array<i32>} : memref<1040xf32, #tpu.memory_space<vmem>>, vector<16xf32>,
    tpu.vector_store %arg8[%swap3A_326], %select_n3A_305 {strides = array<i32>} : memref<1040xf32, #tpu.memory_space<vmem>>, vector<16xf32>,
    %swap3A_328 = arith.constant 373 : index
    %swap3A_329 = tpu.vector_load %arg9[%swap3A_328] {strides = array<i32>} : memref<1040xf32, #tpu.memory_space<vmem>>, vector<16xf32>,
    tpu.vector_store %arg9[%swap3A_328], %get3A_288 {strides = array<i32>} : memref<1040xf32, #tpu.memory_space<vmem>>, vector<16xf32>,
    %swap3A_330 = arith.constant 438 : index
    %swap3A_331 = tpu.vector_load %arg8[%swap3A_330] {strides = array<i32>} : memref<1040xf32, #tpu.memory_space<vmem>>, vector<16xf32>,
    tpu.vector_store %arg8[%swap3A_330], %select_n3A_305 {strides = array<i32>} : memref<1040xf32, #tpu.memory_space<vmem>>, vector<16xf32>,
    %swap3A_332 = arith.constant 438 : index
    %swap3A_333 = tpu.vector_load %arg9[%swap3A_332] {strides = array<i32>} : memref<1040xf32, #tpu.memory_space<vmem>>, vector<16xf32>,
    tpu.vector_store %arg9[%swap3A_332], %get3A_288 {strides = array<i32>} : memref<1040xf32, #tpu.memory_space<vmem>>, vector<16xf32>,
    %swap3A_334 = arith.constant 503 : index
    %swap3A_335 = tpu.vector_load %arg8[%swap3A_334] {strides = array<i32>} : memref<1040xf32, #tpu.memory_space<vmem>>, vector<16xf32>,
    tpu.vector_store %arg8[%swap3A_334], %select_n3A_305 {strides = array<i32>} : memref<1040xf32, #tpu.memory_space<vmem>>, vector<16xf32>,
    %swap3A_336 = arith.constant 503 : index
    %swap3A_337 = tpu.vector_load %arg9[%swap3A_336] {strides = array<i32>} : memref<1040xf32, #tpu.memory_space<vmem>>, vector<16xf32>,
    tpu.vector_store %arg9[%swap3A_336], %get3A_288 {strides = array<i32>} : memref<1040xf32, #tpu.memory_space<vmem>>, vector<16xf32>,
    %swap3A_338 = arith.constant 568 : index
    %swap3A_339 = tpu.vector_load %arg8[%swap3A_338] {strides = array<i32>} : memref<1040xf32, #tpu.memory_space<vmem>>, vector<16xf32>,
    tpu.vector_store %arg8[%swap3A_338], %select_n3A_305 {strides = array<i32>} : memref<1040xf32, #tpu.memory_space<vmem>>, vector<16xf32>,
    %swap3A_340 = arith.constant 568 : index
    %swap3A_341 = tpu.vector_load %arg9[%swap3A_340] {strides = array<i32>} : memref<1040xf32, #tpu.memory_space<vmem>>, vector<16xf32>,
    tpu.vector_store %arg9[%swap3A_340], %get3A_288 {strides = array<i32>} : memref<1040xf32, #tpu.memory_space<vmem>>, vector<16xf32>,
    %swap3A_342 = arith.constant 633 : index
    %swap3A_343 = tpu.vector_load %arg8[%swap3A_342] {strides = array<i32>} : memref<1040xf32, #tpu.memory_space<vmem>>, vector<16xf32>,
    tpu.vector_store %arg8[%swap3A_342], %select_n3A_305 {strides = array<i32>} : memref<1040xf32, #tpu.memory_space<vmem>>, vector<16xf32>,
    %swap3A_344 = arith.constant 633 : index
    %swap3A_345 = tpu.vector_load %arg9[%swap3A_344] {strides = array<i32>} : memref<1040xf32, #tpu.memory_space<vmem>>, vector<16xf32>,
    tpu.vector_store %arg9[%swap3A_344], %get3A_288 {strides = array<i32>} : memref<1040xf32, #tpu.memory_space<vmem>>, vector<16xf32>,
    %swap3A_346 = arith.constant 698 : index
    %swap3A_347 = tpu.vector_load %arg8[%swap3A_346] {strides = array<i32>} : memref<1040xf32, #tpu.memory_space<vmem>>, vector<16xf32>,
    tpu.vector_store %arg8[%swap3A_346], %select_n3A_305 {strides = array<i32>} : memref<1040xf32, #tpu.memory_space<vmem>>, vector<16xf32>,
    %swap3A_348 = arith.constant 698 : index
    %swap3A_349 = tpu.vector_load %arg9[%swap3A_348] {strides = array<i32>} : memref<1040xf32, #tpu.memory_space<vmem>>, vector<16xf32>,
    tpu.vector_store %arg9[%swap3A_348], %get3A_288 {strides = array<i32>} : memref<1040xf32, #tpu.memory_space<vmem>>, vector<16xf32>,
    %swap3A_350 = arith.constant 763 : index
    %swap3A_351 = tpu.vector_load %arg8[%swap3A_350] {strides = array<i32>} : memref<1040xf32, #tpu.memory_space<vmem>>, vector<16xf32>,
    tpu.vector_store %arg8[%swap3A_350], %select_n3A_305 {strides = array<i32>} : memref<1040xf32, #tpu.memory_space<vmem>>, vector<16xf32>,
    %swap3A_352 = arith.constant 763 : index
    %swap3A_353 = tpu.vector_load %arg9[%swap3A_352] {strides = array<i32>} : memref<1040xf32, #tpu.memory_space<vmem>>, vector<16xf32>,
    tpu.vector_store %arg9[%swap3A_352], %get3A_288 {strides = array<i32>} : memref<1040xf32, #tpu.memory_space<vmem>>, vector<16xf32>,
    %swap3A_354 = arith.constant 828 : index
    %swap3A_355 = tpu.vector_load %arg8[%swap3A_354] {strides = array<i32>} : memref<1040xf32, #tpu.memory_space<vmem>>, vector<16xf32>,
    tpu.vector_store %arg8[%swap3A_354], %select_n3A_305 {strides = array<i32>} : memref<1040xf32, #tpu.memory_space<vmem>>, vector<16xf32>,
    %swap3A_356 = arith.constant 828 : index
    %swap3A_357 = tpu.vector_load %arg9[%swap3A_356] {strides = array<i32>} : memref<1040xf32, #tpu.memory_space<vmem>>, vector<16xf32>,
    tpu.vector_store %arg9[%swap3A_356], %get3A_288 {strides = array<i32>} : memref<1040xf32, #tpu.memory_space<vmem>>, vector<16xf32>,
    %swap3A_358 = arith.constant 893 : index
    %swap3A_359 = tpu.vector_load %arg8[%swap3A_358] {strides = array<i32>} : memref<1040xf32, #tpu.memory_space<vmem>>, vector<16xf32>,
    tpu.vector_store %arg8[%swap3A_358], %select_n3A_305 {strides = array<i32>} : memref<1040xf32, #tpu.memory_space<vmem>>, vector<16xf32>,
    %swap3A_360 = arith.constant 893 : index
    %swap3A_361 = tpu.vector_load %arg9[%swap3A_360] {strides = array<i32>} : memref<1040xf32, #tpu.memory_space<vmem>>, vector<16xf32>,
    tpu.vector_store %arg9[%swap3A_360], %get3A_288 {strides = array<i32>} : memref<1040xf32, #tpu.memory_space<vmem>>, vector<16xf32>,
    %swap3A_362 = arith.constant 958 : index
    %swap3A_363 = tpu.vector_load %arg8[%swap3A_362] {strides = array<i32>} : memref<1040xf32, #tpu.memory_space<vmem>>, vector<16xf32>,
    tpu.vector_store %arg8[%swap3A_362], %select_n3A_305 {strides = array<i32>} : memref<1040xf32, #tpu.memory_space<vmem>>, vector<16xf32>,
    %swap3A_364 = arith.constant 958 : index
    %swap3A_365 = tpu.vector_load %arg9[%swap3A_364] {strides = array<i32>} : memref<1040xf32, #tpu.memory_space<vmem>>, vector<16xf32>,
    tpu.vector_store %arg9[%swap3A_364], %get3A_288 {strides = array<i32>} : memref<1040xf32, #tpu.memory_space<vmem>>, vector<16xf32>,
    %swap3A_366 = arith.constant 1023 : index
    %swap3A_367 = tpu.vector_load %arg8[%swap3A_366] {strides = array<i32>} : memref<1040xf32, #tpu.memory_space<vmem>>, vector<16xf32>,
    tpu.vector_store %arg8[%swap3A_366], %select_n3A_305 {strides = array<i32>} : memref<1040xf32, #tpu.memory_space<vmem>>, vector<16xf32>,
    %swap3A_368 = arith.constant 1023 : index
    %swap3A_369 = tpu.vector_load %arg9[%swap3A_368] {strides = array<i32>} : memref<1040xf32, #tpu.memory_space<vmem>>, vector<16xf32>,
    tpu.vector_store %arg9[%swap3A_368], %get3A_288 {strides = array<i32>} : memref<1040xf32, #tpu.memory_space<vmem>>, vector<16xf32>,
    %mul3A_370 = arith.constant 65 : i32
    %mul3A_371 = vector.broadcast %mul3A_370 : i32 to vector<16xi32>
    %mul3A_372 = arith.muli %iota3A, %mul3A_371 : vector<16xi32>
    %add3A_373 = arith.constant 32 : i32
    %add3A_374 = vector.broadcast %add3A_373 : i32 to vector<16xi32>
    %add3A_375 = arith.addi %mul3A_372, %add3A_374 : vector<16xi32>
    %add3A_376 = arith.constant 31 : i32
    %add3A_377 = vector.broadcast %add3A_376 : i32 to vector<16xi32>
    %add3A_378 = arith.addi %mul3A_372, %add3A_377 : vector<16xi32>
    %gather3A_379 = tpu.vector_load_idx %arg8[%add3A_378] : memref<1040xf32, #tpu.memory_space<vmem>>[vector<16xi32>], vector<16xf32>,
    %add3A_380 = arith.constant 15 : i32
    %add3A_381 = vector.broadcast %add3A_380 : i32 to vector<16xi32>
    %add3A_382 = arith.addi %mul3A_372, %add3A_381 : vector<16xi32>
    %gather3A_383 = tpu.vector_load_idx %arg8[%add3A_382] : memref<1040xf32, #tpu.memory_space<vmem>>[vector<16xi32>], vector<16xf32>,
    %add3A_384 = arith.constant 47 : i32
    %add3A_385 = vector.broadcast %add3A_384 : i32 to vector<16xi32>
    %add3A_386 = arith.addi %mul3A_372, %add3A_385 : vector<16xi32>
    %gather3A_387 = tpu.vector_load_idx %arg8[%add3A_386] : memref<1040xf32, #tpu.memory_space<vmem>>[vector<16xi32>], vector<16xf32>,
    %dma_wait3A = arith.constant 0 : i32
    %dma_wait3A_388 = tpu.memref_slice %arg5[%dma_wait3A] : memref<32000xf32, #tpu.memory_space<vmem>> -> memref<8000xf32, #tpu.memory_space<vmem>>
    %dma_wait3A_389 = tpu.memref_slice %arg2[%add3A_4] : memref<1024000xf32, #tpu.memory_space<hbm>> -> memref<8000xf32, #tpu.memory_space<hbm>>
    %dma_wait3A_390 = arith.constant 0 : i32
    %dma_wait3A_391 = tpu.memref_slice %arg5[%dma_wait3A_390] : memref<32000xf32, #tpu.memory_space<vmem>> -> memref<8000xf32, #tpu.memory_space<vmem>>
    %dma_wait3A_392 = tpu.memref_slice %arg2[%add3A_4] : memref<1024000xf32, #tpu.memory_space<hbm>> -> memref<8000xf32, #tpu.memory_space<hbm>>
    tpu.wait_dma2 semaphore(%arg10 : memref<!tpu.dma_semaphore, #tpu.memory_space<semaphore_mem>>) src(%dma_wait3A_392 : memref<8000xf32, #tpu.memory_space<hbm>>) dst(%dma_wait3A_391 : memref<8000xf32, #tpu.memory_space<vmem>>)
    %parallel_loop3A = arith.constant 0 : i32
    %parallel_loop3A_393 = arith.constant 500 : i32
    %parallel_loop3A_394 = arith.constant 1 : i32
    scf.for %parallel_loop3A_478 = %parallel_loop3A to %parallel_loop3A_393 step %parallel_loop3A_394  : i32 {
      %parallel_loop3A_479 = arith.constant 16 : i32
      %parallel_loop3A_480 = arith.muli %parallel_loop3A_478, %parallel_loop3A_479 : i32
      %parallel_loop3A_481 = arith.index_cast %parallel_loop3A_480 : i32 to index
      %parallel_loop3A_482 = tpu.vector_load %arg5[%parallel_loop3A_481] {strides = array<i32>} : memref<32000xf32, #tpu.memory_space<vmem>>, vector<16xf32>,
      %parallel_loop3A_483 = arith.cmpf olt, %gather3A_379, %parallel_loop3A_482 : vector<16xf32>
      %parallel_loop3A_484 = arith.select %parallel_loop3A_483, %add3A_375, %mul3A_372 : vector<16xi1>, vector<16xi32>
      %parallel_loop3A_485 = arith.select %parallel_loop3A_483, %gather3A_387, %gather3A_383 : vector<16xi1>, vector<16xf32>
      %parallel_loop3A_486 = arith.cmpf olt, %parallel_loop3A_485, %parallel_loop3A_482 : vector<16xf32>
      %parallel_loop3A_487 = arith.constant 16 : i32
      %parallel_loop3A_488 = vector.broadcast %parallel_loop3A_487 : i32 to vector<16xi32>
      %parallel_loop3A_489 = arith.addi %parallel_loop3A_484, %parallel_loop3A_488 : vector<16xi32>
      %parallel_loop3A_490 = arith.select %parallel_loop3A_486, %parallel_loop3A_489, %parallel_loop3A_484 : vector<16xi1>, vector<16xi32>
      %parallel_loop3A_491 = arith.constant 7 : i32
      %parallel_loop3A_492 = vector.broadcast %parallel_loop3A_491 : i32 to vector<16xi32>
      %parallel_loop3A_493 = arith.addi %parallel_loop3A_490, %parallel_loop3A_492 : vector<16xi32>
      %parallel_loop3A_494 = tpu.vector_load_idx %arg8[%parallel_loop3A_493] : memref<1040xf32, #tpu.memory_space<vmem>>[vector<16xi32>], vector<16xf32>,
      %parallel_loop3A_495 = arith.cmpf olt, %parallel_loop3A_494, %parallel_loop3A_482 : vector<16xf32>
      %parallel_loop3A_496 = arith.constant 8 : i32
      %parallel_loop3A_497 = vector.broadcast %parallel_loop3A_496 : i32 to vector<16xi32>
      %parallel_loop3A_498 = arith.addi %parallel_loop3A_490, %parallel_loop3A_497 : vector<16xi32>
      %parallel_loop3A_499 = arith.select %parallel_loop3A_495, %parallel_loop3A_498, %parallel_loop3A_490 : vector<16xi1>, vector<16xi32>
      %parallel_loop3A_500 = arith.constant 3 : i32
      %parallel_loop3A_501 = vector.broadcast %parallel_loop3A_500 : i32 to vector<16xi32>
      %parallel_loop3A_502 = arith.addi %parallel_loop3A_499, %parallel_loop3A_501 : vector<16xi32>
      %parallel_loop3A_503 = tpu.vector_load_idx %arg8[%parallel_loop3A_502] : memref<1040xf32, #tpu.memory_space<vmem>>[vector<16xi32>], vector<16xf32>,
      %parallel_loop3A_504 = arith.cmpf olt, %parallel_loop3A_503, %parallel_loop3A_482 : vector<16xf32>
      %parallel_loop3A_505 = arith.constant 4 : i32
      %parallel_loop3A_506 = vector.broadcast %parallel_loop3A_505 : i32 to vector<16xi32>
      %parallel_loop3A_507 = arith.addi %parallel_loop3A_499, %parallel_loop3A_506 : vector<16xi32>
      %parallel_loop3A_508 = arith.select %parallel_loop3A_504, %parallel_loop3A_507, %parallel_loop3A_499 : vector<16xi1>, vector<16xi32>
      %parallel_loop3A_509 = arith.constant 1 : i32
      %parallel_loop3A_510 = vector.broadcast %parallel_loop3A_509 : i32 to vector<16xi32>
      %parallel_loop3A_511 = arith.addi %parallel_loop3A_508, %parallel_loop3A_510 : vector<16xi32>
      %parallel_loop3A_512 = tpu.vector_load_idx %arg8[%parallel_loop3A_511] : memref<1040xf32, #tpu.memory_space<vmem>>[vector<16xi32>], vector<16xf32>,
      %parallel_loop3A_513 = arith.cmpf olt, %parallel_loop3A_512, %parallel_loop3A_482 : vector<16xf32>
      %parallel_loop3A_514 = arith.constant 2 : i32
      %parallel_loop3A_515 = vector.broadcast %parallel_loop3A_514 : i32 to vector<16xi32>
      %parallel_loop3A_516 = arith.addi %parallel_loop3A_508, %parallel_loop3A_515 : vector<16xi32>
      %parallel_loop3A_517 = arith.select %parallel_loop3A_513, %parallel_loop3A_516, %parallel_loop3A_508 : vector<16xi1>, vector<16xi32>
      %parallel_loop3A_518 = arith.constant 0 : i32
      %parallel_loop3A_519 = vector.broadcast %parallel_loop3A_518 : i32 to vector<16xi32>
      %parallel_loop3A_520 = arith.addi %parallel_loop3A_517, %parallel_loop3A_519 : vector<16xi32>
      %parallel_loop3A_521 = tpu.vector_load_idx %arg8[%parallel_loop3A_520] : memref<1040xf32, #tpu.memory_space<vmem>>[vector<16xi32>], vector<16xf32>,
      %parallel_loop3A_522 = arith.cmpf olt, %parallel_loop3A_521, %parallel_loop3A_482 : vector<16xf32>
      %parallel_loop3A_523 = arith.constant 1 : i32
      %parallel_loop3A_524 = vector.broadcast %parallel_loop3A_523 : i32 to vector<16xi32>
      %parallel_loop3A_525 = arith.addi %parallel_loop3A_517, %parallel_loop3A_524 : vector<16xi32>
      %parallel_loop3A_526 = arith.select %parallel_loop3A_522, %parallel_loop3A_525, %parallel_loop3A_517 : vector<16xi1>, vector<16xi32>
      %parallel_loop3A_527 = tpu.vector_load_idx %arg9[%parallel_loop3A_526] : memref<1040xf32, #tpu.memory_space<vmem>>[vector<16xi32>], vector<16xf32>,
      %parallel_loop3A_528 = arith.index_cast %parallel_loop3A_480 : i32 to index
      %parallel_loop3A_529 = tpu.vector_load %arg6[%parallel_loop3A_528] {strides = array<i32>} : memref<32000xf32, #tpu.memory_space<vmem>>, vector<16xf32>,
      tpu.vector_store %arg6[%parallel_loop3A_528], %parallel_loop3A_527 {strides = array<i32>} : memref<32000xf32, #tpu.memory_space<vmem>>, vector<16xf32>,
    } {sc.loop_unroll_factor = 10 : i64, sc.parallel_access}
    %add3A_395 = arith.constant 0 : i32
    %add3A_396 = arith.addi %mul3A_2, %add3A_395 : i32
    %dma_start3A_397 = arith.constant 0 : i32
    %dma_start3A_398 = tpu.memref_slice %arg6[%dma_start3A_397] : memref<32000xf32, #tpu.memory_space<vmem>> -> memref<8000xf32, #tpu.memory_space<vmem>>
    %dma_start3A_399 = tpu.memref_slice %arg4[%add3A_396] : memref<1024000xf32, #tpu.memory_space<hbm>> -> memref<8000xf32, #tpu.memory_space<hbm>>
    %dma_start3A_400 = tpu.memref_slice %arg4[%add3A_396] : memref<1024000xf32, #tpu.memory_space<hbm>> -> memref<8000xf32, #tpu.memory_space<hbm>>
    %dma_start3A_401 = arith.constant 0 : i32
    %dma_start3A_402 = tpu.memref_slice %arg6[%dma_start3A_401] : memref<32000xf32, #tpu.memory_space<vmem>> -> memref<8000xf32, #tpu.memory_space<vmem>>
    tpu.enqueue_dma source(%dma_start3A_402 : memref<8000xf32, #tpu.memory_space<vmem>>) target(%dma_start3A_400 : memref<8000xf32, #tpu.memory_space<hbm>>) target_semaphore(%arg14 : memref<!tpu.dma_semaphore, #tpu.memory_space<semaphore_mem>>)
    %dma_wait3A_403 = arith.constant 8000 : i32
    %dma_wait3A_404 = tpu.memref_slice %arg5[%dma_wait3A_403] : memref<32000xf32, #tpu.memory_space<vmem>> -> memref<8000xf32, #tpu.memory_space<vmem>>
    %dma_wait3A_405 = tpu.memref_slice %arg2[%add3A_11] : memref<1024000xf32, #tpu.memory_space<hbm>> -> memref<8000xf32, #tpu.memory_space<hbm>>
    %dma_wait3A_406 = arith.constant 8000 : i32
    %dma_wait3A_407 = tpu.memref_slice %arg5[%dma_wait3A_406] : memref<32000xf32, #tpu.memory_space<vmem>> -> memref<8000xf32, #tpu.memory_space<vmem>>
    %dma_wait3A_408 = tpu.memref_slice %arg2[%add3A_11] : memref<1024000xf32, #tpu.memory_space<hbm>> -> memref<8000xf32, #tpu.memory_space<hbm>>
    tpu.wait_dma2 semaphore(%arg11 : memref<!tpu.dma_semaphore, #tpu.memory_space<semaphore_mem>>) src(%dma_wait3A_408 : memref<8000xf32, #tpu.memory_space<hbm>>) dst(%dma_wait3A_407 : memref<8000xf32, #tpu.memory_space<vmem>>)
    %parallel_loop3A_409 = arith.constant 500 : i32
    %parallel_loop3A_410 = arith.constant 1000 : i32
    %parallel_loop3A_411 = arith.constant 1 : i32
    scf.for %parallel_loop3A_478 = %parallel_loop3A_409 to %parallel_loop3A_410 step %parallel_loop3A_411  : i32 {
      %parallel_loop3A_479 = arith.constant 16 : i32
      %parallel_loop3A_480 = arith.muli %parallel_loop3A_478, %parallel_loop3A_479 : i32
      %parallel_loop3A_481 = arith.index_cast %parallel_loop3A_480 : i32 to index
      %parallel_loop3A_482 = tpu.vector_load %arg5[%parallel_loop3A_481] {strides = array<i32>} : memref<32000xf32, #tpu.memory_space<vmem>>, vector<16xf32>,
      %parallel_loop3A_483 = arith.cmpf olt, %gather3A_379, %parallel_loop3A_482 : vector<16xf32>
      %parallel_loop3A_484 = arith.select %parallel_loop3A_483, %add3A_375, %mul3A_372 : vector<16xi1>, vector<16xi32>
      %parallel_loop3A_485 = arith.select %parallel_loop3A_483, %gather3A_387, %gather3A_383 : vector<16xi1>, vector<16xf32>
      %parallel_loop3A_486 = arith.cmpf olt, %parallel_loop3A_485, %parallel_loop3A_482 : vector<16xf32>
      %parallel_loop3A_487 = arith.constant 16 : i32
      %parallel_loop3A_488 = vector.broadcast %parallel_loop3A_487 : i32 to vector<16xi32>
      %parallel_loop3A_489 = arith.addi %parallel_loop3A_484, %parallel_loop3A_488 : vector<16xi32>
      %parallel_loop3A_490 = arith.select %parallel_loop3A_486, %parallel_loop3A_489, %parallel_loop3A_484 : vector<16xi1>, vector<16xi32>
      %parallel_loop3A_491 = arith.constant 7 : i32
      %parallel_loop3A_492 = vector.broadcast %parallel_loop3A_491 : i32 to vector<16xi32>
      %parallel_loop3A_493 = arith.addi %parallel_loop3A_490, %parallel_loop3A_492 : vector<16xi32>
      %parallel_loop3A_494 = tpu.vector_load_idx %arg8[%parallel_loop3A_493] : memref<1040xf32, #tpu.memory_space<vmem>>[vector<16xi32>], vector<16xf32>,
      %parallel_loop3A_495 = arith.cmpf olt, %parallel_loop3A_494, %parallel_loop3A_482 : vector<16xf32>
      %parallel_loop3A_496 = arith.constant 8 : i32
      %parallel_loop3A_497 = vector.broadcast %parallel_loop3A_496 : i32 to vector<16xi32>
      %parallel_loop3A_498 = arith.addi %parallel_loop3A_490, %parallel_loop3A_497 : vector<16xi32>
      %parallel_loop3A_499 = arith.select %parallel_loop3A_495, %parallel_loop3A_498, %parallel_loop3A_490 : vector<16xi1>, vector<16xi32>
      %parallel_loop3A_500 = arith.constant 3 : i32
      %parallel_loop3A_501 = vector.broadcast %parallel_loop3A_500 : i32 to vector<16xi32>
      %parallel_loop3A_502 = arith.addi %parallel_loop3A_499, %parallel_loop3A_501 : vector<16xi32>
      %parallel_loop3A_503 = tpu.vector_load_idx %arg8[%parallel_loop3A_502] : memref<1040xf32, #tpu.memory_space<vmem>>[vector<16xi32>], vector<16xf32>,
      %parallel_loop3A_504 = arith.cmpf olt, %parallel_loop3A_503, %parallel_loop3A_482 : vector<16xf32>
      %parallel_loop3A_505 = arith.constant 4 : i32
      %parallel_loop3A_506 = vector.broadcast %parallel_loop3A_505 : i32 to vector<16xi32>
      %parallel_loop3A_507 = arith.addi %parallel_loop3A_499, %parallel_loop3A_506 : vector<16xi32>
      %parallel_loop3A_508 = arith.select %parallel_loop3A_504, %parallel_loop3A_507, %parallel_loop3A_499 : vector<16xi1>, vector<16xi32>
      %parallel_loop3A_509 = arith.constant 1 : i32
      %parallel_loop3A_510 = vector.broadcast %parallel_loop3A_509 : i32 to vector<16xi32>
      %parallel_loop3A_511 = arith.addi %parallel_loop3A_508, %parallel_loop3A_510 : vector<16xi32>
      %parallel_loop3A_512 = tpu.vector_load_idx %arg8[%parallel_loop3A_511] : memref<1040xf32, #tpu.memory_space<vmem>>[vector<16xi32>], vector<16xf32>,
      %parallel_loop3A_513 = arith.cmpf olt, %parallel_loop3A_512, %parallel_loop3A_482 : vector<16xf32>
      %parallel_loop3A_514 = arith.constant 2 : i32
      %parallel_loop3A_515 = vector.broadcast %parallel_loop3A_514 : i32 to vector<16xi32>
      %parallel_loop3A_516 = arith.addi %parallel_loop3A_508, %parallel_loop3A_515 : vector<16xi32>
      %parallel_loop3A_517 = arith.select %parallel_loop3A_513, %parallel_loop3A_516, %parallel_loop3A_508 : vector<16xi1>, vector<16xi32>
      %parallel_loop3A_518 = arith.constant 0 : i32
      %parallel_loop3A_519 = vector.broadcast %parallel_loop3A_518 : i32 to vector<16xi32>
      %parallel_loop3A_520 = arith.addi %parallel_loop3A_517, %parallel_loop3A_519 : vector<16xi32>
      %parallel_loop3A_521 = tpu.vector_load_idx %arg8[%parallel_loop3A_520] : memref<1040xf32, #tpu.memory_space<vmem>>[vector<16xi32>], vector<16xf32>,
      %parallel_loop3A_522 = arith.cmpf olt, %parallel_loop3A_521, %parallel_loop3A_482 : vector<16xf32>
      %parallel_loop3A_523 = arith.constant 1 : i32
      %parallel_loop3A_524 = vector.broadcast %parallel_loop3A_523 : i32 to vector<16xi32>
      %parallel_loop3A_525 = arith.addi %parallel_loop3A_517, %parallel_loop3A_524 : vector<16xi32>
      %parallel_loop3A_526 = arith.select %parallel_loop3A_522, %parallel_loop3A_525, %parallel_loop3A_517 : vector<16xi1>, vector<16xi32>
      %parallel_loop3A_527 = tpu.vector_load_idx %arg9[%parallel_loop3A_526] : memref<1040xf32, #tpu.memory_space<vmem>>[vector<16xi32>], vector<16xf32>,
      %parallel_loop3A_528 = arith.index_cast %parallel_loop3A_480 : i32 to index
      %parallel_loop3A_529 = tpu.vector_load %arg6[%parallel_loop3A_528] {strides = array<i32>} : memref<32000xf32, #tpu.memory_space<vmem>>, vector<16xf32>,
      tpu.vector_store %arg6[%parallel_loop3A_528], %parallel_loop3A_527 {strides = array<i32>} : memref<32000xf32, #tpu.memory_space<vmem>>, vector<16xf32>,
    } {sc.loop_unroll_factor = 10 : i64, sc.parallel_access}
    %add3A_412 = arith.constant 8000 : i32
    %add3A_413 = arith.addi %mul3A_2, %add3A_412 : i32
    %dma_start3A_414 = arith.constant 8000 : i32
    %dma_start3A_415 = tpu.memref_slice %arg6[%dma_start3A_414] : memref<32000xf32, #tpu.memory_space<vmem>> -> memref<8000xf32, #tpu.memory_space<vmem>>
    %dma_start3A_416 = tpu.memref_slice %arg4[%add3A_413] : memref<1024000xf32, #tpu.memory_space<hbm>> -> memref<8000xf32, #tpu.memory_space<hbm>>
    %dma_start3A_417 = tpu.memref_slice %arg4[%add3A_413] : memref<1024000xf32, #tpu.memory_space<hbm>> -> memref<8000xf32, #tpu.memory_space<hbm>>
    %dma_start3A_418 = arith.constant 8000 : i32
    %dma_start3A_419 = tpu.memref_slice %arg6[%dma_start3A_418] : memref<32000xf32, #tpu.memory_space<vmem>> -> memref<8000xf32, #tpu.memory_space<vmem>>
    tpu.enqueue_dma source(%dma_start3A_419 : memref<8000xf32, #tpu.memory_space<vmem>>) target(%dma_start3A_417 : memref<8000xf32, #tpu.memory_space<hbm>>) target_semaphore(%arg15 : memref<!tpu.dma_semaphore, #tpu.memory_space<semaphore_mem>>)
    %dma_wait3A_420 = arith.constant 16000 : i32
    %dma_wait3A_421 = tpu.memref_slice %arg5[%dma_wait3A_420] : memref<32000xf32, #tpu.memory_space<vmem>> -> memref<8000xf32, #tpu.memory_space<vmem>>
    %dma_wait3A_422 = tpu.memref_slice %arg2[%add3A_19] : memref<1024000xf32, #tpu.memory_space<hbm>> -> memref<8000xf32, #tpu.memory_space<hbm>>
    %dma_wait3A_423 = arith.constant 16000 : i32
    %dma_wait3A_424 = tpu.memref_slice %arg5[%dma_wait3A_423] : memref<32000xf32, #tpu.memory_space<vmem>> -> memref<8000xf32, #tpu.memory_space<vmem>>
    %dma_wait3A_425 = tpu.memref_slice %arg2[%add3A_19] : memref<1024000xf32, #tpu.memory_space<hbm>> -> memref<8000xf32, #tpu.memory_space<hbm>>
    tpu.wait_dma2 semaphore(%arg12 : memref<!tpu.dma_semaphore, #tpu.memory_space<semaphore_mem>>) src(%dma_wait3A_425 : memref<8000xf32, #tpu.memory_space<hbm>>) dst(%dma_wait3A_424 : memref<8000xf32, #tpu.memory_space<vmem>>)
    %parallel_loop3A_426 = arith.constant 1000 : i32
    %parallel_loop3A_427 = arith.constant 1500 : i32
    %parallel_loop3A_428 = arith.constant 1 : i32
    scf.for %parallel_loop3A_478 = %parallel_loop3A_426 to %parallel_loop3A_427 step %parallel_loop3A_428  : i32 {
      %parallel_loop3A_479 = arith.constant 16 : i32
      %parallel_loop3A_480 = arith.muli %parallel_loop3A_478, %parallel_loop3A_479 : i32
      %parallel_loop3A_481 = arith.index_cast %parallel_loop3A_480 : i32 to index
      %parallel_loop3A_482 = tpu.vector_load %arg5[%parallel_loop3A_481] {strides = array<i32>} : memref<32000xf32, #tpu.memory_space<vmem>>, vector<16xf32>,
      %parallel_loop3A_483 = arith.cmpf olt, %gather3A_379, %parallel_loop3A_482 : vector<16xf32>
      %parallel_loop3A_484 = arith.select %parallel_loop3A_483, %add3A_375, %mul3A_372 : vector<16xi1>, vector<16xi32>
      %parallel_loop3A_485 = arith.select %parallel_loop3A_483, %gather3A_387, %gather3A_383 : vector<16xi1>, vector<16xf32>
      %parallel_loop3A_486 = arith.cmpf olt, %parallel_loop3A_485, %parallel_loop3A_482 : vector<16xf32>
      %parallel_loop3A_487 = arith.constant 16 : i32
      %parallel_loop3A_488 = vector.broadcast %parallel_loop3A_487 : i32 to vector<16xi32>
      %parallel_loop3A_489 = arith.addi %parallel_loop3A_484, %parallel_loop3A_488 : vector<16xi32>
      %parallel_loop3A_490 = arith.select %parallel_loop3A_486, %parallel_loop3A_489, %parallel_loop3A_484 : vector<16xi1>, vector<16xi32>
      %parallel_loop3A_491 = arith.constant 7 : i32
      %parallel_loop3A_492 = vector.broadcast %parallel_loop3A_491 : i32 to vector<16xi32>
      %parallel_loop3A_493 = arith.addi %parallel_loop3A_490, %parallel_loop3A_492 : vector<16xi32>
      %parallel_loop3A_494 = tpu.vector_load_idx %arg8[%parallel_loop3A_493] : memref<1040xf32, #tpu.memory_space<vmem>>[vector<16xi32>], vector<16xf32>,
      %parallel_loop3A_495 = arith.cmpf olt, %parallel_loop3A_494, %parallel_loop3A_482 : vector<16xf32>
      %parallel_loop3A_496 = arith.constant 8 : i32
      %parallel_loop3A_497 = vector.broadcast %parallel_loop3A_496 : i32 to vector<16xi32>
      %parallel_loop3A_498 = arith.addi %parallel_loop3A_490, %parallel_loop3A_497 : vector<16xi32>
      %parallel_loop3A_499 = arith.select %parallel_loop3A_495, %parallel_loop3A_498, %parallel_loop3A_490 : vector<16xi1>, vector<16xi32>
      %parallel_loop3A_500 = arith.constant 3 : i32
      %parallel_loop3A_501 = vector.broadcast %parallel_loop3A_500 : i32 to vector<16xi32>
      %parallel_loop3A_502 = arith.addi %parallel_loop3A_499, %parallel_loop3A_501 : vector<16xi32>
      %parallel_loop3A_503 = tpu.vector_load_idx %arg8[%parallel_loop3A_502] : memref<1040xf32, #tpu.memory_space<vmem>>[vector<16xi32>], vector<16xf32>,
      %parallel_loop3A_504 = arith.cmpf olt, %parallel_loop3A_503, %parallel_loop3A_482 : vector<16xf32>
      %parallel_loop3A_505 = arith.constant 4 : i32
      %parallel_loop3A_506 = vector.broadcast %parallel_loop3A_505 : i32 to vector<16xi32>
      %parallel_loop3A_507 = arith.addi %parallel_loop3A_499, %parallel_loop3A_506 : vector<16xi32>
      %parallel_loop3A_508 = arith.select %parallel_loop3A_504, %parallel_loop3A_507, %parallel_loop3A_499 : vector<16xi1>, vector<16xi32>
      %parallel_loop3A_509 = arith.constant 1 : i32
      %parallel_loop3A_510 = vector.broadcast %parallel_loop3A_509 : i32 to vector<16xi32>
      %parallel_loop3A_511 = arith.addi %parallel_loop3A_508, %parallel_loop3A_510 : vector<16xi32>
      %parallel_loop3A_512 = tpu.vector_load_idx %arg8[%parallel_loop3A_511] : memref<1040xf32, #tpu.memory_space<vmem>>[vector<16xi32>], vector<16xf32>,
      %parallel_loop3A_513 = arith.cmpf olt, %parallel_loop3A_512, %parallel_loop3A_482 : vector<16xf32>
      %parallel_loop3A_514 = arith.constant 2 : i32
      %parallel_loop3A_515 = vector.broadcast %parallel_loop3A_514 : i32 to vector<16xi32>
      %parallel_loop3A_516 = arith.addi %parallel_loop3A_508, %parallel_loop3A_515 : vector<16xi32>
      %parallel_loop3A_517 = arith.select %parallel_loop3A_513, %parallel_loop3A_516, %parallel_loop3A_508 : vector<16xi1>, vector<16xi32>
      %parallel_loop3A_518 = arith.constant 0 : i32
      %parallel_loop3A_519 = vector.broadcast %parallel_loop3A_518 : i32 to vector<16xi32>
      %parallel_loop3A_520 = arith.addi %parallel_loop3A_517, %parallel_loop3A_519 : vector<16xi32>
      %parallel_loop3A_521 = tpu.vector_load_idx %arg8[%parallel_loop3A_520] : memref<1040xf32, #tpu.memory_space<vmem>>[vector<16xi32>], vector<16xf32>,
      %parallel_loop3A_522 = arith.cmpf olt, %parallel_loop3A_521, %parallel_loop3A_482 : vector<16xf32>
      %parallel_loop3A_523 = arith.constant 1 : i32
      %parallel_loop3A_524 = vector.broadcast %parallel_loop3A_523 : i32 to vector<16xi32>
      %parallel_loop3A_525 = arith.addi %parallel_loop3A_517, %parallel_loop3A_524 : vector<16xi32>
      %parallel_loop3A_526 = arith.select %parallel_loop3A_522, %parallel_loop3A_525, %parallel_loop3A_517 : vector<16xi1>, vector<16xi32>
      %parallel_loop3A_527 = tpu.vector_load_idx %arg9[%parallel_loop3A_526] : memref<1040xf32, #tpu.memory_space<vmem>>[vector<16xi32>], vector<16xf32>,
      %parallel_loop3A_528 = arith.index_cast %parallel_loop3A_480 : i32 to index
      %parallel_loop3A_529 = tpu.vector_load %arg6[%parallel_loop3A_528] {strides = array<i32>} : memref<32000xf32, #tpu.memory_space<vmem>>, vector<16xf32>,
      tpu.vector_store %arg6[%parallel_loop3A_528], %parallel_loop3A_527 {strides = array<i32>} : memref<32000xf32, #tpu.memory_space<vmem>>, vector<16xf32>,
    } {sc.loop_unroll_factor = 10 : i64, sc.parallel_access}
    %add3A_429 = arith.constant 16000 : i32
    %add3A_430 = arith.addi %mul3A_2, %add3A_429 : i32
    %dma_start3A_431 = arith.constant 16000 : i32
    %dma_start3A_432 = tpu.memref_slice %arg6[%dma_start3A_431] : memref<32000xf32, #tpu.memory_space<vmem>> -> memref<8000xf32, #tpu.memory_space<vmem>>
    %dma_start3A_433 = tpu.memref_slice %arg4[%add3A_430] : memref<1024000xf32, #tpu.memory_space<hbm>> -> memref<8000xf32, #tpu.memory_space<hbm>>
    %dma_start3A_434 = tpu.memref_slice %arg4[%add3A_430] : memref<1024000xf32, #tpu.memory_space<hbm>> -> memref<8000xf32, #tpu.memory_space<hbm>>
    %dma_start3A_435 = arith.constant 16000 : i32
    %dma_start3A_436 = tpu.memref_slice %arg6[%dma_start3A_435] : memref<32000xf32, #tpu.memory_space<vmem>> -> memref<8000xf32, #tpu.memory_space<vmem>>
    tpu.enqueue_dma source(%dma_start3A_436 : memref<8000xf32, #tpu.memory_space<vmem>>) target(%dma_start3A_434 : memref<8000xf32, #tpu.memory_space<hbm>>) target_semaphore(%arg16 : memref<!tpu.dma_semaphore, #tpu.memory_space<semaphore_mem>>)
    %dma_wait3A_437 = arith.constant 24000 : i32
    %dma_wait3A_438 = tpu.memref_slice %arg5[%dma_wait3A_437] : memref<32000xf32, #tpu.memory_space<vmem>> -> memref<8000xf32, #tpu.memory_space<vmem>>
    %dma_wait3A_439 = tpu.memref_slice %arg2[%add3A_27] : memref<1024000xf32, #tpu.memory_space<hbm>> -> memref<8000xf32, #tpu.memory_space<hbm>>
    %dma_wait3A_440 = arith.constant 24000 : i32
    %dma_wait3A_441 = tpu.memref_slice %arg5[%dma_wait3A_440] : memref<32000xf32, #tpu.memory_space<vmem>> -> memref<8000xf32, #tpu.memory_space<vmem>>
    %dma_wait3A_442 = tpu.memref_slice %arg2[%add3A_27] : memref<1024000xf32, #tpu.memory_space<hbm>> -> memref<8000xf32, #tpu.memory_space<hbm>>
    tpu.wait_dma2 semaphore(%arg13 : memref<!tpu.dma_semaphore, #tpu.memory_space<semaphore_mem>>) src(%dma_wait3A_442 : memref<8000xf32, #tpu.memory_space<hbm>>) dst(%dma_wait3A_441 : memref<8000xf32, #tpu.memory_space<vmem>>)
    %parallel_loop3A_443 = arith.constant 1500 : i32
    %parallel_loop3A_444 = arith.constant 2000 : i32
    %parallel_loop3A_445 = arith.constant 1 : i32
    scf.for %parallel_loop3A_478 = %parallel_loop3A_443 to %parallel_loop3A_444 step %parallel_loop3A_445  : i32 {
      %parallel_loop3A_479 = arith.constant 16 : i32
      %parallel_loop3A_480 = arith.muli %parallel_loop3A_478, %parallel_loop3A_479 : i32
      %parallel_loop3A_481 = arith.index_cast %parallel_loop3A_480 : i32 to index
      %parallel_loop3A_482 = tpu.vector_load %arg5[%parallel_loop3A_481] {strides = array<i32>} : memref<32000xf32, #tpu.memory_space<vmem>>, vector<16xf32>,
      %parallel_loop3A_483 = arith.cmpf olt, %gather3A_379, %parallel_loop3A_482 : vector<16xf32>
      %parallel_loop3A_484 = arith.select %parallel_loop3A_483, %add3A_375, %mul3A_372 : vector<16xi1>, vector<16xi32>
      %parallel_loop3A_485 = arith.select %parallel_loop3A_483, %gather3A_387, %gather3A_383 : vector<16xi1>, vector<16xf32>
      %parallel_loop3A_486 = arith.cmpf olt, %parallel_loop3A_485, %parallel_loop3A_482 : vector<16xf32>
      %parallel_loop3A_487 = arith.constant 16 : i32
      %parallel_loop3A_488 = vector.broadcast %parallel_loop3A_487 : i32 to vector<16xi32>
      %parallel_loop3A_489 = arith.addi %parallel_loop3A_484, %parallel_loop3A_488 : vector<16xi32>
      %parallel_loop3A_490 = arith.select %parallel_loop3A_486, %parallel_loop3A_489, %parallel_loop3A_484 : vector<16xi1>, vector<16xi32>
      %parallel_loop3A_491 = arith.constant 7 : i32
      %parallel_loop3A_492 = vector.broadcast %parallel_loop3A_491 : i32 to vector<16xi32>
      %parallel_loop3A_493 = arith.addi %parallel_loop3A_490, %parallel_loop3A_492 : vector<16xi32>
      %parallel_loop3A_494 = tpu.vector_load_idx %arg8[%parallel_loop3A_493] : memref<1040xf32, #tpu.memory_space<vmem>>[vector<16xi32>], vector<16xf32>,
      %parallel_loop3A_495 = arith.cmpf olt, %parallel_loop3A_494, %parallel_loop3A_482 : vector<16xf32>
      %parallel_loop3A_496 = arith.constant 8 : i32
      %parallel_loop3A_497 = vector.broadcast %parallel_loop3A_496 : i32 to vector<16xi32>
      %parallel_loop3A_498 = arith.addi %parallel_loop3A_490, %parallel_loop3A_497 : vector<16xi32>
      %parallel_loop3A_499 = arith.select %parallel_loop3A_495, %parallel_loop3A_498, %parallel_loop3A_490 : vector<16xi1>, vector<16xi32>
      %parallel_loop3A_500 = arith.constant 3 : i32
      %parallel_loop3A_501 = vector.broadcast %parallel_loop3A_500 : i32 to vector<16xi32>
      %parallel_loop3A_502 = arith.addi %parallel_loop3A_499, %parallel_loop3A_501 : vector<16xi32>
      %parallel_loop3A_503 = tpu.vector_load_idx %arg8[%parallel_loop3A_502] : memref<1040xf32, #tpu.memory_space<vmem>>[vector<16xi32>], vector<16xf32>,
      %parallel_loop3A_504 = arith.cmpf olt, %parallel_loop3A_503, %parallel_loop3A_482 : vector<16xf32>
      %parallel_loop3A_505 = arith.constant 4 : i32
      %parallel_loop3A_506 = vector.broadcast %parallel_loop3A_505 : i32 to vector<16xi32>
      %parallel_loop3A_507 = arith.addi %parallel_loop3A_499, %parallel_loop3A_506 : vector<16xi32>
      %parallel_loop3A_508 = arith.select %parallel_loop3A_504, %parallel_loop3A_507, %parallel_loop3A_499 : vector<16xi1>, vector<16xi32>
      %parallel_loop3A_509 = arith.constant 1 : i32
      %parallel_loop3A_510 = vector.broadcast %parallel_loop3A_509 : i32 to vector<16xi32>
      %parallel_loop3A_511 = arith.addi %parallel_loop3A_508, %parallel_loop3A_510 : vector<16xi32>
      %parallel_loop3A_512 = tpu.vector_load_idx %arg8[%parallel_loop3A_511] : memref<1040xf32, #tpu.memory_space<vmem>>[vector<16xi32>], vector<16xf32>,
      %parallel_loop3A_513 = arith.cmpf olt, %parallel_loop3A_512, %parallel_loop3A_482 : vector<16xf32>
      %parallel_loop3A_514 = arith.constant 2 : i32
      %parallel_loop3A_515 = vector.broadcast %parallel_loop3A_514 : i32 to vector<16xi32>
      %parallel_loop3A_516 = arith.addi %parallel_loop3A_508, %parallel_loop3A_515 : vector<16xi32>
      %parallel_loop3A_517 = arith.select %parallel_loop3A_513, %parallel_loop3A_516, %parallel_loop3A_508 : vector<16xi1>, vector<16xi32>
      %parallel_loop3A_518 = arith.constant 0 : i32
      %parallel_loop3A_519 = vector.broadcast %parallel_loop3A_518 : i32 to vector<16xi32>
      %parallel_loop3A_520 = arith.addi %parallel_loop3A_517, %parallel_loop3A_519 : vector<16xi32>
      %parallel_loop3A_521 = tpu.vector_load_idx %arg8[%parallel_loop3A_520] : memref<1040xf32, #tpu.memory_space<vmem>>[vector<16xi32>], vector<16xf32>,
      %parallel_loop3A_522 = arith.cmpf olt, %parallel_loop3A_521, %parallel_loop3A_482 : vector<16xf32>
      %parallel_loop3A_523 = arith.constant 1 : i32
      %parallel_loop3A_524 = vector.broadcast %parallel_loop3A_523 : i32 to vector<16xi32>
      %parallel_loop3A_525 = arith.addi %parallel_loop3A_517, %parallel_loop3A_524 : vector<16xi32>
      %parallel_loop3A_526 = arith.select %parallel_loop3A_522, %parallel_loop3A_525, %parallel_loop3A_517 : vector<16xi1>, vector<16xi32>
      %parallel_loop3A_527 = tpu.vector_load_idx %arg9[%parallel_loop3A_526] : memref<1040xf32, #tpu.memory_space<vmem>>[vector<16xi32>], vector<16xf32>,
      %parallel_loop3A_528 = arith.index_cast %parallel_loop3A_480 : i32 to index
      %parallel_loop3A_529 = tpu.vector_load %arg6[%parallel_loop3A_528] {strides = array<i32>} : memref<32000xf32, #tpu.memory_space<vmem>>, vector<16xf32>,
      tpu.vector_store %arg6[%parallel_loop3A_528], %parallel_loop3A_527 {strides = array<i32>} : memref<32000xf32, #tpu.memory_space<vmem>>, vector<16xf32>,
    } {sc.loop_unroll_factor = 10 : i64, sc.parallel_access}
    %add3A_446 = arith.constant 24000 : i32
    %add3A_447 = arith.addi %mul3A_2, %add3A_446 : i32
    %dma_start3A_448 = arith.constant 24000 : i32
    %dma_start3A_449 = tpu.memref_slice %arg6[%dma_start3A_448] : memref<32000xf32, #tpu.memory_space<vmem>> -> memref<8000xf32, #tpu.memory_space<vmem>>
    %dma_start3A_450 = tpu.memref_slice %arg4[%add3A_447] : memref<1024000xf32, #tpu.memory_space<hbm>> -> memref<8000xf32, #tpu.memory_space<hbm>>
    %dma_start3A_451 = tpu.memref_slice %arg4[%add3A_447] : memref<1024000xf32, #tpu.memory_space<hbm>> -> memref<8000xf32, #tpu.memory_space<hbm>>
    %dma_start3A_452 = arith.constant 24000 : i32
    %dma_start3A_453 = tpu.memref_slice %arg6[%dma_start3A_452] : memref<32000xf32, #tpu.memory_space<vmem>> -> memref<8000xf32, #tpu.memory_space<vmem>>
    tpu.enqueue_dma source(%dma_start3A_453 : memref<8000xf32, #tpu.memory_space<vmem>>) target(%dma_start3A_451 : memref<8000xf32, #tpu.memory_space<hbm>>) target_semaphore(%arg17 : memref<!tpu.dma_semaphore, #tpu.memory_space<semaphore_mem>>)
    %dma_wait3A_454 = arith.constant 0 : i32
    %dma_wait3A_455 = tpu.memref_slice %arg6[%dma_wait3A_454] : memref<32000xf32, #tpu.memory_space<vmem>> -> memref<8000xf32, #tpu.memory_space<vmem>>
    %dma_wait3A_456 = tpu.memref_slice %arg4[%add3A_396] : memref<1024000xf32, #tpu.memory_space<hbm>> -> memref<8000xf32, #tpu.memory_space<hbm>>
    %dma_wait3A_457 = tpu.memref_slice %arg4[%add3A_396] : memref<1024000xf32, #tpu.memory_space<hbm>> -> memref<8000xf32, #tpu.memory_space<hbm>>
    %dma_wait3A_458 = arith.constant 0 : i32
    %dma_wait3A_459 = tpu.memref_slice %arg6[%dma_wait3A_458] : memref<32000xf32, #tpu.memory_space<vmem>> -> memref<8000xf32, #tpu.memory_space<vmem>>
    tpu.wait_dma2 semaphore(%arg14 : memref<!tpu.dma_semaphore, #tpu.memory_space<semaphore_mem>>) src(%dma_wait3A_459 : memref<8000xf32, #tpu.memory_space<vmem>>) dst(%dma_wait3A_457 : memref<8000xf32, #tpu.memory_space<hbm>>)
    %dma_wait3A_460 = arith.constant 8000 : i32
    %dma_wait3A_461 = tpu.memref_slice %arg6[%dma_wait3A_460] : memref<32000xf32, #tpu.memory_space<vmem>> -> memref<8000xf32, #tpu.memory_space<vmem>>
    %dma_wait3A_462 = tpu.memref_slice %arg4[%add3A_413] : memref<1024000xf32, #tpu.memory_space<hbm>> -> memref<8000xf32, #tpu.memory_space<hbm>>
    %dma_wait3A_463 = tpu.memref_slice %arg4[%add3A_413] : memref<1024000xf32, #tpu.memory_space<hbm>> -> memref<8000xf32, #tpu.memory_space<hbm>>
    %dma_wait3A_464 = arith.constant 8000 : i32
    %dma_wait3A_465 = tpu.memref_slice %arg6[%dma_wait3A_464] : memref<32000xf32, #tpu.memory_space<vmem>> -> memref<8000xf32, #tpu.memory_space<vmem>>
    tpu.wait_dma2 semaphore(%arg15 : memref<!tpu.dma_semaphore, #tpu.memory_space<semaphore_mem>>) src(%dma_wait3A_465 : memref<8000xf32, #tpu.memory_space<vmem>>) dst(%dma_wait3A_463 : memref<8000xf32, #tpu.memory_space<hbm>>)
    %dma_wait3A_466 = arith.constant 16000 : i32
    %dma_wait3A_467 = tpu.memref_slice %arg6[%dma_wait3A_466] : memref<32000xf32, #tpu.memory_space<vmem>> -> memref<8000xf32, #tpu.memory_space<vmem>>
    %dma_wait3A_468 = tpu.memref_slice %arg4[%add3A_430] : memref<1024000xf32, #tpu.memory_space<hbm>> -> memref<8000xf32, #tpu.memory_space<hbm>>
    %dma_wait3A_469 = tpu.memref_slice %arg4[%add3A_430] : memref<1024000xf32, #tpu.memory_space<hbm>> -> memref<8000xf32, #tpu.memory_space<hbm>>
    %dma_wait3A_470 = arith.constant 16000 : i32
    %dma_wait3A_471 = tpu.memref_slice %arg6[%dma_wait3A_470] : memref<32000xf32, #tpu.memory_space<vmem>> -> memref<8000xf32, #tpu.memory_space<vmem>>
    tpu.wait_dma2 semaphore(%arg16 : memref<!tpu.dma_semaphore, #tpu.memory_space<semaphore_mem>>) src(%dma_wait3A_471 : memref<8000xf32, #tpu.memory_space<vmem>>) dst(%dma_wait3A_469 : memref<8000xf32, #tpu.memory_space<hbm>>)
    %dma_wait3A_472 = arith.constant 24000 : i32
    %dma_wait3A_473 = tpu.memref_slice %arg6[%dma_wait3A_472] : memref<32000xf32, #tpu.memory_space<vmem>> -> memref<8000xf32, #tpu.memory_space<vmem>>
    %dma_wait3A_474 = tpu.memref_slice %arg4[%add3A_447] : memref<1024000xf32, #tpu.memory_space<hbm>> -> memref<8000xf32, #tpu.memory_space<hbm>>
    %dma_wait3A_475 = tpu.memref_slice %arg4[%add3A_447] : memref<1024000xf32, #tpu.memory_space<hbm>> -> memref<8000xf32, #tpu.memory_space<hbm>>
    %dma_wait3A_476 = arith.constant 24000 : i32
    %dma_wait3A_477 = tpu.memref_slice %arg6[%dma_wait3A_476] : memref<32000xf32, #tpu.memory_space<vmem>> -> memref<8000xf32, #tpu.memory_space<vmem>>
    tpu.wait_dma2 semaphore(%arg17 : memref<!tpu.dma_semaphore, #tpu.memory_space<semaphore_mem>>) src(%dma_wait3A_477 : memref<8000xf32, #tpu.memory_space<vmem>>) dst(%dma_wait3A_475 : memref<8000xf32, #tpu.memory_space<hbm>>)
    return
  }
}

</mosaic_0001>

<sc_bundles>
// kernel: kernel.3.cloned.1.call-start
scs
__scs_entry_jumppad:
0x0: {  	(pc) =	sbr.rel $0x88, $3  }
0x1: {  	(tag) =	ssettag $0x0;
	lr =	simm.s32 $0x1  }
0x2: {  	[smem:$0x3F9F] =	sst lr;
	_ =	strace $0xD0000000  }
0x3: {  	_ = 	snop  }
0x4: {  	_ = 	snop  }
0x5: {  	_ = 	snop  }
0x6: {  	_ = 	snop  }
0x7: {  	_ = 	snop  }
__scs_overlays_trampoline_lowered:
0x8: {  	[smem:$0x3FAE] =	sst s0  }
0x9: {  	[smem:$0x3FAF] =	sst s1  }
0xa: {  	[smem:$0x3FB0] =	sst s2  }
0xb: {  	[smem:$0x3FB1] =	sst s3  }
0xc: {  	[smem:$0x3FB2] =	sst s4  }
0xd: {  	[smem:$0x3FB3] =	sst s5  }
0xe: {  	[smem:$0x3FB4] =	sst s6  }
0xf: {  	[smem:$0x3FB5] =	sst s7  }
0x10: {  	[smem:$0x3FB6] =	sst s8  }
0x11: {  	[smem:$0x3FB7] =	sst s9;
	s0 =	simm.s32 @!p0 $0x0  }
0x12: {  	s1 =	sld [smem:$0x3F9D];
	s0 =	simm.s32 @p0 $0x1  }
0x13: {  	[smem:$0x3FB8] =	sst s0;
	s0 =	simm.s32 @!p1 $0x0  }
0x14: {  	s2 =	sld [smem:$0x3F9C];
	s0 =	simm.s32 @p1 $0x1  }
0x15: {  	[smem:$0x3FB9] =	sst s0;
	s0 =	simm.s32 @!p2 $0x0  }
0x16: {  	s3 =	sld [smem:$0x3FDB];
	s0 =	simm.s32 @p2 $0x1  }
0x17: {  	s4 =	simm.s32 $0x1BF5;
	[smem:$0x3FBB] =	sst s0  }
0x18: {  	s0 =	sld [smem:$0x3F9E];
	_ =	swait.ge [sflag:s4], $0x0  }
0x19: {  	s7 =	sld [smem:$0x3F9F]  }
0x1a: {  	s8 =	sadd.s32 $0xFFFFE003, lr  }
0x1b: {  	s9 =	sadd.s32 $0xFFFFFEF7, lr;
	s5 =	simm.s32 $0xFFFFFFFF;
	p2 =	slt.u32 s8, $0xFFFFF086  }
0x1c: {  	p1 =	slt.u32 s9, $0xF7A;
	s5 =	simm.s32 @!p2 $0x0  }
0x1d: {  	s5 =	simm.s32 @p1 $0x1;
	p0 =	seq.s32 s7, s2  }
0x1e: {  	s7 =	smul.u32 @!p0 $0xF7A, s2;
	p2 =	seq.s32 @!p0 s5, $0x0  }
0x1f: {  	s9 =	smul.u32 $0xF7A, s1;
	s8 =	simm.s32 @!p0 $0x1BF5;
	p2 =	por !p2, p0  }
0x20: {  	[sflag:s8] =	ssyncset.s32 @!p0 $0xFFFFF086;
	s6 =	sadd.s32 @!p0 s3, s7;
	s7 =	simm.s32 @!p0 $0x108  }
0x21: {  	s3 =	sadd.s32 s3, s9;
	s6 =	sadd.s32 @!p0 $0x88, s6;
	s7 =	simm.s32 @p2 $0x1082  }
0x22: {  	[simem:s7], [sflag:s8] =	dma.local @!p0 [hbm:s6], $0xF7A  }
0x23: {  	s9 =	sor.u32 $0xD0000000, s2;
	s6 =	simm.s32 $0x108;
	_ =	swait.ge @!p0 [sflag:s8], $0x0  }
0x24: {  	s3 =	sadd.s32 $0x88, s3;
	s6 =	simm.s32 @!p1 $0x1082;
	[sflag:s4] =	ssyncset.s32 $0xFFFFF086  }
0x25: {  	[simem:s6], [sflag:s4] =	dma.local [hbm:s3], $0xF7A  }
0x26: {  	[smem:$0x3F9F] =	sst s1;
	(tag) =	ssettag s2;
	_ =	strace s9  }
0x27: {  	s1 =	sld [smem:$0x3FAF]  }
0x28: {  	s2 =	sld [smem:$0x3FB0]  }
0x29: {  	s4 =	sld [smem:$0x3FB2]  }
0x2a: {  	p0 =	seq.s32 s5, $0x0;
	s5 =	sld [smem:$0x3FB3]  }
0x2b: {  	s6 =	sld [smem:$0x3FB4]  }
0x2c: {  	s7 =	sld [smem:$0x3FB5]  }
0x2d: {  	s3 =	simm.s32 $0x108;
	s8 =	sld [smem:$0x3FB6]  }
0x2e: {  	s3 =	simm.s32 @!p0 $0x1082;
	s9 =	sld [smem:$0x3FB7]  }
0x2f: {  	lr =	sadd.s32 s0, s3;
	s0 =	sld [smem:$0x3FAE]  }
0x30: {  	s3 =	sld [smem:$0x3FB1]  }
0x31: {  	[smem:$0x3FBA] =	sst s10  }
0x32: {  	s10 =	sld [smem:$0x3FB8];
	_ =	sdelay $0x3  }
0x33: {  	p0 =	seq.s32 s10, $0x1;
	s10 =	sld [smem:$0x3FBA];
	_ =	sdelay $0x3  }
0x34: {  	[smem:$0x3FBA] =	sst s10  }
0x35: {  	s10 =	sld [smem:$0x3FB9];
	_ =	sdelay $0x3  }
0x36: {  	p1 =	seq.s32 s10, $0x1;
	s10 =	sld [smem:$0x3FBA];
	_ =	sdelay $0x3  }
0x37: {  	[smem:$0x3FBA] =	sst s10  }
0x38: {  	s10 =	sld [smem:$0x3FBB]  }
0x39: {  	_ = 	snop;
	(pc) =	sbr.ind lr, $3  }
0x3a: {  	_ = 	snop  }
0x3b: {  	_ = 	snop  }
0x3c: {  	p2 =	seq.s32 s10, $0x1;
	s10 =	sld [smem:$0x3FBA]  }
0x3d: {  	_ =	shalt  }
0x3e: {  	_ =	shalt  }
0x3f: {  	_ =	shalt  }
0x40: {  	_ =	shalt  }
0x41: {  	_ =	shalt  }
0x42: {  	_ =	shalt  }
0x43: {  	_ =	shalt  }
0x44: {  	_ =	shalt  }
0x45: {  	_ =	shalt  }
0x46: {  	_ =	shalt  }
0x47: {  	_ =	shalt  }
0x48: {  	_ =	shalt  }
0x49: {  	_ =	shalt  }
0x4a: {  	_ =	shalt  }
0x4b: {  	_ =	shalt  }
0x4c: {  	_ =	shalt  }
0x4d: {  	_ =	shalt  }
0x4e: {  	_ =	shalt  }
0x4f: {  	_ =	shalt  }
0x50: {  	_ =	shalt  }
0x51: {  	_ =	shalt  }
0x52: {  	_ =	shalt  }
0x53: {  	_ =	shalt  }
0x54: {  	_ =	shalt  }
0x55: {  	_ =	shalt  }
0x56: {  	_ =	shalt  }
0x57: {  	_ =	shalt  }
0x58: {  	_ =	shalt  }
0x59: {  	_ =	shalt  }
0x5a: {  	_ =	shalt  }
0x5b: {  	_ =	shalt  }
0x5c: {  	_ =	shalt  }
0x5d: {  	_ =	shalt  }
0x5e: {  	_ =	shalt  }
0x5f: {  	_ =	shalt  }
0x60: {  	_ =	shalt  }
0x61: {  	_ =	shalt  }
0x62: {  	_ =	shalt  }
0x63: {  	_ =	shalt  }
0x64: {  	_ =	shalt  }
0x65: {  	_ =	shalt  }
0x66: {  	_ =	shalt  }
0x67: {  	_ =	shalt  }
0x68: {  	_ =	shalt  }
0x69: {  	_ =	shalt  }
0x6a: {  	_ =	shalt  }
0x6b: {  	_ =	shalt  }
0x6c: {  	_ =	shalt  }
0x6d: {  	_ =	shalt  }
0x6e: {  	_ =	shalt  }
0x6f: {  	_ =	shalt  }
0x70: {  	_ =	shalt  }
0x71: {  	_ =	shalt  }
0x72: {  	_ =	shalt  }
0x73: {  	_ =	shalt  }
0x74: {  	_ =	shalt  }
0x75: {  	_ =	shalt  }
0x76: {  	_ =	shalt  }
0x77: {  	_ =	shalt  }
0x78: {  	_ =	shalt  }
0x79: {  	_ =	shalt  }
0x7a: {  	_ =	shalt  }
0x7b: {  	_ =	shalt  }
0x7c: {  	_ =	shalt  }
0x7d: {  	_ =	shalt  }
0x7e: {  	_ =	shalt  }
0x7f: {  	_ =	shalt  }
0x80: {  	_ =	shalt  }
0x81: {  	_ =	shalt  }
0x82: {  	_ =	shalt  }
0x83: {  	_ =	shalt  }
0x84: {  	_ =	shalt  }
0x85: {  	_ =	shalt  }
0x86: {  	_ =	shalt  }
0x87: {  	_ =	shalt  }
.Lfunc_end0:
.L_simem_size_0:
called_computation_lowered:
.L_overlay_start_0:
0x88: {  	s2 =	sld [smem:$0x3FD9]  }
0x89: {  	s3 =	sld [smem:$0x3FFE];
	_ =	sdelay $0x1  }
0x8a: {  	s1 =	srdreg.scid  }
0x8b: {  	s0 =	sand.u32 $0x1, s1  }
0x8c: {  	s17 =	sshll.u32 s0, $0xA;
	s2 =	sadd.s32 s3, s2  }
0x8d: {  	s2 =	sadd.s32 s2, s17  }
0x8e: {  	[smem:$0x3FC6] =	sst s2  }
0x8f: {  	_ = 	snop  }
0x90: {  	s2 =	sld [smem:$0x3FC8]  }
0x91: {  	s18 =	sld [smem:$0x3FD0];
	(tm) =	ssettm $0x1  }
0x92: {  	s4 =	sld [smem:$0x3FFB];
	_ =	sdelay $0x3  }
0x93: {  	_ =	strace s4  }
0x94: {  	s4 =	sld [smem:$0x3FFC];
	_ =	sdelay $0x3  }
0x95: {  	_ =	strace s4  }
0x96: {  	s4 =	sld [smem:$0x3FFD];
	_ =	sdelay $0x3  }
0x97: {  	_ =	strace s4  }
0x98: {  	_ =	strace $0x8FFFFFFF  }
0x99: {  	s19 =	sld [smem:$0x3FDB];
	_ =	sdelay $0x1  }
0x9a: {  	s5 =	simm.s32 $_scs_section_size  }
0x9b: {  	s6 =	simm.s32 $_size__tile_overlayer_lowered;
	s7 =	simm.s32 $_tile_overlayer_lowered  }
0x9c: {  	s22 =	simm.s32 $0x1BFF;
	s21 =	sshll.u32 s7, $0x1;
	s4 =	sadd.s32 s5, s19  }
0x9d: {  	s8 =	simm.s32 $0x0;
	s20 =	sshll.u32 s6, $0x1;
	s6 =	sadd.s32 s21, s4  }
0x9e: {  	[timem:s8], [sflag:s22] =	dma.local [hbm:s6], s20  }
0x9f: {  	_ =	swait.ge [sflag:s22], s20  }
0xa0: {  	s5 =	ssub.s32 $0x0, s20;
	[sflag:s22] =	ssyncset.done $0x0  }
0xa1: {  	[sflag:s22] =	ssyncadd.s32 s5;
	_ =	sdelay $0x1  }
0xa2: {  	s23 =	simm.s32 $0x1B8B  }
0xa3: {  	_ =	swait.ge [sflag:s23], $0x1  }
0xa4: {  	[sflag:s23] =	ssyncset.done $0x0  }
0xa5: {  	s25 =	simm.s32 $0x1B8E;
	s24 =	sld [smem:$0x3FFE];
	[sflag:s23] =	ssyncadd.s32 $0xFFFFFFFF  }
0xa6: {  	s26 =	simm.s32 $execute0_lowered;
	[smem:$0x3FD2] =	sst s25  }
0xa7: {  	s6 =	sshll.u32 s26, $0x1;
	_ =	strace $0x80000046;
	[dreg:$0x1] =	wrdreg $0xFFFFFFFF  }
0xa8: {  	s28 =	simm.s32 $_size_execute0_lowered;
	s4 =	sadd.s32 s4, s6;
	[dreg:$0x0] =	wrdreg $0x0  }
0xa9: {  	s6 =	sshll.u32 s28, $0x1;
	[dreg:$0x2] =	wrdreg s4  }
0xaa: {  	[dreg:$0x3] =	wrdreg s6  }
0xab: {  	[dreg:$0x4] =	wrdreg $0xC0  }
0xac: {  	_ =	task [dreg:s8], $0x5FFFF  }
0xad: {  	[dreg:$0x1] =	wrdreg $0xFFFFFFFF  }
0xae: {  	[dreg:$0x0] =	wrdreg $0x60  }
0xaf: {  	[dreg:$0x2] =	wrdreg s18  }
0xb0: {  	[dreg:$0x3] =	wrdreg s2  }
0xb1: {  	[dreg:$0x4] =	wrdreg s24  }
0xb2: {  	[dreg:$0x5] =	wrdreg $0x9  }
0xb3: {  	_ =	task.clear_ibuf [dreg:s8], $0x6FFFF;
	_ =	strace $0x90000046  }
0xb4: {  	s29 =	simm.s32 $0x9;
	_ =	strace $0x80000048  }
0xb5: {  	_ =	swait.ge [sflag:s29], $0x1  }
0xb6: {  	[sflag:s29] =	ssyncadd.s32 $0xFFFFFFFF  }
0xb7: {  	_ =	strace $0x90000048  }
0xb8: {  	_ =	sfence  }
0xb9: {  	s30 =	sld [smem:$0x0];
	_ =	sdelay $0x2  }
0xba: {  	s31 =	sshll.u32 s1, $0xD;
	s1 =	sshrl.u32 s1, $0x2  }
0xbb: {  	s3 =	sand.u32 $0x4000, s31;
	s1 =	sadd.s32 s1, s30  }
0xbc: {  	s0 =	sor.u32 s3, s0;
	s1 =	sshll.u32 s1, $0x11  }
0xbd: {  	s0 =	sor.u32 s1, s0  }
0xbe: {  	s0 =	sadd.s32 $0x8F2B, s0  }
0xbf: {  	[sflag:s0] =	ssyncadd.remote.s32 $0x1  }
0xc0: {  	_ =	sfence.sel $0xFFFF  }
0xc1: {  	[dreg:$0x0] =	wrdreg $0xFFFFFFFF;
	(pc) =	sbr.abs _section_cstart, $3  }
0xc2: {  	[dreg:$0x1] =	wrdreg $0xFFFFFFFF  }
0xc3: {  	_ =	task.clear_ibuf [dreg:s8], $0x2FFFF;
	_ =	strace $0x9FFFFFFF  }
0xc4: {  	(tm) =	ssettm $0x7FFFFFFF  }
0xc5: {  	_ =	shalt  }
tec
execute0_lowered:
.L_overlay_start_1:
0x0: {  	(tag) =	ssettag $0x1  }
0x1: {  	s0 =	rddreg [dreg:$0x0]  }
0x2: {  	s1 =	srdreg.scid;
	s3 =	stileid.u32  }
0x3: {  	s2 =	rddreg [dreg:$0x2];
	s13 =	simm.s32 $0xFA00;
	s14 =	simm.s32 $0x9  }
0x4: {  	v0 =	vlaneseq.u32;
	v2 =	vimm.s32 $0x3C3B3A39;
	v3 =	vimm.s32 $0x34333231;
	s18 =	simm.s32 $0xFA80;
	s19 =	simm.s32 $0x1;
	s20 =	simm.s32 $0xFF00  }
0x5: {  	v4 =	vimm.s32 $0x38373635;
	s22 =	simm.s32 $0x2;
	s4 =	sshll.u32 s3, $0x1;
	s3 =	simm.s32 $0x0;
	v1 =	vadd.s32 $0x1, v0;
	v5 =	vunpack.c.0.s8.s32 v2  }
0x6: {  	s24 =	simm.s32 $0x3;
	s1 =	sand.u32 $0x1, s1;
	v2 =	vimm.s32 $0x3F3F3E3D;
	v7 =	vunpack.c.0.s8.s32 v3;
	v3 =	vmul.u32 $0x41, v0;
	[smem:$0x7FF] =	sst s3  }
0x7: {  	s26 =	simm.s32 $0x4;
	v8 =	vunpack.c.0.s8.s32 v4;
	s4 =	sor.u32 s1, s4;
	v6 =	vunpack.c.0.s8.s32 v2;
	_ =	strace $0x80000047;
	[tilespmem:$0x1FF70] =	vst v1  }
0x8: {  	vm0 =	vcmask $0x1F10;
	s29 =	simm.s32 $0x5;
	s1 =	ssub.s32 $0x2, s1;
	s4 =	smul.u32 $0x7D00, s4;
	v1 =	vadd.s32 $0x11, v0;
	[tilespmem:$0x1FFF0] =	vst v3  }
0x9: {  	s30 =	simm.s32 $0x6;
	s31 =	simm.s32 $0x7;
	s5 =	sshrl.u32 s1, $0x1;
	v0 =	vadd.s32 $0x21, v0;
	v63 =	vsel vm0, v8, v7;
	[tilespmem:$0x1FF80] =	vst v1;
	v5 =	vsel vm0, v6, v5  }
0xa: {  	s2 =	sadd.s32 $0x400, s2;
	v9 =	vadd.s32 $0x20, v3;
	s1 =	ssub.s32 s1, s5;
	[tilespmem:$0x1FF90] =	vst v0;
	s8 =	sshrl.u32 s4, $0x3;
	v0 =	vcombine.low v63, v5  }
0xb: {  	[tilespmem:$0x1FFE0] =	vst v9;
	s17 =	smax.u32 s1, $0x1;
	s1 =	simm.s32 $0x8;
	s4 =	sadd.s32 s0, s8  }
0xc: {  	s9 =	sadd.s32 $0x3E8, s8;
	s10 =	sadd.s32 $0x7D0, s8;
	s11 =	sadd.s32 $0xBB8, s8;
	[tilespmem:$0x1FFA0] =	vst v0;
	v0 =	vadd.s32 $0x1F, v3  }
0xd: {  	s8 =	sadd.s32 s2, s8;
	[dreg:$0x4] =	wrdreg s4;
	s5 =	sadd.s32 s0, s9;
	[tilespmem:$0x1FFB0] =	vst v0;
	v0 =	vadd.s32 $0xF, v3  }
0xe: {  	s6 =	sadd.s32 s0, s10;
	s7 =	sadd.s32 s0, s11;
	s9 =	sadd.s32 s2, s9;
	[tilespmem:$0x1FFC0] =	vst v0;
	v0 =	vadd.s32 $0x2F, v3  }
0xf: {  	s15 =	sadd.s32 s2, s10;
	s16 =	sadd.s32 s2, s11;
	s0 =	simm.s32 $0x0;
	[tilespmem:$0x1FFD0] =	vst v0  }
.LBB2_1:
0x10: {  	s2 =	rddreg [dreg:$0x4]  }
0x11: {  	[tilespmem:s3], [sflag:$0x1] =	stream.linear.gather [hbm4b:s2+s3], $0x1F40, $0x38;
	[tilespmem:$0x10380] =	vst v63  }
0x12: {  	s12 =	simm.s32 $0x1F40  }
0x13: {  	[tilespmem:s12], [sflag:$0x2] =	stream.linear.gather [hbm4b:s5+s3], $0x1F40, $0x38;
	[tilespmem:$0x10380] =	vst v63  }
0x14: {  	s21 =	simm.s32 $0x3E80  }
0x15: {  	[tilespmem:s21], [sflag:$0x3] =	stream.linear.gather [hbm4b:s6+s3], $0x1F40, $0x38;
	[tilespmem:$0x10380] =	vst v63  }
0x16: {  	s23 =	simm.s32 $0x5DC0  }
0x17: {  	[tilespmem:s23], [sflag:$0x4] =	stream.linear.gather [hbm4b:s7+s3], $0x1F40, $0x38;
	[tilespmem:$0x10380] =	vst v63  }
0x18: {  	s25 =	rddreg [dreg:$0x1]  }
0x19: {  	[tilespmem:s13], [sflag:$0x9] =	stream.linear.gather [hbm4b:s25+s3], $0x80, $0x38;
	[tilespmem:$0x10380] =	vst v63  }
0x1a: {  	_ =	swait.ge [sflag:s14], $0x80  }
0x1b: {  	v0 =	vld [tilespmem:$0x1FF70]  }
0x1c: {  	[sflag:s14] =	ssyncset.done $0x0  }
0x1d: {  	[sflag:s14] =	ssyncadd.s32 $0xFFFFFF80  }
0x1e: {  	v11 =	vld [tilespmem:$0xFA00];
	_ =	sdelay $0x4  }
0x1f: {  	v12 =	vld.idx.msk [tilespmem:v0+s13+$0x0], $0xffff;
	[tilespmem:$0xFF00] =	vst v11  }
0x20: {  	[tilespmem:$0xFF41] =	vst v11  }
0x21: {  	[tilespmem:$0xFF82] =	vst v11  }
0x22: {  	[tilespmem:$0xFFC3] =	vst v11  }
0x23: {  	[tilespmem:$0x10004] =	vst v11  }
0x24: {  	[tilespmem:$0x10045] =	vst v11  }
0x25: {  	[tilespmem:$0x10086] =	vst v11  }
0x26: {  	[tilespmem:$0x100C7] =	vst v11  }
0x27: {  	[tilespmem:$0x10108] =	vst v11  }
0x28: {  	[tilespmem:$0x10149] =	vst v11  }
0x29: {  	[tilespmem:$0x1018A] =	vst v11  }
0x2a: {  	[tilespmem:$0x101CB] =	vst v11  }
0x2b: {  	[tilespmem:$0x1020C] =	vst v11;
	v12 =	vadd.f32 v12, v11  }
0x2c: {  	[tilespmem:$0x1024D] =	vst v11  }
0x2d: {  	[tilespmem:$0x1028E] =	vst v11;
	v12 =	vmul.f32 $5.000000000e-01, v12  }
0x2e: {  	[tilespmem:$0x102CF] =	vst v11  }
0x2f: {  	[tilespmem:$0xFA80] =	vst v12  }
0x30: {  	[tilespmem:$0xFAC1] =	vst v12  }
0x31: {  	[tilespmem:$0xFB02] =	vst v12  }
0x32: {  	[tilespmem:$0xFB43] =	vst v12  }
0x33: {  	[tilespmem:$0xFB84] =	vst v12  }
0x34: {  	[tilespmem:$0xFBC5] =	vst v12  }
0x35: {  	[tilespmem:$0xFC06] =	vst v12  }
0x36: {  	[tilespmem:$0xFC47] =	vst v12  }
0x37: {  	v48 =	vld [tilespmem:$0x1FF80];
	[tilespmem:$0xFC88] =	vst v12  }
0x38: {  	[tilespmem:$0xFCC9] =	vst v12  }
0x39: {  	[tilespmem:$0xFD0A] =	vst v12  }
0x3a: {  	v11 =	vld [tilespmem:$0xFA10];
	[tilespmem:$0xFD4B] =	vst v12  }
0x3b: {  	[tilespmem:$0xFD8C] =	vst v12  }
0x3c: {  	[tilespmem:$0xFDCD] =	vst v12  }
0x3d: {  	[tilespmem:$0xFE0E] =	vst v12  }
0x3e: {  	[tilespmem:$0xFE4F] =	vst v12  }
0x3f: {  	v12 =	vld.idx.msk [tilespmem:v48+s13+$0x0], $0xffff;
	[tilespmem:$0xFF10] =	vst v11  }
0x40: {  	[tilespmem:$0xFF51] =	vst v11  }
0x41: {  	[tilespmem:$0xFF92] =	vst v11  }
0x42: {  	[tilespmem:$0xFFD3] =	vst v11  }
0x43: {  	[tilespmem:$0x10014] =	vst v11  }
0x44: {  	[tilespmem:$0x10055] =	vst v11  }
0x45: {  	[tilespmem:$0x10096] =	vst v11  }
0x46: {  	[tilespmem:$0x100D7] =	vst v11  }
0x47: {  	[tilespmem:$0x10118] =	vst v11  }
0x48: {  	[tilespmem:$0x10159] =	vst v11  }
0x49: {  	[tilespmem:$0x1019A] =	vst v11  }
0x4a: {  	[tilespmem:$0x101DB] =	vst v11  }
0x4b: {  	[tilespmem:$0x1021C] =	vst v11;
	v12 =	vadd.f32 v12, v11  }
0x4c: {  	[tilespmem:$0x1025D] =	vst v11  }
0x4d: {  	[tilespmem:$0x1029E] =	vst v11;
	v12 =	vmul.f32 $5.000000000e-01, v12  }
0x4e: {  	[tilespmem:$0x102DF] =	vst v11  }
0x4f: {  	[tilespmem:$0xFA90] =	vst v12  }
0x50: {  	[tilespmem:$0xFAD1] =	vst v12  }
0x51: {  	[tilespmem:$0xFB12] =	vst v12  }
0x52: {  	[tilespmem:$0xFB53] =	vst v12  }
0x53: {  	[tilespmem:$0xFB94] =	vst v12  }
0x54: {  	[tilespmem:$0xFBD5] =	vst v12  }
0x55: {  	[tilespmem:$0xFC16] =	vst v12  }
0x56: {  	[tilespmem:$0xFC57] =	vst v12  }
0x57: {  	v49 =	vld [tilespmem:$0x1FF90];
	[tilespmem:$0xFC98] =	vst v12  }
0x58: {  	[tilespmem:$0xFCD9] =	vst v12  }
0x59: {  	[tilespmem:$0xFD1A] =	vst v12  }
0x5a: {  	v11 =	vld [tilespmem:$0xFA20];
	[tilespmem:$0xFD5B] =	vst v12  }
0x5b: {  	[tilespmem:$0xFD9C] =	vst v12  }
0x5c: {  	[tilespmem:$0xFDDD] =	vst v12  }
0x5d: {  	[tilespmem:$0xFE1E] =	vst v12  }
0x5e: {  	[tilespmem:$0xFE5F] =	vst v12  }
0x5f: {  	v12 =	vld.idx.msk [tilespmem:v49+s13+$0x0], $0xffff;
	[tilespmem:$0xFF20] =	vst v11  }
0x60: {  	[tilespmem:$0xFF61] =	vst v11  }
0x61: {  	[tilespmem:$0xFFA2] =	vst v11  }
0x62: {  	[tilespmem:$0xFFE3] =	vst v11  }
0x63: {  	[tilespmem:$0x10024] =	vst v11  }
0x64: {  	[tilespmem:$0x10065] =	vst v11  }
0x65: {  	[tilespmem:$0x100A6] =	vst v11  }
0x66: {  	[tilespmem:$0x100E7] =	vst v11  }
0x67: {  	[tilespmem:$0x10128] =	vst v11  }
0x68: {  	[tilespmem:$0x10169] =	vst v11  }
0x69: {  	[tilespmem:$0x101AA] =	vst v11  }
0x6a: {  	[tilespmem:$0x101EB] =	vst v11  }
0x6b: {  	[tilespmem:$0x1022C] =	vst v11;
	v12 =	vadd.f32 v12, v11  }
0x6c: {  	[tilespmem:$0x1026D] =	vst v11  }
0x6d: {  	[tilespmem:$0x102AE] =	vst v11;
	v12 =	vmul.f32 $5.000000000e-01, v12  }
0x6e: {  	[tilespmem:$0x102EF] =	vst v11  }
0x6f: {  	[tilespmem:$0xFAA0] =	vst v12  }
0x70: {  	[tilespmem:$0xFAE1] =	vst v12  }
0x71: {  	[tilespmem:$0xFB22] =	vst v12  }
0x72: {  	[tilespmem:$0xFB63] =	vst v12  }
0x73: {  	[tilespmem:$0xFBA4] =	vst v12  }
0x74: {  	[tilespmem:$0xFBE5] =	vst v12  }
0x75: {  	[tilespmem:$0xFC26] =	vst v12  }
0x76: {  	[tilespmem:$0xFC67] =	vst v12  }
0x77: {  	v50 =	vld [tilespmem:$0x1FFA0];
	[tilespmem:$0xFCA8] =	vst v12  }
0x78: {  	[tilespmem:$0xFCE9] =	vst v12  }
0x79: {  	[tilespmem:$0xFD2A] =	vst v12  }
0x7a: {  	v11 =	vld [tilespmem:$0xFA30];
	[tilespmem:$0xFD6B] =	vst v12  }
0x7b: {  	[tilespmem:$0xFDAC] =	vst v12  }
0x7c: {  	[tilespmem:$0xFDED] =	vst v12  }
0x7d: {  	[tilespmem:$0xFE2E] =	vst v12  }
0x7e: {  	[tilespmem:$0xFE6F] =	vst v12  }
0x7f: {  	v12 =	vld.idx.msk [tilespmem:v50+s13+$0x0], $0xffff;
	[tilespmem:$0xFF30] =	vst v11  }
0x80: {  	[tilespmem:$0xFF71] =	vst v11  }
0x81: {  	[tilespmem:$0xFFB2] =	vst v11  }
0x82: {  	[tilespmem:$0xFFF3] =	vst v11  }
0x83: {  	[tilespmem:$0x10034] =	vst v11  }
0x84: {  	[tilespmem:$0x10075] =	vst v11  }
0x85: {  	[tilespmem:$0x100B6] =	vst v11  }
0x86: {  	[tilespmem:$0x100F7] =	vst v11  }
0x87: {  	[tilespmem:$0x10138] =	vst v11  }
0x88: {  	[tilespmem:$0x10179] =	vst v11  }
0x89: {  	[tilespmem:$0x101BA] =	vst v11  }
0x8a: {  	[tilespmem:$0x101FB] =	vst v11;
	v12 =	vadd.f32 v12, v11  }
0x8b: {  	[tilespmem:$0x1023C] =	vst v11  }
0x8c: {  	v51 =	vlaneseq.u32;
	[tilespmem:$0x1027D] =	vst v11;
	v12 =	vmul.f32 $5.000000000e-01, v12  }
0x8d: {  	vm0 =	veq.s32 v51, $0xF;
	[tilespmem:$0x102BE] =	vst v11  }
0x8e: {  	[tilespmem:$0x102FF] =	vst v11;
	v12 =	vsel vm0, $0x7F800000, v12  }
0x8f: {  	[tilespmem:$0xFAB0] =	vst v12  }
0x90: {  	[tilespmem:$0xFAF1] =	vst v12  }
0x91: {  	[tilespmem:$0xFB32] =	vst v12  }
0x92: {  	[tilespmem:$0xFB73] =	vst v12  }
0x93: {  	[tilespmem:$0xFBB4] =	vst v12  }
0x94: {  	[tilespmem:$0xFBF5] =	vst v12  }
0x95: {  	[tilespmem:$0xFC36] =	vst v12  }
0x96: {  	[tilespmem:$0xFC77] =	vst v12  }
0x97: {  	v52 =	vld [tilespmem:$0x1FFB0];
	[tilespmem:$0xFCB8] =	vst v12  }
0x98: {  	v53 =	vld [tilespmem:$0x1FFC0];
	[tilespmem:$0xFCF9] =	vst v12  }
0x99: {  	v54 =	vld [tilespmem:$0x1FFD0];
	[tilespmem:$0xFD3A] =	vst v12  }
0x9a: {  	[tilespmem:$0xFD7B] =	vst v12  }
0x9b: {  	[tilespmem:$0xFDBC] =	vst v12  }
0x9c: {  	[tilespmem:$0xFDFD] =	vst v12  }
0x9d: {  	[tilespmem:$0xFE3E] =	vst v12  }
0x9e: {  	[tilespmem:$0xFE7F] =	vst v12  }
0x9f: {  	v5 =	vld.idx.msk [tilespmem:v52+s18+$0x0], $0xffff  }
0xa0: {  	v12 =	vld.idx.msk [tilespmem:v53+s18+$0x0], $0xffff  }
0xa1: {  	v13 =	vld.idx.msk [tilespmem:v54+s18+$0x0], $0xffff;
	_ =	swait.ge [sflag:s19], $0x1F40  }
0xa2: {  	[sflag:s19] =	ssyncset.done $0x0  }
0xa3: {  	s28 =	simm.s32 $0x50;
	[sflag:s19] =	ssyncadd.s32 $0xFFFFE0C0  }
0xa4: {  	s11 =	sand.u32 $0x1FE0, s3;
	v15 =	vld [tilespmem:s28+$0x40]  }
0xa5: {  	v14 =	vld [tilespmem:s11+$0x80]  }
0xa6: {  	v33 =	vld [tilespmem:s28+$0xFFFFFFE0]  }
0xa7: {  	v32 =	vld [tilespmem:s28+$0xFFFFFFF0]  }
0xa8: {  	v30 =	vld [tilespmem:s28+$0x0];
	_ =	sdelay $0x3  }
0xa9: {  	v31 =	vld [tilespmem:s28+$0x10];
	vm0 =	vlt.f32 v5, v15;
	vm1 =	vlt.f32 v5, v14  }
0xaa: {  	v36 =	vld [tilespmem:s28+$0xFFFFFFB0];
	vm2 =	vlt.f32 v5, v33;
	vm3 =	vlt.f32 v5, v32;
	vm4 =	vlt.f32 v5, v30  }
0xab: {  	v16 =	vsel vm0, v13, v12;
	v17 =	vsel vm0, v9, v3;
	v18 =	vsel vm1, v13, v12  }
0xac: {  	vm0 =	vlt.f32 v16, v15;
	v16 =	vsel vm1, v9, v3;
	v19 =	vor.u32 $0x10, v17  }
0xad: {  	vm1 =	vlt.f32 v18, v14;
	v18 =	vor.u32 $0x10, v16;
	v17 =	vsel vm0, v19, v17  }
0xae: {  	v35 =	vld [tilespmem:s28+$0xFFFFFFC0];
	vm5 =	vlt.f32 v5, v31;
	v16 =	vsel vm1, v18, v16;
	v18 =	vadd.s32 $0x7, v17  }
0xaf: {  	v34 =	vld [tilespmem:s28+$0xFFFFFFD0];
	vm6 =	vlt.f32 v5, v36;
	v24 =	vsel vm2, v9, v3;
	v19 =	vadd.s32 $0x7, v16  }
0xb0: {  	v29 =	vld [tilespmem:s28+$0x20];
	v25 =	vsel vm6, v9, v3;
	v26 =	vsel vm6, v13, v12;
	v27 =	vsel vm2, v13, v12  }
0xb1: {  	v28 =	vsel vm3, v9, v3;
	v37 =	vsel vm3, v13, v12;
	v38 =	vsel vm4, v9, v3  }
0xb2: {  	v39 =	vsel vm4, v13, v12;
	v40 =	vsel vm5, v9, v3;
	v41 =	vsel vm5, v13, v12  }
0xb3: {  	v43 =	vor.u32 $0x10, v25;
	vm4 =	vlt.f32 v37, v32;
	v55 =	vor.u32 $0x10, v28;
	v18 =	vld.idx.msk [tilespmem:v18+s18+$0x0], $0xffff  }
0xb4: {  	vm5 =	vlt.f32 v39, v30;
	vm0 =	vlt.f32 v5, v35;
	vm1 =	vlt.f32 v5, v34;
	v19 =	vld.idx.msk [tilespmem:v19+s18+$0x0], $0xffff  }
0xb5: {  	v20 =	vsel vm0, v9, v3;
	v21 =	vsel vm0, v13, v12;
	vm0 =	vlt.f32 v5, v29  }
0xb6: {  	v22 =	vsel vm1, v9, v3;
	v23 =	vsel vm1, v13, v12;
	vm1 =	vlt.f32 v26, v36  }
0xb7: {  	v26 =	vsel vm0, v9, v3;
	v42 =	vsel vm0, v13, v12;
	vm0 =	vlt.f32 v21, v35  }
0xb8: {  	v21 =	vor.u32 $0x10, v22;
	vm2 =	vlt.f32 v18, v15;
	v18 =	vadd.s32 $0x8, v17  }
0xb9: {  	vm3 =	vlt.f32 v19, v14;
	v19 =	vadd.s32 $0x8, v16;
	v17 =	vsel vm2, v18, v17  }
0xba: {  	v25 =	vsel vm1, v43, v25;
	v16 =	vsel vm3, v19, v16;
	v19 =	vadd.s32 $0x3, v17  }
0xbb: {  	v18 =	vor.u32 $0x10, v20;
	vm2 =	vlt.f32 v23, v34;
	v23 =	vadd.s32 $0x3, v16  }
0xbc: {  	vm3 =	vlt.f32 v27, v33;
	v18 =	vsel vm0, v18, v20;
	v20 =	vadd.s32 $0x7, v25  }
0xbd: {  	v27 =	vor.u32 $0x10, v24;
	v21 =	vsel vm2, v21, v22;
	v22 =	vadd.s32 $0x7, v18  }
0xbe: {  	v24 =	vsel vm3, v27, v24;
	v27 =	vsel vm4, v55, v28;
	v28 =	vadd.s32 $0x7, v21  }
0xbf: {  	v56 =	vor.u32 $0x10, v38;
	vm6 =	vlt.f32 v41, v31;
	v61 =	vadd.s32 $0x7, v24;
	v19 =	vld.idx.msk [tilespmem:v19+s18+$0x0], $0xffff  }
0xc0: {  	v57 =	vor.u32 $0x10, v40;
	v59 =	vsel vm5, v56, v38;
	v62 =	vadd.s32 $0x7, v27;
	v23 =	vld.idx.msk [tilespmem:v23+s18+$0x0], $0xffff  }
0xc1: {  	v60 =	vsel vm6, v57, v40;
	vm1 =	vlt.f32 v42, v29;
	v58 =	vor.u32 $0x10, v26;
	v20 =	vld.idx.msk [tilespmem:v20+s18+$0x0], $0xffff  }
0xc2: {  	v63 =	vadd.s32 $0x7, v59;
	v0 =	vadd.s32 $0x7, v60;
	v26 =	vsel vm1, v58, v26;
	v22 =	vld.idx.msk [tilespmem:v22+s18+$0x0], $0xffff  }
0xc3: {  	v43 =	vadd.s32 $0x8, v25;
	v44 =	vadd.s32 $0x8, v18;
	v46 =	vadd.s32 $0x8, v21;
	v28 =	vld.idx.msk [tilespmem:v28+s18+$0x0], $0xffff  }
0xc4: {  	v47 =	vadd.s32 $0x8, v24;
	v39 =	vld.idx.msk [tilespmem:v61+s18+$0x0], $0xffff;
	vm0 =	vlt.f32 v19, v15;
	v19 =	vadd.s32 $0x4, v17  }
0xc5: {  	v40 =	vld.idx.msk [tilespmem:v62+s18+$0x0], $0xffff;
	vm1 =	vlt.f32 v23, v14;
	v23 =	vadd.s32 $0x4, v16;
	v17 =	vsel vm0, v19, v17  }
0xc6: {  	vm0 =	vlt.f32 v20, v36;
	v16 =	vsel vm1, v23, v16;
	v23 =	vadd.s32 $0x1, v17  }
0xc7: {  	v19 =	vadd.s32 $0x7, v26;
	v25 =	vsel vm0, v43, v25;
	vm0 =	vlt.f32 v22, v35  }
0xc8: {  	s10 =	simm.s32 $0xA0;
	v41 =	vld.idx.msk [tilespmem:v63+s18+$0x0], $0xffff;
	v45 =	vadd.s32 $0x1, v16;
	v18 =	vsel vm0, v44, v18;
	vm0 =	vlt.f32 v28, v34  }
0xc9: {  	s2 =	sand.u32 $0x1FE0, s10;
	v42 =	vld.idx.msk [tilespmem:v0+s18+$0x0], $0xffff;
	v1 =	vadd.s32 $0x3, v18;
	v21 =	vsel vm0, v46, v21;
	vm0 =	vlt.f32 v39, v33  }
0xca: {  	v24 =	vsel vm0, v47, v24;
	vm0 =	vlt.f32 v40, v32;
	v40 =	vld [tilespmem:s2+$0x80]  }
0xcb: {  	v22 =	vld.idx.msk [tilespmem:v23+s18+$0x0], $0xffff;
	v23 =	vadd.s32 $0x3, v25  }
0xcc: {  	v49 =	vadd.s32 $0x8, v59;
	v50 =	vadd.s32 $0x8, v60;
	v48 =	vadd.s32 $0x8, v27;
	v19 =	vld.idx.msk [tilespmem:v19+s18+$0x0], $0xffff  }
0xcd: {  	v20 =	vadd.s32 $0x8, v26;
	v51 =	vadd.s32 $0x2, v17;
	v2 =	vadd.s32 $0x3, v21;
	v28 =	vld.idx.msk [tilespmem:v45+s18+$0x0], $0xffff  }
0xce: {  	s12 =	simm.s32 $0xF0;
	v52 =	vadd.s32 $0x4, v21;
	v4 =	vadd.s32 $0x3, v24;
	v27 =	vsel vm0, v48, v27;
	v43 =	vld.idx.msk [tilespmem:v1+s18+$0x0], $0xffff  }
0xcf: {  	vm0 =	vlt.f32 v41, v30;
	v55 =	vadd.s32 $0x4, v24;
	v48 =	vadd.s32 $0x3, v27;
	v1 =	vld [tilespmem:s12+$0xFFFFFFC0]  }
0xd0: {  	v49 =	vsel vm0, v49, v59;
	vm0 =	vlt.f32 v42, v31;
	v56 =	vadd.s32 $0x4, v27;
	v23 =	vld.idx.msk [tilespmem:v23+s18+$0x0], $0xffff  }
0xd1: {  	v42 =	vsel vm0, v50, v60;
	vm0 =	vlt.f32 v22, v15;
	v22 =	vadd.s32 $0x3, v49  }
0xd2: {  	vm1 =	vlt.f32 v28, v14;
	v28 =	vadd.s32 $0x2, v16;
	v38 =	vsel vm0, v51, v17;
	v17 =	vld.idx.msk [tilespmem:v2+s18+$0x0], $0xffff  }
0xd3: {  	vm0 =	vlt.f32 v19, v29;
	v19 =	vadd.s32 $0x3, v42;
	v37 =	vsel vm1, v28, v16;
	v28 =	vld.idx.msk [tilespmem:v4+s18+$0x0], $0xffff  }
0xd4: {  	vm4 =	vlt.f32 v5, v40;
	v16 =	vadd.s32 $0x4, v25;
	v20 =	vsel vm0, v20, v26  }
0xd5: {  	v53 =	vld.idx.msk [tilespmem:v48+s18+$0x0], $0xffff;
	v26 =	vadd.s32 $0x4, v18;
	vm5 =	vlt.f32 v5, v1;
	vm0 =	vlt.f32 v23, v36  }
0xd6: {  	v54 =	vadd.s32 $0x3, v20;
	v22 =	vld.idx.msk [tilespmem:v22+s18+$0x0], $0xffff;
	v16 =	vsel vm0, v16, v25;
	vm0 =	vlt.f32 v43, v35  }
0xd7: {  	v25 =	vadd.s32 $0x1, v16;
	v18 =	vsel vm0, v26, v18;
	vm0 =	vlt.f32 v17, v34  }
0xd8: {  	v17 =	vld.idx.msk [tilespmem:v19+s18+$0x0], $0xffff;
	v19 =	vadd.s32 $0x1, v18;
	v21 =	vsel vm0, v52, v21;
	vm0 =	vlt.f32 v28, v33  }
0xd9: {  	v2 =	vadd.s32 $0x4, v20;
	v26 =	vld.idx.msk [tilespmem:v38+s18+$0x0], $0xffff;
	v28 =	vadd.s32 $0x1, v21;
	v24 =	vsel vm0, v55, v24  }
0xda: {  	v0 =	vsel vm5, v13, v12;
	v57 =	vld.idx.msk [tilespmem:v37+s18+$0x0], $0xffff;
	vm0 =	vlt.f32 v53, v32;
	v58 =	vadd.s32 $0x1, v24  }
0xdb: {  	v23 =	vadd.s32 $0x4, v49;
	v59 =	vsel vm0, v56, v27;
	vm0 =	vlt.f32 v22, v30;
	v22 =	vld.idx.msk [tilespmem:v54+s18+$0x0], $0xffff  }
0xdc: {  	v4 =	vadd.s32 $0x2, v16;
	v27 =	vadd.s32 $0x1, v59;
	v44 =	vsel vm0, v23, v49;
	v25 =	vld.idx.msk [tilespmem:v25+s18+$0x0], $0xffff  }
0xdd: {  	v23 =	vadd.s32 $0x4, v42;
	vm0 =	vlt.f32 v17, v31;
	v17 =	vadd.s32 $0x1, v44;
	v19 =	vld.idx.msk [tilespmem:v19+s18+$0x0], $0xffff  }
0xde: {  	vm1 =	vlt.f32 v26, v15;
	v26 =	vadd.s32 $0x2, v21;
	v42 =	vsel vm0, v23, v42;
	v23 =	vld.idx.msk [tilespmem:v28+s18+$0x0], $0xffff  }
0xdf: {  	vm2 =	vlt.f32 v57, v14;
	v14 =	vadd.s32 $0x2, v24;
	v57 =	vsel vm4, v13, v12;
	v63 =	vld.idx.msk [tilespmem:v58+s18+$0x0], $0xffff  }
0xe0: {  	v39 =	vld [tilespmem:s12+$0x40];
	v28 =	vadd.s32 $0x1, v42;
	v51 =	vadd.s32 $0x2, v42;
	vm0 =	vlt.f32 v22, v29  }
0xe1: {  	v22 =	vadd.s32 $0x2, v44;
	v54 =	vld.idx.msk [tilespmem:v27+s18+$0x0], $0xffff;
	v27 =	vadd.s32 $0x2, v18;
	v41 =	vsel vm0, v2, v20  }
0xe2: {  	v20 =	vadd.s32 $0x2, v59;
	v2 =	vld [tilespmem:s12+$0xFFFFFFE0];
	v50 =	vadd.s32 $0x1, v41;
	vm0 =	vlt.f32 v25, v36  }
0xe3: {  	v55 =	vld.idx.msk [tilespmem:v17+s18+$0x0], $0xffff;
	v8 =	vsel vm0, v4, v16;
	vm0 =	vlt.f32 v19, v35;
	vm3 =	vlt.f32 v23, v34  }
0xe4: {  	v17 =	vld [tilespmem:s12+$0xFFFFFFF0];
	v19 =	vsel vm0, v27, v18;
	v25 =	vsel vm3, v26, v21;
	vm0 =	vlt.f32 v63, v33  }
0xe5: {  	v6 =	vld [tilespmem:s12+$0x10];
	vm3 =	vlt.f32 v5, v39;
	v26 =	vsel vm4, v9, v3;
	vm4 =	vlt.f32 v57, v40  }
0xe6: {  	v4 =	vld [tilespmem:s12+$0xFFFFFFD0];
	v61 =	vsel vm0, v14, v24;
	vm0 =	vlt.f32 v54, v32;
	v14 =	vsel vm3, v13, v12  }
0xe7: {  	v56 =	vld.idx.msk [tilespmem:v28+s18+$0x0], $0xffff;
	v24 =	vsel vm3, v9, v3;
	vm7 =	vlt.f32 v5, v2;
	v62 =	vsel vm0, v20, v59  }
0xe8: {  	v27 =	vld [tilespmem:s12+$0x0];
	vm0 =	vlt.f32 v55, v30;
	vm3 =	vlt.f32 v14, v39;
	v58 =	vor.u32 $0x10, v24  }
0xe9: {  	v59 =	vor.u32 $0x10, v26;
	vm8 =	vlt.f32 v5, v17;
	v55 =	vsel vm7, v13, v12  }
0xea: {  	v45 =	vsel vm3, v58, v24;
	v20 =	vsel vm0, v22, v44;
	v43 =	vsel vm4, v59, v26  }
0xeb: {  	v14 =	vld [tilespmem:s12+$0x20];
	vm6 =	vlt.f32 v5, v4;
	vm3 =	vlt.f32 v5, v6;
	vm9 =	vlt.f32 v55, v2  }
0xec: {  	v22 =	vld [tilespmem:s12+$0xFFFFFFB0];
	v60 =	vadd.s32 $0x7, v45;
	vm0 =	vlt.f32 v56, v31;
	v63 =	vadd.s32 $0x7, v43  }
0xed: {  	vm4 =	vlt.f32 v5, v27;
	v48 =	vsel vm6, v9, v3;
	v56 =	vsel vm8, v9, v3  }
0xee: {  	v49 =	vsel vm3, v13, v12;
	v59 =	vadd.s32 $0x8, v45;
	v11 =	vsel vm0, v51, v42  }
0xef: {  	v42 =	vsel vm5, v9, v3;
	v51 =	vsel vm7, v9, v3;
	v47 =	vsel vm4, v13, v12  }
0xf0: {  	[tilespmem:$0x1FF60] =	vst v5;
	v58 =	vor.u32 $0x10, v48;
	vm12 =	vlt.f32 v49, v6;
	vm11 =	vlt.f32 v47, v27  }
0xf1: {  	vm0 =	vlt.f32 v5, v14;
	vm5 =	vlt.f32 v5, v22;
	v5 =	vsel vm6, v13, v12;
	v44 =	vld.idx.msk [tilespmem:v60+s18+$0x0], $0xffff  }
0xf2: {  	vm6 =	vlt.f32 v0, v1;
	v57 =	vsel vm0, v13, v12;
	v0 =	vadd.s32 $0x8, v43;
	v46 =	vld.idx.msk [tilespmem:v63+s18+$0x0], $0xffff  }
0xf3: {  	v54 =	vld.idx.msk [tilespmem:v8+s18+$0x0], $0xffff;
	v52 =	vsel vm5, v9, v3;
	v53 =	vsel vm5, v13, v12;
	v63 =	vor.u32 $0x10, v42  }
0xf4: {  	v47 =	vld.idx.msk [tilespmem:v61+s18+$0x0], $0xffff;
	vm15 =	vlt.f32 v57, v14;
	v57 =	vsel vm0, v9, v3;
	vm5 =	vlt.f32 v53, v22  }
0xf5: {  	v49 =	vld.idx.msk [tilespmem:v62+s18+$0x0], $0xffff;
	v53 =	vsel vm8, v13, v12;
	vm8 =	vlt.f32 v5, v4;
	v60 =	vor.u32 $0x10, v52  }
0xf6: {  	v5 =	vld.idx.msk [tilespmem:v19+s18+$0x0], $0xffff;
	v42 =	vsel vm6, v63, v42;
	v63 =	vor.u32 $0x10, v56;
	vm7 =	vlt.f32 v44, v39  }
0xf7: {  	vm10 =	vlt.f32 v46, v40;
	v46 =	vsel vm5, v60, v52;
	v44 =	vsel vm7, v59, v45  }
0xf8: {  	vm7 =	vlt.f32 v54, v36;
	v36 =	vsel vm10, v0, v43;
	v0 =	vadd.s32 $0x7, v46  }
0xf9: {  	v60 =	vsel vm4, v9, v3;
	vm5 =	vlt.f32 v47, v33;
	v52 =	vadd.s32 $0x3, v44  }
0xfa: {  	vm10 =	vlt.f32 v53, v17;
	v53 =	vld.idx.msk [tilespmem:v25+s18+$0x0], $0xffff;
	v59 =	vor.u32 $0x10, v51;
	v45 =	vadd.s32 $0x3, v36  }
0xfb: {  	vm6 =	vlt.f32 v5, v35;
	v5 =	vsel vm3, v9, v3;
	vm3 =	vlt.f32 v49, v32;
	v49 =	vld.idx.msk [tilespmem:v50+s18+$0x0], $0xffff  }
0xfc: {  	v43 =	vsel vm8, v58, v48;
	v48 =	vsel vm9, v59, v51;
	v51 =	vsel vm10, v63, v56;
	v56 =	vld.idx.msk [tilespmem:v20+s18+$0x0], $0xffff  }
0xfd: {  	v58 =	vor.u32 $0x10, v60;
	v33 =	vadd.s32 $0x7, v43;
	v59 =	vor.u32 $0x10, v5;
	v35 =	vld.idx.msk [tilespmem:v0+s18+$0x0], $0xffff  }
0xfe: {  	v47 =	vsel vm11, v58, v60;
	v60 =	vor.u32 $0x10, v57;
	v32 =	vadd.s32 $0x7, v48;
	v52 =	vld.idx.msk [tilespmem:v52+s18+$0x0], $0xffff  }
0xff: {  	v63 =	vadd.s32 $0x2, v41;
	vm4 =	vlt.f32 v53, v34;
	v34 =	vadd.s32 $0x7, v42;
	v45 =	vld.idx.msk [tilespmem:v45+s18+$0x0], $0xffff  }
0x100: {  	v50 =	vsel vm12, v59, v5;
	v5 =	vadd.s32 $0x7, v51;
	v58 =	vadd.s32 $0x8, v48  }
0x101: {  	v53 =	vsel vm15, v60, v57;
	v0 =	vadd.s32 $0x7, v47;
	vm15 =	vlt.f32 v49, v29;
	v49 =	vld.idx.msk [tilespmem:v11+s18+$0x0], $0xffff  }
0x102: {  	v60 =	vadd.s32 $0x8, v46;
	vm0 =	vlt.f32 v56, v30;
	v30 =	vadd.s32 $0x4, v44;
	v33 =	vld.idx.msk [tilespmem:v33+s18+$0x0], $0xffff  }
0x103: {  	v32 =	vld.idx.msk [tilespmem:v32+s18+$0x0], $0xffff;
	vm12 =	vlt.f32 v35, v22;
	v35 =	vadd.s32 $0x7, v53;
	vm13 =	vlt.f32 v52, v39  }
0x104: {  	v34 =	vld.idx.msk [tilespmem:v34+s18+$0x0], $0xffff;
	vm14 =	vlt.f32 v45, v40;
	v44 =	vsel vm13, v30, v44;
	v30 =	vadd.s32 $0x4, v36  }
0x105: {  	v36 =	vsel vm14, v30, v36;
	v30 =	vsel vm15, v63, v41;
	v63 =	vadd.s32 $0x1, v44  }
0x106: {  	v57 =	vadd.s32 $0x8, v43;
	v54 =	vld.idx.msk [tilespmem:v5+s18+$0x0], $0xffff;
	v45 =	vadd.s32 $0x7, v50;
	v46 =	vsel vm12, v60, v46  }
0x107: {  	v5 =	vadd.s32 $0x8, v42;
	v59 =	vld.idx.msk [tilespmem:v0+s18+$0x0], $0xffff;
	v0 =	vimm.s32 $0x0;
	v41 =	vadd.s32 $0x3, v46  }
0x108: {  	v60 =	vsel vm1, $0x1, v0;
	vm1 =	vlt.f32 v49, v31;
	v52 =	vadd.s32 $0x1, v36  }
0x109: {  	vm14 =	vlt.f32 v33, v4;
	vm15 =	vlt.f32 v32, v2;
	vm13 =	vlt.f32 v34, v1;
	v35 =	vld.idx.msk [tilespmem:v35+s18+$0x0], $0xffff  }
0x10a: {  	v33 =	vsel vm7, $0x1, v0;
	v34 =	vsel vm13, v5, v42;
	v42 =	vsel vm14, v57, v43;
	v31 =	vld.idx.msk [tilespmem:v63+s18+$0x0], $0xffff  }
0x10b: {  	v57 =	vadd.s32 $0x3, v34;
	v63 =	vsel vm2, $0x1, v0;
	vm2 =	vlt.f32 v54, v17;
	v54 =	vld.idx.msk [tilespmem:v45+s18+$0x0], $0xffff  }
0x10c: {  	v32 =	vsel vm15, v58, v48;
	v58 =	vadd.s32 $0x8, v47;
	v5 =	vadd.s32 $0x8, v51;
	v41 =	vld.idx.msk [tilespmem:v41+s18+$0x0], $0xffff  }
0x10d: {  	v55 =	vadd.s32 $0x2, v36;
	v56 =	vld.idx.msk [tilespmem:v52+s18+$0x0], $0xffff;
	v52 =	vadd.s32 v60, v38;
	v45 =	vsel vm2, v5, v51  }
0x10e: {  	vm2 =	vlt.f32 v59, v27;
	v59 =	vadd.s32 $0x3, v42;
	v37 =	vadd.s32 v63, v37  }
0x10f: {  	v60 =	vadd.s32 $0x3, v32;
	v5 =	vld.idx.msk [tilespmem:v30+s18+$0x0], $0xffff;
	v47 =	vsel vm2, v58, v47;
	v63 =	vadd.s32 $0x3, v45  }
0x110: {  	vm7 =	vlt.f32 v35, v14;
	v58 =	vadd.s32 $0x3, v47;
	v38 =	vld.idx.msk [tilespmem:v57+s18+$0x0], $0xffff;
	v57 =	vadd.s32 $0x8, v53  }
0x111: {  	vm2 =	vlt.f32 v31, v39;
	v31 =	vadd.s32 $0x2, v44;
	v53 =	vsel vm7, v57, v53  }
0x112: {  	vm7 =	vlt.f32 v41, v22;
	v31 =	vsel vm2, v31, v44;
	vm2 =	vlt.f32 v56, v40  }
0x113: {  	v56 =	vadd.s32 $0x8, v50;
	v51 =	vld.idx.msk [tilespmem:v59+s18+$0x0], $0xffff;
	v59 =	vadd.s32 $0x4, v46;
	v49 =	vsel vm2, v55, v36  }
0x114: {  	v43 =	vld.idx.msk [tilespmem:v60+s18+$0x0], $0xffff;
	v60 =	vadd.s32 $0x4, v42;
	vm2 =	vlt.f32 v54, v6;
	v46 =	vsel vm7, v59, v46  }
0x115: {  	v48 =	vld.idx.msk [tilespmem:v63+s18+$0x0], $0xffff;
	v54 =	vadd.s32 $0x3, v53;
	v50 =	vsel vm2, v56, v50;
	vm2 =	vlt.f32 v5, v29  }
0x116: {  	v29 =	vadd.s32 $0x4, v34;
	v56 =	vld.idx.msk [tilespmem:v58+s18+$0x0], $0xffff;
	v41 =	vadd.s32 $0x3, v50;
	vm7 =	vlt.f32 v38, v1  }
0x117: {  	v63 =	vadd.s32 $0x4, v32;
	v36 =	vsel vm6, $0x1, v0;
	v29 =	vsel vm7, v29, v34;
	v44 =	vld.idx.msk [tilespmem:v31+s18+$0x0], $0xffff  }
0x118: {  	v34 =	vadd.s32 $0x4, v50;
	vm7 =	vlt.f32 v51, v4;
	v58 =	vadd.s32 $0x1, v29;
	v5 =	vld.idx.msk [tilespmem:v49+s18+$0x0], $0xffff  }
0x119: {  	v51 =	vsel vm5, $0x1, v0;
	v55 =	vsel vm7, v60, v42;
	v42 =	vadd.s32 $0x1, v46  }
0x11a: {  	vm7 =	vlt.f32 v43, v2;
	vm6 =	vlt.f32 v48, v17;
	v60 =	vadd.s32 $0x4, v45  }
0x11b: {  	v35 =	vsel vm7, v63, v32;
	v63 =	vadd.s32 $0x4, v47;
	v38 =	vsel vm6, v60, v45;
	v43 =	vld.idx.msk [tilespmem:v41+s18+$0x0], $0xffff  }
0x11c: {  	v52 =	vld.idx.msk [tilespmem:v52+s20+$0x0], $0xffff;
	v60 =	vadd.s32 $0x1, v35;
	vm7 =	vlt.f32 v44, v39;
	v44 =	vadd.s32 $0x1, v55  }
0x11d: {  	v39 =	vadd.s32 $0x2, v46;
	vm6 =	vlt.f32 v5, v40;
	v5 =	vld.idx.msk [tilespmem:v54+s18+$0x0], $0xffff;
	v59 =	vsel vm7, $0x1, v0  }
0x11e: {  	vm7 =	vlt.f32 v56, v27;
	v56 =	vld.idx.msk [tilespmem:v58+s18+$0x0], $0xffff;
	v54 =	vadd.s32 v59, v31;
	v31 =	vadd.s32 $0x1, v38  }
0x11f: {  	v40 =	vadd.s32 $0x4, v53;
	v42 =	vld.idx.msk [tilespmem:v42+s18+$0x0], $0xffff;
	v41 =	vsel vm7, v63, v47;
	v63 =	vsel vm6, $0x1, v0  }
0x120: {  	v58 =	vld.idx.msk [tilespmem:v37+s20+$0x0], $0xffff;
	v37 =	vadd.s32 $0x2, v35;
	vm7 =	vlt.f32 v43, v6;
	v57 =	vadd.s32 v63, v49  }
0x121: {  	v43 =	vadd.s32 $0x2, v29;
	v59 =	vadd.s32 $0x1, v41;
	v45 =	vsel vm7, v34, v50;
	v44 =	vld.idx.msk [tilespmem:v44+s18+$0x0], $0xffff  }
0x122: {  	v60 =	vld.idx.msk [tilespmem:v60+s18+$0x0], $0xffff;
	v47 =	vadd.s32 $0x2, v41;
	vm6 =	vlt.f32 v5, v14;
	v5 =	vadd.s32 $0x1, v45  }
0x123: {  	v15 =	vmovc v3;
	v16 =	vmovc v1;
	v50 =	vadd.s32 $0x2, v55;
	v48 =	vadd.s32 $0x2, v45;
	vm7 =	vlt.f32 v56, v1;
	v49 =	vld.idx.msk [tilespmem:v31+s18+$0x0], $0xffff  }
0x124: {  	s12 =	simm.s32 $0x7D50;
	v18 =	vmovc v4;
	v32 =	vsel vm6, v40, v53;
	vm6 =	vlt.f32 v42, v22;
	v31 =	vadd.s32 $0x2, v38;
	v40 =	vld.idx.msk [tilespmem:v54+s20+$0x0], $0xffff  }
0x125: {  	[tilespmem:s12+$0x40] =	vst v52;
	v43 =	vsel vm7, v43, v29;
	v53 =	vsel vm3, $0x1, v0;
	v42 =	vsel vm6, v39, v46;
	v39 =	vld.idx.msk [tilespmem:v57+s20+$0x0], $0xffff  }
0x126: {  	[tilespmem:s11+$0x7D80] =	vst v58;
	v58 =	vmovc v2;
	v46 =	vadd.s32 $0x1, v32;
	v34 =	vadd.s32 $0x2, v32;
	v54 =	vld.idx.msk [tilespmem:v59+s18+$0x0], $0xffff;
	vm6 =	vlt.f32 v44, v4  }
0x127: {  	s21 =	simm.s32 $0xA;
	s23 =	simm.s32 $0x190;
	s11 =	simm.s32 $0x7D50;
	v44 =	vsel vm6, v50, v55;
	v50 =	vsel vm4, $0x1, v0;
	vm4 =	vlt.f32 v60, v2;
	v60 =	vmovc v6;
	v52 =	vld.idx.msk [tilespmem:v5+s18+$0x0], $0xffff  }
.LBB2_2:
0x128: {  	v29 =	vld [tilespmem:s23+$0x40]  }
0x129: {  	v35 =	vsel vm4, v37, v35;
	v37 =	vld [tilespmem:s23+$0xFFFFFFC0]  }
0x12a: {  	[tilespmem:$0x1FF30] =	vst v27;
	v28 =	vimm.s32 $0x0;
	v59 =	vadd.s32 v36, v19;
	v51 =	vadd.s32 v51, v61;
	v0 =	vld [tilespmem:$0x1FF60]  }
0x12b: {  	[tilespmem:$0x1FF10] =	vst v58;
	v53 =	vadd.s32 v53, v62;
	v1 =	vmovc v42;
	v42 =	vld [tilespmem:s23+$0x10];
	v5 =	vsel vm0, $0x1, v28;
	v56 =	vsel vm1, $0x1, v28  }
0x12c: {  	v3 =	vmovc v14;
	v2 =	vmovc v44;
	v57 =	vsel vm2, $0x1, v28;
	vm3 =	vlt.f32 v49, v17;
	v58 =	vadd.s32 v33, v8  }
0x12d: {  	s10 =	sadd.s32 $0xA0, s10;
	v14 =	vmovc v35;
	v35 =	vld [tilespmem:s23+$0x20];
	v50 =	vadd.s32 v50, v25;
	v49 =	vadd.s32 v5, v20;
	vm0 =	vlt.f32 v54, v27  }
0x12e: {  	v44 =	vld.idx.msk [tilespmem:v44+s18+$0x0], $0xffff;
	s25 =	sand.u32 $0x1FE0, s10;
	v54 =	vadd.s32 v56, v11;
	v56 =	vadd.s32 v57, v30;
	vm2 =	vlt.f32 v52, v60  }
0x12f: {  	[tilespmem:$0x1FF20] =	vst v17;
	s12 =	sadd.s32 $0xA0, s12;
	v55 =	vsel vm3, v31, v38;
	v31 =	vld [tilespmem:s25+$0x80];
	vm1 =	vlt.f32 v0, v29;
	v20 =	vsel vm0, v47, v41  }
0x130: {  	[tilespmem:s12+$0x40] =	vst v40;
	v40 =	vld [tilespmem:s23+$0xFFFFFFF0];
	vm0 =	vlt.f32 v0, v37;
	v11 =	vsel vm2, v48, v45;
	vm5 =	vlt.f32 v0, v42  }
0x131: {  	v30 =	vld [tilespmem:s23+$0xFFFFFFB0];
	v17 =	vmovc v55;
	v27 =	vsel vm1, v13, v12;
	v57 =	vsel vm1, v9, v15;
	v55 =	vsel vm0, v9, v15  }
0x132: {  	v19 =	vmovc v43;
	v38 =	vld [tilespmem:s23+$0xFFFFFFD0];
	vm6 =	vlt.f32 v0, v35;
	v7 =	vsel vm5, v9, v15;
	v8 =	vsel vm5, v13, v12  }
0x133: {  	v41 =	vld [tilespmem:s23+$0x0];
	vm1 =	vlt.f32 v27, v29;
	v63 =	vor.u32 $0x10, v57;
	v21 =	vsel vm6, v13, v12  }
0x134: {  	v33 =	vld.idx.msk [tilespmem:v46+s18+$0x0], $0xffff;
	v47 =	vsel vm1, v63, v57;
	v57 =	vsel vm0, v13, v12;
	vm2 =	vlt.f32 v0, v31  }
0x135: {  	[tilespmem:s2+$0x7D80] =	vst v39;
	v39 =	vld [tilespmem:s23+$0xFFFFFFE0];
	v5 =	vadd.s32 $0x7, v47;
	v61 =	vsel vm2, v9, v15;
	v62 =	vsel vm2, v13, v12  }
0x136: {  	v36 =	vld.idx.msk [tilespmem:v1+s18+$0x0], $0xffff;
	vm3 =	vlt.f32 v0, v40;
	vm2 =	vlt.f32 v62, v31;
	v4 =	vor.u32 $0x10, v61  }
0x137: {  	v43 =	vld.idx.msk [tilespmem:v19+s18+$0x0], $0xffff;
	vm0 =	vlt.f32 v0, v30;
	vm1 =	vlt.f32 v0, v38;
	v48 =	vsel vm2, v4, v61  }
0x138: {  	[tilespmem:$0x1FF40] =	vst v2;
	v59 =	vld.idx.msk [tilespmem:v59+s20+$0x0], $0xffff;
	vm4 =	vlt.f32 v0, v41;
	v63 =	vsel vm0, v9, v15;
	v46 =	vadd.s32 $0x7, v48  }
0x139: {  	v27 =	vmovc v60;
	v2 =	vsel vm3, v9, v15;
	v60 =	vsel vm1, v9, v15;
	v6 =	vsel vm4, v13, v12  }
0x13a: {  	[tilespmem:$0x1FF50] =	vst v1;
	v24 =	vor.u32 $0x10, v63;
	vm2 =	vlt.f32 v0, v39;
	v61 =	vsel vm1, v13, v12;
	v52 =	vld.idx.msk [tilespmem:v5+s18+$0x0], $0xffff  }
0x13b: {  	v45 =	vld.idx.msk [tilespmem:v14+s18+$0x0], $0xffff;
	v0 =	vsel vm0, v13, v12;
	v4 =	vsel vm3, v13, v12;
	v1 =	vsel vm2, v13, v12  }
0x13c: {  	vm1 =	vlt.f32 v57, v37;
	v57 =	vor.u32 $0x10, v55;
	vm3 =	vlt.f32 v1, v39;
	v1 =	vld.idx.msk [tilespmem:v58+s20+$0x0], $0xffff  }
0x13d: {  	v62 =	vsel vm2, v9, v15;
	v5 =	vsel vm4, v9, v15;
	vm0 =	vlt.f32 v0, v30;
	v46 =	vld.idx.msk [tilespmem:v46+s18+$0x0], $0xffff  }
0x13e: {  	v50 =	vld.idx.msk [tilespmem:v50+s20+$0x0], $0xffff;
	v0 =	vsel vm6, v9, v15;
	vm2 =	vlt.f32 v61, v38;
	v61 =	vor.u32 $0x10, v60  }
0x13f: {  	v49 =	vld.idx.msk [tilespmem:v49+s20+$0x0], $0xffff;
	vm6 =	vlt.f32 v8, v42;
	vm4 =	vlt.f32 v52, v29;
	v52 =	vadd.s32 $0x8, v47  }
0x140: {  	v56 =	vld.idx.msk [tilespmem:v56+s20+$0x0], $0xffff;
	v24 =	vsel vm0, v24, v63;
	vm0 =	vlt.f32 v21, v35;
	v47 =	vsel vm4, v52, v47  }
0x141: {  	v8 =	vor.u32 $0x10, v7;
	[tilespmem:s11+$0xFFFFFFB0] =	vst v1;
	v1 =	vld.idx.msk [tilespmem:v54+s20+$0x0], $0xffff;
	v54 =	vsel vm1, v57, v55;
	v55 =	vsel vm2, v61, v60  }
0x142: {  	vm2 =	vlt.f32 v43, v16;
	v16 =	vld [tilespmem:$0x1FF10];
	vm5 =	vlt.f32 v46, v31;
	v46 =	vadd.s32 $0x8, v48  }
0x143: {  	v23 =	vld.idx.msk [tilespmem:v20+s18+$0x0], $0xffff;
	vm4 =	vlt.f32 v4, v40;
	v4 =	vsel vm5, v46, v48;
	v46 =	vadd.s32 $0x3, v47  }
0x144: {  	v10 =	vld.idx.msk [tilespmem:v17+s18+$0x0], $0xffff;
	v21 =	vor.u32 $0x10, v0;
	vm5 =	vlt.f32 v6, v41;
	v6 =	vadd.s32 $0x3, v4  }
0x145: {  	v58 =	vor.u32 $0x10, v62;
	v7 =	vsel vm6, v8, v7;
	v0 =	vsel vm0, v21, v0;
	v52 =	vld.idx.msk [tilespmem:v53+s20+$0x0], $0xffff  }
0x146: {  	[tilespmem:s11+$0xFFFFFFC0] =	vst v59;
	v59 =	vadd.s32 $0x7, v7;
	v21 =	vadd.s32 $0x7, v55;
	v48 =	vld.idx.msk [tilespmem:v51+s20+$0x0], $0xffff;
	v51 =	vor.u32 $0x10, v2  }
0x147: {  	[tilespmem:s11+$0x0] =	vst v49;
	v49 =	vadd.s32 $0x8, v7;
	v2 =	vsel vm4, v51, v2;
	vm4 =	vlt.f32 v45, v16;
	v16 =	vld [tilespmem:$0x1FF20]  }
0x148: {  	v53 =	vor.u32 $0x10, v5;
	v57 =	vsel vm3, v58, v62;
	v51 =	vadd.s32 $0x7, v54;
	v8 =	vld.idx.msk [tilespmem:v46+s18+$0x0], $0xffff  }
0x149: {  	v60 =	vadd.s32 $0x7, v0;
	v61 =	vadd.s32 $0x8, v54;
	v46 =	vadd.s32 $0x7, v24;
	v6 =	vld.idx.msk [tilespmem:v6+s18+$0x0], $0xffff  }
0x14a: {  	v25 =	vld.idx.msk [tilespmem:v11+s18+$0x0], $0xffff;
	[tilespmem:s11+$0xFFFFFFD0] =	vst v50;
	v62 =	vadd.s32 $0x8, v55;
	v5 =	vsel vm5, v53, v5;
	v53 =	vadd.s32 $0x7, v57  }
0x14b: {  	[tilespmem:s11+$0xFFFFFFF0] =	vst v52;
	v52 =	vadd.s32 $0x8, v57;
	v21 =	vld.idx.msk [tilespmem:v21+s18+$0x0], $0xffff;
	vm5 =	vlt.f32 v44, v18;
	v58 =	vadd.s32 $0x7, v2  }
0x14c: {  	v50 =	vadd.s32 $0x7, v5;
	v63 =	vadd.s32 $0x8, v2;
	vm3 =	vlt.f32 v10, v16;
	v10 =	vld [tilespmem:$0x1FF30]  }
0x14d: {  	[tilespmem:s11+$0x10] =	vst v1;
	v26 =	vadd.s32 $0x8, v5;
	v1 =	vld.idx.msk [tilespmem:v51+s18+$0x0], $0xffff;
	vm0 =	vlt.f32 v8, v29;
	v8 =	vadd.s32 $0x4, v47  }
0x14e: {  	[tilespmem:s11+$0xFFFFFFE0] =	vst v48;
	v46 =	vld.idx.msk [tilespmem:v46+s18+$0x0], $0xffff;
	vm1 =	vlt.f32 v6, v31;
	v6 =	vadd.s32 $0x4, v4;
	v8 =	vsel vm0, v8, v47  }
0x14f: {  	v48 =	vadd.s32 $0x8, v24;
	v51 =	vld.idx.msk [tilespmem:v53+s18+$0x0], $0xffff;
	v4 =	vsel vm1, v6, v4;
	v6 =	vadd.s32 $0x1, v8  }
0x150: {  	[tilespmem:s11+$0x20] =	vst v56;
	v56 =	vld.idx.msk [tilespmem:v58+s18+$0x0], $0xffff;
	vm0 =	vlt.f32 v33, v3;
	vm1 =	vlt.f32 v36, v22;
	v53 =	vadd.s32 $0x1, v4  }
0x151: {  	v22 =	vmovc v30;
	v30 =	vsel vm0, v34, v32;
	vm0 =	vlt.f32 v23, v10;
	v10 =	vld.idx.msk [tilespmem:v59+s18+$0x0], $0xffff;
	v59 =	vmov v38  }
0x152: {  	v44 =	vld.idx.msk [tilespmem:v50+s18+$0x0], $0xffff;
	v50 =	vmovc v37;
	v58 =	vmovc v39;
	v36 =	vsel vm2, $0x1, v28;
	v33 =	vsel vm1, $0x1, v28;
	vm2 =	vlt.f32 v21, v59  }
0x153: {  	vm1 =	vlt.f32 v25, v27;
	v34 =	vsel vm2, v62, v55;
	v62 =	vmovc v17;
	vm6 =	vlt.f32 v46, v22  }
0x154: {  	vm2 =	vlt.f32 v51, v58;
	v23 =	vsel vm6, v48, v24;
	vm6 =	vlt.f32 v1, v50;
	v45 =	vld.idx.msk [tilespmem:v6+s18+$0x0], $0xffff  }
0x155: {  	v17 =	vmovc v40;
	v39 =	vsel vm2, v52, v57;
	v6 =	vadd.s32 $0x3, v23;
	v24 =	vsel vm6, v61, v54;
	v21 =	vld.idx.msk [tilespmem:v53+s18+$0x0], $0xffff  }
0x156: {  	v27 =	vmovc v41;
	vm2 =	vlt.f32 v56, v17;
	v48 =	vadd.s32 $0x3, v34;
	v25 =	vadd.s32 $0x3, v24  }
0x157: {  	v46 =	vld.idx.msk [tilespmem:v60+s18+$0x0], $0xffff;
	v60 =	vmovc v42;
	v51 =	vadd.s32 $0x3, v39;
	v2 =	vsel vm2, v63, v2;
	vm2 =	vlt.f32 v44, v27  }
0x158: {  	v52 =	vadd.s32 $0x3, v2;
	v5 =	vsel vm2, v26, v5;
	vm2 =	vlt.f32 v10, v60  }
0x159: {  	v7 =	vsel vm2, v49, v7;
	v53 =	vadd.s32 $0x2, v8;
	vm2 =	vlt.f32 v45, v29  }
0x15a: {  	v6 =	vld.idx.msk [tilespmem:v6+s18+$0x0], $0xffff;
	vm6 =	vlt.f32 v21, v31;
	v21 =	vadd.s32 $0x2, v4;
	v1 =	vsel vm2, v53, v8  }
0x15b: {  	v10 =	vld.idx.msk [tilespmem:v25+s18+$0x0], $0xffff;
	v4 =	vsel vm6, v21, v4  }
0x15c: {  	v47 =	vadd.s32 $0x8, v0;
	v55 =	vadd.s32 $0x4, v34;
	v57 =	vadd.s32 $0x4, v39;
	v8 =	vld.idx.msk [tilespmem:v48+s18+$0x0], $0xffff  }
0x15d: {  	v63 =	vadd.s32 $0x4, v2;
	v54 =	vadd.s32 $0x4, v24;
	v26 =	vld.idx.msk [tilespmem:v51+s18+$0x0], $0xffff;
	v25 =	vadd.s32 $0x3, v5  }
0x15e: {  	v37 =	vadd.s32 $0x3, v7;
	v51 =	vsel vm4, $0x1, v28;
	v32 =	vld.idx.msk [tilespmem:v52+s18+$0x0], $0xffff;
	vm2 =	vlt.f32 v46, v35  }
0x15f: {  	v21 =	vadd.s32 $0x4, v23;
	v0 =	vsel vm2, v47, v0;
	vm2 =	vlt.f32 v6, v22;
	v49 =	vld.idx.msk [tilespmem:v1+s18+$0x0], $0xffff  }
0x160: {  	v56 =	vadd.s32 $0x3, v0;
	v21 =	vsel vm2, v21, v23;
	vm6 =	vlt.f32 v10, v50;
	v10 =	vld.idx.msk [tilespmem:v4+s18+$0x0], $0xffff  }
0x161: {  	v23 =	vadd.s32 $0x1, v21;
	v24 =	vsel vm6, v54, v24;
	vm6 =	vlt.f32 v8, v59  }
0x162: {  	v61 =	vmovc v14;
	v8 =	vld.idx.msk [tilespmem:v25+s18+$0x0], $0xffff;
	v25 =	vadd.s32 $0x1, v24;
	v52 =	vsel vm6, v55, v34;
	vm6 =	vlt.f32 v26, v58  }
0x163: {  	v40 =	vld.idx.msk [tilespmem:v30+s18+$0x0], $0xffff;
	v14 =	vmovc v35;
	v34 =	vadd.s32 $0x1, v52;
	v35 =	vsel vm6, v57, v39;
	vm6 =	vlt.f32 v32, v17  }
0x164: {  	v26 =	vld.idx.msk [tilespmem:v37+s18+$0x0], $0xffff;
	v55 =	vadd.s32 $0x1, v35;
	v38 =	vsel vm6, v63, v2;
	vm6 =	vlt.f32 v49, v29  }
0x165: {  	v53 =	vld.idx.msk [tilespmem:v56+s18+$0x0], $0xffff;
	v57 =	vadd.s32 $0x1, v38;
	vm7 =	vlt.f32 v10, v31;
	v10 =	vsel vm6, $0x1, v28  }
0x166: {  	v48 =	vadd.s32 $0x4, v5;
	v46 =	vadd.s32 $0x4, v0;
	v23 =	vld.idx.msk [tilespmem:v23+s18+$0x0], $0xffff;
	v1 =	vadd.s32 v10, v1  }
0x167: {  	v6 =	vadd.s32 $0x4, v7;
	vm6 =	vlt.f32 v8, v27;
	v25 =	vld.idx.msk [tilespmem:v25+s18+$0x0], $0xffff;
	v8 =	vsel vm7, $0x1, v28  }
0x168: {  	vm2 =	vlt.f32 v40, v3;
	v41 =	vsel vm6, v48, v5;
	v10 =	vld.idx.msk [tilespmem:v34+s18+$0x0], $0xffff;
	v4 =	vadd.s32 v8, v4  }
0x169: {  	v54 =	vadd.s32 $0x2, v21;
	vm6 =	vlt.f32 v26, v60;
	v8 =	vadd.s32 $0x1, v41;
	v63 =	vld.idx.msk [tilespmem:v55+s18+$0x0], $0xffff  }
0x16a: {  	s21 =	sadd.s32 $0xA, s21;
	v56 =	vadd.s32 $0x2, v24;
	v45 =	vsel vm6, v6, v7;
	vm6 =	vlt.f32 v53, v14;
	v49 =	vld.idx.msk [tilespmem:v57+s18+$0x0], $0xffff  }
0x16b: {  	p0 =	slt.u32 s21, $0x1EA;
	v6 =	vadd.s32 $0x1, v45;
	v32 =	vsel vm6, v46, v0;
	vm6 =	vlt.f32 v23, v22;
	v40 =	vld.idx.msk [tilespmem:v1+s20+$0x0], $0xffff  }
.Ltmp0:
0x16c: {  	v37 =	vadd.s32 $0x2, v35;
	v42 =	vsel vm6, v54, v21;
	vm6 =	vlt.f32 v25, v50;
	v25 =	vld [tilespmem:$0x1FF40];
	(pc) =	sbr.rel @p0 .LBB2_2-.Ltmp0, $4  }
0x16d: {  	v29 =	vadd.s32 $0x2, v52;
	v31 =	vadd.s32 $0x2, v38;
	v47 =	vadd.s32 $0x2, v41;
	v39 =	vld.idx.msk [tilespmem:v4+s20+$0x0], $0xffff  }
0x16e: {  	v53 =	vsel vm3, $0x1, v28;
	v48 =	vadd.s32 $0x2, v45;
	v46 =	vadd.s32 $0x1, v32;
	v54 =	vld.idx.msk [tilespmem:v8+s18+$0x0], $0xffff  }
0x16f: {  	v16 =	vmovc v50;
	v18 =	vmovc v59;
	v34 =	vadd.s32 $0x2, v32;
	v50 =	vsel vm5, $0x1, v28;
	vm5 =	vlt.f32 v10, v59;
	v8 =	vld [tilespmem:$0x1FF50]  }
0x170: {  	s2 =	smov.u32 s25;
	s23 =	sadd.s32 $0xA0, s23;
	s11 =	smov.u32 s12;
	v43 =	vsel vm6, v56, v24;
	v44 =	vsel vm5, v29, v52;
	vm4 =	vlt.f32 v63, v58;
	v52 =	vld.idx.msk [tilespmem:v6+s18+$0x0], $0xffff  }
0x171: {  	_ =	sdelay $0x2  }
0x172: {  	v0 =	vsel vm4, v37, v35  }
0x173: {  	v2 =	vld.idx.msk [tilespmem:v46+s18+$0x0], $0xffff;
	v21 =	vadd.s32 v36, v19  }
0x174: {  	v5 =	vld.idx.msk [tilespmem:v42+s18+$0x0], $0xffff;
	v24 =	vadd.s32 v50, v25  }
0x175: {  	vm3 =	vlt.f32 v49, v17;
	v7 =	vld.idx.msk [tilespmem:v43+s18+$0x0], $0xffff;
	v26 =	vadd.s32 v51, v61  }
0x176: {  	v10 =	vld.idx.msk [tilespmem:v44+s18+$0x0], $0xffff;
	v1 =	vsel vm3, v31, v38;
	vm3 =	vlt.f32 v54, v27  }
0x177: {  	v4 =	vsel vm3, v47, v41;
	v23 =	vld.idx.msk [tilespmem:v0+s18+$0x0], $0xffff  }
0x178: {  	v8 =	vadd.s32 v33, v8;
	vm3 =	vlt.f32 v52, v60;
	v21 =	vld.idx.msk [tilespmem:v21+s20+$0x0], $0xffff  }
0x179: {  	v55 =	vimm.s32 $0x0;
	v6 =	vsel vm3, v48, v45;
	vm3 =	vlt.f32 v2, v14;
	v24 =	vld.idx.msk [tilespmem:v24+s20+$0x0], $0xffff  }
0x17a: {  	v29 =	vsel vm0, $0x1, v55;
	vm0 =	vlt.f32 v5, v22;
	v22 =	vld.idx.msk [tilespmem:v26+s20+$0x0], $0xffff;
	v28 =	vsel vm3, v34, v32  }
0x17b: {  	v31 =	vadd.s32 v53, v62;
	v3 =	vsel vm2, $0x1, v55;
	v25 =	vld.idx.msk [tilespmem:v1+s18+$0x0], $0xffff  }
0x17c: {  	v19 =	vmov v27;
	v36 =	vadd.s32 v3, v30;
	v27 =	vld.idx.msk [tilespmem:v4+s18+$0x0], $0xffff  }
0x17d: {  	s10 =	sadd.s32 $0xA0, s12;
	v63 =	vsel vm1, $0x1, v55;
	v29 =	vadd.s32 v29, v20;
	v8 =	vld.idx.msk [tilespmem:v8+s20+$0x0], $0xffff  }
0x17e: {  	[tilespmem:s10+$0x40] =	vst v40;
	vm1 =	vlt.f32 v7, v16;
	v32 =	vadd.s32 v63, v11;
	v37 =	vsel vm0, $0x1, v55;
	v61 =	vld.idx.msk [tilespmem:v6+s18+$0x0], $0xffff  }
0x17f: {  	vm0 =	vlt.f32 v10, v18;
	v10 =	vsel vm1, $0x1, v55;
	v18 =	vmovc v17;
	v7 =	vadd.s32 v37, v42;
	v3 =	vld.idx.msk [tilespmem:v28+s18+$0x0], $0xffff  }
0x180: {  	[tilespmem:s2+$0x7D80] =	vst v39;
	v17 =	vld.idx.msk [tilespmem:v31+s20+$0x0], $0xffff;
	v16 =	vsel vm0, $0x1, v55;
	v10 =	vadd.s32 v10, v43;
	vm0 =	vlt.f32 v25, v18  }
0x181: {  	v5 =	vld.idx.msk [tilespmem:v36+s20+$0x0], $0xffff;
	v16 =	vadd.s32 v16, v44;
	vm1 =	vlt.f32 v23, v58;
	[tilespmem:s11+$0xFFFFFFC0] =	vst v21;
	v20 =	vsel vm0, $0x1, v55  }
0x182: {  	v23 =	vld.idx.msk [tilespmem:v29+s20+$0x0], $0xffff;
	[tilespmem:s11+$0xFFFFFFB0] =	vst v8;
	v8 =	vsel vm1, $0x1, v55;
	vm1 =	vlt.f32 v27, v19;
	v1 =	vadd.s32 v20, v1  }
0x183: {  	[tilespmem:s11+$0xFFFFFFD0] =	vst v24;
	v18 =	vld.idx.msk [tilespmem:v32+s20+$0x0], $0xffff;
	v0 =	vadd.s32 v8, v0;
	v38 =	vsel vm1, $0x1, v55;
	vm0 =	vlt.f32 v61, v60  }
0x184: {  	[tilespmem:s11+$0xFFFFFFE0] =	vst v22;
	v39 =	vld.idx.msk [tilespmem:v7+s20+$0x0], $0xffff;
	v2 =	vadd.s32 v38, v4;
	vm1 =	vlt.f32 v3, v14;
	v8 =	vsel vm0, $0x1, v55  }
0x185: {  	[tilespmem:s11+$0xFFFFFFF0] =	vst v17;
	v40 =	vsel vm1, $0x1, v55;
	v6 =	vadd.s32 v8, v6;
	v8 =	vld.idx.msk [tilespmem:v10+s20+$0x0], $0xffff  }
0x186: {  	[tilespmem:s11+$0x20] =	vst v5;
	v10 =	vld.idx.msk [tilespmem:v16+s20+$0x0], $0xffff;
	v7 =	vadd.s32 v40, v28  }
0x187: {  	[tilespmem:s11+$0x0] =	vst v23;
	v1 =	vld.idx.msk [tilespmem:v1+s20+$0x0], $0xffff  }
0x188: {  	[tilespmem:s11+$0x10] =	vst v18;
	v0 =	vld.idx.msk [tilespmem:v0+s20+$0x0], $0xffff  }
0x189: {  	[tilespmem:s10+$0xFFFFFFB0] =	vst v39;
	v2 =	vld.idx.msk [tilespmem:v2+s20+$0x0], $0xffff  }
0x18a: {  	v41 =	vld.idx.msk [tilespmem:v6+s20+$0x0], $0xffff;
	[tilespmem:s10+$0xFFFFFFC0] =	vst v8  }
0x18b: {  	[tilespmem:s10+$0xFFFFFFD0] =	vst v10;
	v42 =	vld.idx.msk [tilespmem:v7+s20+$0x0], $0xffff  }
0x18c: {  	[tilespmem:s10+$0xFFFFFFF0] =	vst v1  }
0x18d: {  	[tilespmem:s10+$0xFFFFFFE0] =	vst v0  }
0x18e: {  	[tilespmem:s10+$0x0] =	vst v2  }
0x18f: {  	[tilespmem:s10+$0x10] =	vst v41  }
0x190: {  	s23 =	simm.s32 $0x7D00;
	[tilespmem:s10+$0x20] =	vst v42  }
0x191: {  	[hbm4b:s8+s3] =	stream.linear.scatter [tilespmem:s23], [sflag:$0x5], $0x1F40, $0x38;
	[tilespmem:$0x10380] =	vst v63  }
0x192: {  	_ =	swait.ge [sflag:s22], $0x1F40  }
0x193: {  	[sflag:s22] =	ssyncset.done $0x0  }
0x194: {  	s25 =	simm.s32 $0x1F40;
	v11 =	vld [tilespmem:$0x1FF60];
	[sflag:s22] =	ssyncadd.s32 $0xFFFFE0C0  }
0x195: {  	s28 =	sand.u32 $0x3FE0, s25;
	v3 =	vld [tilespmem:s25+$0x90]  }
0x196: {  	v14 =	vld [tilespmem:s28+$0x80]  }
0x197: {  	v33 =	vld [tilespmem:s25+$0x30]  }
0x198: {  	v32 =	vld [tilespmem:s25+$0x40];
	_ =	sdelay $0x2  }
0x199: {  	v30 =	vld [tilespmem:s25+$0x50]  }
0x19a: {  	v31 =	vld [tilespmem:s25+$0x60];
	vm0 =	vlt.f32 v11, v3  }
0x19b: {  	v36 =	vld [tilespmem:s25+$0x0];
	vm1 =	vlt.f32 v11, v14;
	vm2 =	vlt.f32 v11, v33;
	vm3 =	vlt.f32 v11, v32  }
0x19c: {  	v43 =	vsel vm0, v13, v12;
	v44 =	vsel vm0, v9, v15;
	v45 =	vsel vm1, v9, v15  }
0x19d: {  	v46 =	vsel vm1, v13, v12;
	vm0 =	vlt.f32 v43, v3;
	v47 =	vor.u32 $0x10, v44  }
0x19e: {  	vm1 =	vlt.f32 v46, v14;
	v48 =	vor.u32 $0x10, v45;
	v1 =	vsel vm0, v47, v44  }
0x19f: {  	vm4 =	vlt.f32 v11, v30;
	v0 =	vsel vm1, v48, v45;
	v49 =	vadd.s32 $0x7, v1  }
0x1a0: {  	vm5 =	vlt.f32 v11, v31;
	vm6 =	vlt.f32 v11, v36;
	v50 =	vadd.s32 $0x7, v0  }
0x1a1: {  	v35 =	vld [tilespmem:s25+$0x10];
	v10 =	vsel vm2, v9, v15;
	v16 =	vsel vm6, v9, v15;
	v17 =	vsel vm6, v13, v12  }
0x1a2: {  	v34 =	vld [tilespmem:s25+$0x20];
	v18 =	vsel vm2, v13, v12;
	v19 =	vsel vm3, v9, v15;
	v20 =	vsel vm3, v13, v12  }
0x1a3: {  	v29 =	vld [tilespmem:s25+$0x70];
	v21 =	vsel vm4, v9, v15;
	v22 =	vsel vm4, v13, v12;
	v23 =	vsel vm5, v9, v15  }
0x1a4: {  	v24 =	vsel vm5, v13, v12;
	v26 =	vor.u32 $0x10, v16;
	vm4 =	vlt.f32 v20, v32;
	v2 =	vld.idx.msk [tilespmem:v49+s18+$0x0], $0xffff  }
0x1a5: {  	v20 =	vor.u32 $0x10, v19;
	vm5 =	vlt.f32 v22, v30;
	v22 =	vor.u32 $0x10, v21;
	v4 =	vld.idx.msk [tilespmem:v50+s18+$0x0], $0xffff  }
0x1a6: {  	vm6 =	vlt.f32 v24, v31;
	v24 =	vor.u32 $0x10, v23;
	vm0 =	vlt.f32 v11, v35  }
0x1a7: {  	vm1 =	vlt.f32 v11, v34;
	v51 =	vsel vm0, v9, v15;
	v52 =	vsel vm0, v13, v12  }
0x1a8: {  	v53 =	vsel vm1, v9, v15;
	vm0 =	vlt.f32 v11, v29;
	v8 =	vsel vm1, v13, v12  }
0x1a9: {  	vm1 =	vlt.f32 v17, v36;
	v54 =	vadd.s32 $0x8, v1;
	vm2 =	vlt.f32 v2, v3  }
0x1aa: {  	v56 =	vadd.s32 $0x8, v0;
	vm3 =	vlt.f32 v4, v14;
	v1 =	vsel vm2, v54, v1  }
0x1ab: {  	v17 =	vsel vm0, v9, v15;
	v0 =	vsel vm3, v56, v0;
	v58 =	vadd.s32 $0x3, v1  }
0x1ac: {  	v25 =	vsel vm0, v13, v12;
	vm2 =	vlt.f32 v8, v34;
	v8 =	vadd.s32 $0x3, v0  }
0x1ad: {  	vm0 =	vlt.f32 v52, v35;
	v57 =	vor.u32 $0x10, v51;
	v16 =	vsel vm1, v26, v16  }
0x1ae: {  	v59 =	vor.u32 $0x10, v53;
	v60 =	vadd.s32 $0x7, v16;
	v2 =	vsel vm0, v57, v51  }
0x1af: {  	vm1 =	vlt.f32 v25, v29;
	v25 =	vor.u32 $0x10, v17;
	v61 =	vadd.s32 $0x7, v2  }
0x1b0: {  	s10 =	simm.s32 $0x1FE0;
	vm3 =	vlt.f32 v18, v33;
	v18 =	vor.u32 $0x10, v10;
	v6 =	vsel vm2, v59, v53;
	v4 =	vld.idx.msk [tilespmem:v58+s18+$0x0], $0xffff  }
0x1b1: {  	s2 =	sand.u32 $0x3FE0, s10;
	v10 =	vsel vm3, v18, v10;
	v18 =	vsel vm4, v20, v19;
	v19 =	vadd.s32 $0x7, v6;
	v8 =	vld.idx.msk [tilespmem:v8+s18+$0x0], $0xffff  }
0x1b2: {  	v40 =	vld [tilespmem:s2+$0x80];
	v26 =	vadd.s32 $0x8, v16;
	v20 =	vsel vm5, v22, v21;
	v22 =	vadd.s32 $0x7, v10  }
0x1b3: {  	v17 =	vsel vm1, v25, v17;
	v5 =	vld.idx.msk [tilespmem:v60+s18+$0x0], $0xffff;
	v21 =	vsel vm6, v24, v23;
	v23 =	vadd.s32 $0x7, v18  }
0x1b4: {  	v63 =	vadd.s32 $0x7, v17;
	v49 =	vadd.s32 $0x8, v17;
	v62 =	vadd.s32 $0x4, v1;
	v7 =	vld.idx.msk [tilespmem:v61+s18+$0x0], $0xffff  }
0x1b5: {  	v24 =	vadd.s32 $0x7, v20;
	v25 =	vadd.s32 $0x7, v21;
	vm0 =	vlt.f32 v4, v3  }
0x1b6: {  	v19 =	vld.idx.msk [tilespmem:v19+s18+$0x0], $0xffff;
	vm1 =	vlt.f32 v8, v14;
	v8 =	vadd.s32 $0x4, v0;
	v1 =	vsel vm0, v62, v1  }
0x1b7: {  	v27 =	vadd.s32 $0x8, v2;
	v22 =	vld.idx.msk [tilespmem:v22+s18+$0x0], $0xffff;
	v0 =	vsel vm1, v8, v0;
	v8 =	vadd.s32 $0x1, v1  }
0x1b8: {  	vm4 =	vlt.f32 v11, v40;
	v44 =	vadd.s32 $0x8, v6;
	v23 =	vld.idx.msk [tilespmem:v23+s18+$0x0], $0xffff;
	vm0 =	vlt.f32 v5, v36  }
0x1b9: {  	v28 =	vadd.s32 $0x1, v0;
	v16 =	vsel vm0, v26, v16;
	vm0 =	vlt.f32 v7, v35  }
0x1ba: {  	v45 =	vadd.s32 $0x8, v10;
	v46 =	vadd.s32 $0x8, v18;
	v24 =	vld.idx.msk [tilespmem:v24+s18+$0x0], $0xffff;
	v2 =	vsel vm0, v27, v2  }
0x1bb: {  	v47 =	vadd.s32 $0x8, v20;
	v25 =	vld.idx.msk [tilespmem:v25+s18+$0x0], $0xffff;
	vm0 =	vlt.f32 v19, v34;
	v26 =	vadd.s32 $0x3, v2  }
0x1bc: {  	v6 =	vsel vm0, v44, v6;
	vm0 =	vlt.f32 v22, v33;
	v50 =	vld.idx.msk [tilespmem:v8+s18+$0x0], $0xffff;
	v8 =	vadd.s32 $0x3, v16  }
0x1bd: {  	v22 =	vadd.s32 $0x3, v6;
	v10 =	vsel vm0, v45, v10;
	vm0 =	vlt.f32 v23, v32  }
0x1be: {  	v48 =	vadd.s32 $0x8, v21;
	v54 =	vadd.s32 $0x4, v16;
	v18 =	vsel vm0, v46, v18;
	v19 =	vld.idx.msk [tilespmem:v28+s18+$0x0], $0xffff  }
0x1bf: {  	v4 =	vld.idx.msk [tilespmem:v63+s18+$0x0], $0xffff;
	v23 =	vadd.s32 $0x3, v10;
	vm0 =	vlt.f32 v24, v30;
	v24 =	vadd.s32 $0x3, v18  }
0x1c0: {  	v20 =	vsel vm0, v47, v20;
	vm0 =	vlt.f32 v25, v31;
	v25 =	vadd.s32 $0x2, v1;
	v26 =	vld.idx.msk [tilespmem:v26+s18+$0x0], $0xffff  }
0x1c1: {  	v27 =	vadd.s32 $0x4, v18;
	v21 =	vsel vm0, v48, v21;
	v51 =	vadd.s32 $0x3, v20;
	v8 =	vld.idx.msk [tilespmem:v8+s18+$0x0], $0xffff  }
0x1c2: {  	v53 =	vadd.s32 $0x3, v21;
	v52 =	vld.idx.msk [tilespmem:v22+s18+$0x0], $0xffff;
	v22 =	vadd.s32 $0x4, v6;
	vm0 =	vlt.f32 v50, v3  }
0x1c3: {  	vm1 =	vlt.f32 v19, v14;
	v19 =	vadd.s32 $0x2, v0;
	v50 =	vsel vm4, v13, v12  }
0x1c4: {  	v38 =	vsel vm0, v25, v1;
	vm0 =	vlt.f32 v4, v29;
	v37 =	vsel vm1, v19, v0  }
0x1c5: {  	v19 =	vld.idx.msk [tilespmem:v23+s18+$0x0], $0xffff;
	v25 =	vadd.s32 $0x4, v10;
	v5 =	vsel vm0, v49, v17;
	v17 =	vadd.s32 $0x4, v2  }
0x1c6: {  	v23 =	vld.idx.msk [tilespmem:v24+s18+$0x0], $0xffff;
	v49 =	vsel vm4, v9, v15;
	vm4 =	vlt.f32 v50, v40;
	vm0 =	vlt.f32 v8, v36  }
0x1c7: {  	v7 =	vld.idx.msk [tilespmem:v51+s18+$0x0], $0xffff;
	v24 =	vadd.s32 $0x3, v5;
	v0 =	vsel vm0, v54, v16;
	vm0 =	vlt.f32 v26, v35  }
0x1c8: {  	v39 =	vld [tilespmem:s10+$0x90];
	v16 =	vadd.s32 $0x1, v0;
	v2 =	vsel vm0, v17, v2;
	vm0 =	vlt.f32 v52, v34  }
0x1c9: {  	v56 =	vld.idx.msk [tilespmem:v53+s18+$0x0], $0xffff;
	v8 =	vadd.s32 $0x4, v20;
	v57 =	vadd.s32 $0x1, v2;
	v6 =	vsel vm0, v22, v6  }
0x1ca: {  	v17 =	vld.idx.msk [tilespmem:v38+s18+$0x0], $0xffff;
	v52 =	vor.u32 $0x10, v49;
	vm0 =	vlt.f32 v19, v33;
	v19 =	vadd.s32 $0x1, v6  }
0x1cb: {  	v22 =	vld.idx.msk [tilespmem:v37+s18+$0x0], $0xffff;
	v10 =	vsel vm0, v25, v10;
	vm0 =	vlt.f32 v23, v32;
	v25 =	vadd.s32 $0x2, v0  }
0x1cc: {  	v58 =	vld.idx.msk [tilespmem:v24+s18+$0x0], $0xffff;
	v23 =	vadd.s32 $0x1, v10;
	v18 =	vsel vm0, v27, v18;
	vm0 =	vlt.f32 v7, v30  }
0x1cd: {  	v27 =	vadd.s32 $0x2, v2;
	v24 =	vadd.s32 $0x1, v18;
	v8 =	vsel vm0, v8, v20;
	v16 =	vld.idx.msk [tilespmem:v16+s18+$0x0], $0xffff  }
0x1ce: {  	v20 =	vadd.s32 $0x4, v21;
	vm0 =	vlt.f32 v56, v31;
	v59 =	vadd.s32 $0x1, v8;
	v4 =	vld.idx.msk [tilespmem:v57+s18+$0x0], $0xffff  }
0x1cf: {  	v60 =	vadd.s32 $0x2, v10;
	v61 =	vadd.s32 $0x2, v18;
	v26 =	vsel vm0, v20, v21;
	v57 =	vld [tilespmem:s10+$0x10]  }
0x1d0: {  	vm1 =	vlt.f32 v17, v3;
	v17 =	vadd.s32 $0x2, v6;
	v20 =	vadd.s32 $0x1, v26;
	v19 =	vld.idx.msk [tilespmem:v19+s18+$0x0], $0xffff  }
0x1d1: {  	vm2 =	vlt.f32 v22, v14;
	vm0 =	vlt.f32 v58, v29;
	v21 =	vld.idx.msk [tilespmem:v23+s18+$0x0], $0xffff;
	v23 =	vadd.s32 $0x4, v5  }
0x1d2: {  	v22 =	vadd.s32 $0x2, v8;
	v24 =	vld.idx.msk [tilespmem:v24+s18+$0x0], $0xffff;
	v41 =	vsel vm0, v23, v5;
	vm0 =	vlt.f32 v16, v36  }
0x1d3: {  	v63 =	vadd.s32 $0x2, v26;
	v1 =	vld.idx.msk [tilespmem:v59+s18+$0x0], $0xffff;
	v43 =	vadd.s32 $0x1, v41;
	v23 =	vsel vm0, v25, v0  }
0x1d4: {  	v16 =	vld [tilespmem:s10+$0x30];
	vm0 =	vlt.f32 v4, v35;
	v0 =	vsel vm4, v52, v49;
	vm5 =	vlt.f32 v11, v57  }
0x1d5: {  	v62 =	vld.idx.msk [tilespmem:v20+s18+$0x0], $0xffff;
	vm3 =	vlt.f32 v19, v34;
	v25 =	vsel vm0, v27, v2;
	v54 =	vadd.s32 $0x7, v0  }
0x1d6: {  	v20 =	vld [tilespmem:s10+$0x50];
	v59 =	vsel vm5, v13, v12;
	v58 =	vsel vm3, v17, v6;
	vm0 =	vlt.f32 v21, v33  }
0x1d7: {  	v14 =	vld [tilespmem:s10+$0x70];
	vm3 =	vlt.f32 v11, v39;
	v21 =	vsel vm0, v60, v10;
	vm0 =	vlt.f32 v24, v32  }
0x1d8: {  	v19 =	vld [tilespmem:s10+$0x60];
	v47 =	vsel vm3, v13, v12;
	v48 =	vsel vm3, v9, v15;
	v56 =	vsel vm0, v61, v18  }
0x1d9: {  	vm0 =	vlt.f32 v1, v30;
	vm3 =	vlt.f32 v47, v39;
	v51 =	vor.u32 $0x10, v48  }
0x1da: {  	v17 =	vld [tilespmem:s10+$0x20];
	vm7 =	vlt.f32 v11, v16;
	v1 =	vsel vm3, v51, v48;
	v3 =	vsel vm0, v22, v8  }
0x1db: {  	v22 =	vmovc v9;
	vm0 =	vlt.f32 v62, v31;
	vm4 =	vlt.f32 v11, v20;
	v62 =	vsel vm7, v13, v12  }
0x1dc: {  	v53 =	vadd.s32 $0x7, v1;
	v28 =	vsel vm0, v63, v26;
	v5 =	vsel vm5, v22, v15  }
0x1dd: {  	v18 =	vld [tilespmem:s10+$0x40];
	vm3 =	vlt.f32 v11, v19;
	vm0 =	vlt.f32 v11, v14;
	v10 =	vsel vm7, v22, v15  }
0x1de: {  	v9 =	vld [tilespmem:s10+$0x0];
	v48 =	vsel vm4, v13, v12;
	vm9 =	vlt.f32 v62, v16;
	v50 =	vadd.s32 $0x8, v1  }
0x1df: {  	vm6 =	vlt.f32 v11, v17;
	v49 =	vsel vm0, v13, v12;
	v52 =	vor.u32 $0x10, v5  }
0x1e0: {  	v4 =	vld.idx.msk [tilespmem:v54+s18+$0x0], $0xffff;
	vm11 =	vlt.f32 v48, v20;
	v48 =	vor.u32 $0x10, v10;
	v7 =	vsel vm6, v22, v15  }
0x1e1: {  	v8 =	vsel vm6, v13, v12;
	vm6 =	vlt.f32 v59, v57;
	vm15 =	vlt.f32 v49, v14  }
0x1e2: {  	v49 =	vsel vm4, v22, v15;
	v10 =	vsel vm9, v48, v10;
	vm8 =	vlt.f32 v11, v18  }
0x1e3: {  	v59 =	vor.u32 $0x10, v7;
	vm5 =	vlt.f32 v11, v9;
	v47 =	vsel vm8, v22, v15;
	v2 =	vld.idx.msk [tilespmem:v53+s18+$0x0], $0xffff  }
0x1e4: {  	v63 =	vsel vm8, v13, v12;
	vm8 =	vlt.f32 v8, v17;
	v8 =	vsel vm3, v13, v12  }
0x1e5: {  	v61 =	vld.idx.msk [tilespmem:v23+s18+$0x0], $0xffff;
	v42 =	vsel vm5, v22, v15;
	v60 =	vsel vm5, v13, v12;
	vm10 =	vlt.f32 v4, v40  }
0x1e6: {  	v62 =	vld.idx.msk [tilespmem:v21+s18+$0x0], $0xffff;
	v53 =	vadd.s32 $0x8, v0;
	vm12 =	vlt.f32 v8, v19;
	v7 =	vsel vm8, v59, v7  }
0x1e7: {  	v54 =	vld.idx.msk [tilespmem:v25+s18+$0x0], $0xffff;
	v59 =	vsel vm0, v22, v15;
	vm5 =	vlt.f32 v60, v9;
	v51 =	vor.u32 $0x10, v42  }
0x1e8: {  	v0 =	vsel vm10, v53, v0;
	vm10 =	vlt.f32 v63, v18;
	v60 =	vld.idx.msk [tilespmem:v58+s18+$0x0], $0xffff;
	vm7 =	vlt.f32 v2, v39  }
0x1e9: {  	v8 =	vld.idx.msk [tilespmem:v56+s18+$0x0], $0xffff;
	v53 =	vsel vm3, v22, v15;
	v63 =	vadd.s32 $0x3, v0;
	v1 =	vsel vm7, v50, v1  }
0x1ea: {  	[tilespmem:$0x1FF00] =	vst v3;
	v4 =	vsel vm5, v51, v42;
	vm7 =	vlt.f32 v61, v36;
	v61 =	vadd.s32 $0x3, v1  }
0x1eb: {  	v51 =	vld.idx.msk [tilespmem:v3+s18+$0x0], $0xffff;
	vm5 =	vlt.f32 v62, v33;
	v2 =	vsel vm6, v52, v5;
	v52 =	vadd.s32 $0x7, v4  }
0x1ec: {  	v62 =	vld.idx.msk [tilespmem:v43+s18+$0x0], $0xffff;
	v3 =	vor.u32 $0x10, v59;
	vm6 =	vlt.f32 v54, v35;
	v54 =	vadd.s32 $0x7, v2  }
0x1ed: {  	v44 =	vsel vm15, v3, v59;
	vm4 =	vlt.f32 v60, v34;
	v60 =	vadd.s32 $0x7, v7  }
0x1ee: {  	vm3 =	vlt.f32 v8, v32;
	v8 =	vadd.s32 $0x7, v10;
	v50 =	vor.u32 $0x10, v47;
	v5 =	vld.idx.msk [tilespmem:v63+s18+$0x0], $0xffff  }
0x1ef: {  	v48 =	vadd.s32 $0x2, v41;
	v59 =	vadd.s32 $0x7, v44;
	v36 =	vsel vm10, v50, v47;
	v42 =	vld.idx.msk [tilespmem:v61+s18+$0x0], $0xffff  }
0x1f0: {  	v63 =	vor.u32 $0x10, v53;
	vm0 =	vlt.f32 v51, v30;
	v30 =	vadd.s32 $0x4, v1;
	v35 =	vld.idx.msk [tilespmem:v52+s18+$0x0], $0xffff  }
0x1f1: {  	vm15 =	vlt.f32 v62, v29;
	v62 =	vadd.s32 $0x8, v2;
	v34 =	vld.idx.msk [tilespmem:v54+s18+$0x0], $0xffff;
	v61 =	vor.u32 $0x10, v49  }
0x1f2: {  	v43 =	vsel vm12, v63, v53;
	v51 =	vld.idx.msk [tilespmem:v60+s18+$0x0], $0xffff;
	v33 =	vsel vm11, v61, v49;
	v49 =	vadd.s32 $0x7, v36  }
0x1f3: {  	v63 =	vadd.s32 $0x8, v7;
	v6 =	vadd.s32 $0x7, v43;
	v8 =	vld.idx.msk [tilespmem:v8+s18+$0x0], $0xffff;
	v50 =	vadd.s32 $0x7, v33  }
0x1f4: {  	v52 =	vadd.s32 $0x8, v4;
	vm14 =	vlt.f32 v5, v40;
	vm13 =	vlt.f32 v42, v39  }
0x1f5: {  	v53 =	vld.idx.msk [tilespmem:v28+s18+$0x0], $0xffff;
	vm12 =	vlt.f32 v35, v9;
	v1 =	vsel vm13, v30, v1;
	v30 =	vadd.s32 $0x4, v0  }
0x1f6: {  	v4 =	vsel vm12, v52, v4;
	vm13 =	vlt.f32 v34, v57;
	v0 =	vsel vm14, v30, v0  }
0x1f7: {  	v61 =	vld.idx.msk [tilespmem:v49+s18+$0x0], $0xffff;
	v30 =	vsel vm15, v48, v41;
	v54 =	vadd.s32 $0x1, v1;
	vm14 =	vlt.f32 v51, v17  }
0x1f8: {  	vm15 =	vlt.f32 v8, v16;
	v8 =	vadd.s32 $0x8, v10;
	v48 =	vld.idx.msk [tilespmem:v50+s18+$0x0], $0xffff;
	v60 =	vadd.s32 $0x1, v0  }
0x1f9: {  	v2 =	vsel vm13, v62, v2;
	v5 =	vsel vm14, v63, v7;
	v7 =	vsel vm15, v8, v10  }
0x1fa: {  	v8 =	vsel vm1, $0x1, v55;
	vm1 =	vlt.f32 v53, v31;
	v31 =	vadd.s32 $0x3, v4  }
0x1fb: {  	v35 =	vld.idx.msk [tilespmem:v59+s18+$0x0], $0xffff;
	v49 =	vsel vm2, $0x1, v55;
	v50 =	vadd.s32 $0x8, v36;
	v52 =	vadd.s32 $0x3, v2  }
0x1fc: {  	v32 =	vadd.s32 v49, v37;
	vm2 =	vlt.f32 v61, v18;
	v10 =	vld.idx.msk [tilespmem:v54+s18+$0x0], $0xffff;
	v54 =	vadd.s32 $0x3, v5  }
0x1fd: {  	v53 =	vadd.s32 $0x8, v33;
	v34 =	vsel vm2, v50, v36;
	vm2 =	vlt.f32 v48, v20;
	v51 =	vld.idx.msk [tilespmem:v60+s18+$0x0], $0xffff  }
0x1fe: {  	v6 =	vld.idx.msk [tilespmem:v6+s18+$0x0], $0xffff;
	v62 =	vadd.s32 $0x8, v43;
	v45 =	vsel vm2, v53, v33;
	v60 =	vadd.s32 $0x3, v34  }
0x1ff: {  	v8 =	vadd.s32 v8, v38;
	v59 =	vadd.s32 $0x3, v7;
	v31 =	vld.idx.msk [tilespmem:v31+s18+$0x0], $0xffff;
	v50 =	vadd.s32 $0x3, v45  }
0x200: {  	v61 =	vadd.s32 $0x2, v0;
	v48 =	vadd.s32 $0x8, v44;
	v36 =	vsel vm6, $0x1, v55;
	v63 =	vld.idx.msk [tilespmem:v52+s18+$0x0], $0xffff  }
0x201: {  	v33 =	vsel vm7, $0x1, v55;
	vm2 =	vlt.f32 v10, v39;
	v10 =	vadd.s32 $0x2, v1;
	v49 =	vld.idx.msk [tilespmem:v54+s18+$0x0], $0xffff  }
0x202: {  	vm7 =	vlt.f32 v35, v14;
	v1 =	vsel vm2, v10, v1;
	v10 =	vld.idx.msk [tilespmem:v30+s18+$0x0], $0xffff;
	vm2 =	vlt.f32 v51, v40  }
0x203: {  	v53 =	vadd.s32 $0x4, v5;
	v52 =	vld.idx.msk [tilespmem:v60+s18+$0x0], $0xffff;
	v0 =	vsel vm2, v61, v0;
	vm2 =	vlt.f32 v6, v19  }
0x204: {  	v51 =	vadd.s32 $0x4, v4;
	v41 =	vld.idx.msk [tilespmem:v50+s18+$0x0], $0xffff;
	v50 =	vsel vm4, $0x1, v55;
	v42 =	vsel vm2, v62, v43  }
0x205: {  	v37 =	vld.idx.msk [tilespmem:v59+s18+$0x0], $0xffff;
	v43 =	vsel vm7, v48, v44;
	vm7 =	vlt.f32 v31, v9;
	v31 =	vadd.s32 $0x3, v42  }
0x206: {  	v4 =	vsel vm7, v51, v4;
	vm7 =	vlt.f32 v63, v57;
	v54 =	vadd.s32 $0x3, v43  }
0x207: {  	v51 =	vsel vm5, $0x1, v55;
	vm2 =	vlt.f32 v10, v29;
	v10 =	vadd.s32 $0x4, v2;
	v29 =	vld.idx.msk [tilespmem:v1+s18+$0x0], $0xffff  }
0x208: {  	v60 =	vadd.s32 $0x1, v4;
	v2 =	vsel vm7, v10, v2;
	vm7 =	vlt.f32 v49, v17  }
0x209: {  	vm6 =	vlt.f32 v52, v18;
	v10 =	vadd.s32 $0x4, v7;
	v5 =	vsel vm7, v53, v5  }
0x20a: {  	v59 =	vld.idx.msk [tilespmem:v0+s18+$0x0], $0xffff;
	vm7 =	vlt.f32 v37, v16;
	v61 =	vadd.s32 $0x1, v2;
	v3 =	vadd.s32 $0x2, v2  }
0x20b: {  	v35 =	vsel vm7, v10, v7;
	v10 =	vadd.s32 $0x4, v34;
	v31 =	vld.idx.msk [tilespmem:v31+s18+$0x0], $0xffff;
	v62 =	vadd.s32 $0x1, v5  }
0x20c: {  	v8 =	vld.idx.msk [tilespmem:v8+s20+$0x0], $0xffff;
	v53 =	vsel vm3, $0x1, v55;
	v38 =	vsel vm6, v10, v34;
	vm7 =	vlt.f32 v29, v39  }
0x20d: {  	v6 =	vld.idx.msk [tilespmem:v54+s18+$0x0], $0xffff;
	v63 =	vadd.s32 $0x1, v35;
	v29 =	vadd.s32 $0x4, v45;
	v39 =	vsel vm7, $0x1, v55  }
0x20e: {  	v44 =	vld.idx.msk [tilespmem:v60+s18+$0x0], $0xffff;
	vm7 =	vlt.f32 v41, v20;
	v1 =	vadd.s32 v39, v1;
	v39 =	vadd.s32 $0x1, v38  }
0x20f: {  	v10 =	vadd.s32 $0x4, v42;
	vm6 =	vlt.f32 v59, v40;
	v7 =	vld.idx.msk [tilespmem:v61+s18+$0x0], $0xffff;
	v41 =	vsel vm7, v29, v45  }
0x210: {  	vm7 =	vlt.f32 v31, v19;
	v31 =	vsel vm6, $0x1, v55;
	v59 =	vld.idx.msk [tilespmem:v62+s18+$0x0], $0xffff;
	v61 =	vadd.s32 $0x1, v41  }
0x211: {  	v34 =	vadd.s32 $0x4, v43;
	v0 =	vadd.s32 v31, v0;
	v45 =	vsel vm7, v10, v42;
	v10 =	vld.idx.msk [tilespmem:v32+s20+$0x0], $0xffff  }
0x212: {  	v60 =	vadd.s32 $0x2, v5;
	v37 =	vadd.s32 $0x2, v35;
	v62 =	vld.idx.msk [tilespmem:v63+s18+$0x0], $0xffff;
	v63 =	vadd.s32 $0x1, v45  }
0x213: {  	v29 =	vadd.s32 $0x2, v4;
	vm6 =	vlt.f32 v6, v14;
	v47 =	vadd.s32 $0x2, v41;
	v49 =	vld.idx.msk [tilespmem:v39+s18+$0x0], $0xffff  }
0x214: {  	v32 =	vsel vm6, v34, v43;
	vm6 =	vlt.f32 v44, v9;
	v31 =	vadd.s32 $0x2, v38;
	v40 =	vld.idx.msk [tilespmem:v1+s20+$0x0], $0xffff  }
0x215: {  	s12 =	simm.s32 $0x9CD0;
	v15 =	vmovc v21;
	v42 =	vsel vm6, v29, v4;
	v46 =	vadd.s32 $0x1, v32;
	vm7 =	vlt.f32 v7, v57;
	v54 =	vld.idx.msk [tilespmem:v61+s18+$0x0], $0xffff  }
0x216: {  	[tilespmem:s12+$0x0] =	vst v8;
	v48 =	vadd.s32 $0x2, v45;
	v43 =	vsel vm7, v3, v2;
	vm6 =	vlt.f32 v59, v17;
	v39 =	vld.idx.msk [tilespmem:v0+s20+$0x0], $0xffff  }
0x217: {  	s21 =	simm.s32 $0x1FE;
	s11 =	simm.s32 $0x9CD0;
	s23 =	simm.s32 $0x2080;
	v34 =	vadd.s32 $0x2, v32;
	v44 =	vsel vm6, v60, v5;
	[tilespmem:s28+$0x7D80] =	vst v10;
	vm4 =	vlt.f32 v62, v16;
	v52 =	vld.idx.msk [tilespmem:v63+s18+$0x0], $0xffff  }
.LBB2_4:
0x218: {  	v29 =	vld [tilespmem:s23+$0x90]  }
0x219: {  	v0 =	vsel vm4, v37, v35;
	v37 =	vld [tilespmem:s23+$0x10]  }
0x21a: {  	v3 =	vld [tilespmem:$0x1FF00]  }
0x21b: {  	v27 =	vimm.s32 $0x0;
	v11 =	vld [tilespmem:$0x1FF60]  }
0x21c: {  	v8 =	vadd.s32 v50, v58;
	v10 =	vadd.s32 v51, v15;
	v26 =	vmovc v42;
	v42 =	vld [tilespmem:s23+$0x60];
	v4 =	vsel vm1, $0x1, v27  }
0x21d: {  	v21 =	vld [tilespmem:$0x1FFE0];
	v1 =	vsel vm0, $0x1, v27;
	v5 =	vsel vm2, $0x1, v27;
	v4 =	vadd.s32 v4, v28  }
0x21e: {  	v24 =	vld [tilespmem:$0x1FFF0];
	v5 =	vadd.s32 v5, v30;
	vm3 =	vlt.f32 v49, v18;
	v6 =	vadd.s32 v33, v23  }
0x21f: {  	s10 =	sadd.s32 $0xA0, s10;
	v30 =	vld [tilespmem:s23+$0x0];
	v7 =	vadd.s32 v36, v25;
	v49 =	vadd.s32 v53, v56;
	vm0 =	vlt.f32 v54, v20  }
0x220: {  	v35 =	vld [tilespmem:s23+$0x70];
	s25 =	sand.u32 $0x3FE0, s10;
	vm2 =	vlt.f32 v52, v19;
	v2 =	vsel vm3, v31, v38;
	v1 =	vadd.s32 v1, v3  }
0x221: {  	s12 =	sadd.s32 $0xA0, s12;
	v31 =	vld [tilespmem:s25+$0x80];
	vm1 =	vlt.f32 v11, v29;
	v23 =	vsel vm0, v47, v41;
	vm0 =	vlt.f32 v11, v37  }
0x222: {  	[tilespmem:s12+$0x0] =	vst v40;
	v40 =	vld [tilespmem:s23+$0x40];
	v28 =	vsel vm2, v48, v45;
	vm5 =	vlt.f32 v11, v42;
	v54 =	vsel vm1, v13, v12  }
0x223: {  	v55 =	vsel vm1, v21, v24;
	v48 =	vsel vm0, v21, v24;
	v50 =	vsel vm0, v13, v12  }
0x224: {  	v22 =	vmovc v44;
	v38 =	vld [tilespmem:s23+$0x20];
	v3 =	vmovc v14;
	vm1 =	vlt.f32 v54, v29;
	v59 =	vor.u32 $0x10, v55;
	vm0 =	vlt.f32 v11, v30  }
0x225: {  	v41 =	vld [tilespmem:s23+$0x50];
	vm6 =	vlt.f32 v11, v35;
	v14 =	vmovc v2;
	v2 =	vsel vm1, v59, v55;
	v54 =	vsel vm0, v21, v24  }
0x226: {  	v44 =	vld.idx.msk [tilespmem:v44+s18+$0x0], $0xffff;
	v15 =	vmovc v0;
	v55 =	vsel vm0, v13, v12;
	v61 =	vadd.s32 $0x7, v2;
	vm2 =	vlt.f32 v11, v31  }
0x227: {  	[tilespmem:s2+$0x7D80] =	vst v39;
	v39 =	vld [tilespmem:s23+$0x30];
	vm3 =	vlt.f32 v11, v40;
	v56 =	vsel vm2, v21, v24;
	v58 =	vsel vm2, v13, v12  }
0x228: {  	v25 =	vmovc v43;
	v33 =	vld.idx.msk [tilespmem:v46+s18+$0x0], $0xffff;
	vm0 =	vlt.f32 v55, v30;
	vm2 =	vlt.f32 v58, v31;
	v60 =	vor.u32 $0x10, v56  }
0x229: {  	v43 =	vld.idx.msk [tilespmem:v43+s18+$0x0], $0xffff;
	v55 =	vsel vm6, v21, v24;
	vm1 =	vlt.f32 v11, v38;
	v0 =	vsel vm2, v60, v56  }
0x22a: {  	v36 =	vld.idx.msk [tilespmem:v26+s18+$0x0], $0xffff;
	vm4 =	vlt.f32 v11, v41;
	v51 =	vsel vm1, v21, v24;
	v62 =	vadd.s32 $0x7, v0  }
0x22b: {  	v6 =	vld.idx.msk [tilespmem:v6+s20+$0x0], $0xffff;
	v52 =	vsel vm1, v13, v12;
	v59 =	vsel vm4, v21, v24;
	vm1 =	vlt.f32 v50, v37  }
0x22c: {  	v7 =	vld.idx.msk [tilespmem:v7+s20+$0x0], $0xffff;
	v50 =	vor.u32 $0x10, v48;
	v58 =	vsel vm3, v13, v12;
	vm2 =	vlt.f32 v11, v39;
	v11 =	vmovc v19  }
0x22d: {  	v19 =	vmovc v18;
	v18 =	vmovc v16;
	v16 =	vmov v57;
	v57 =	vsel vm3, v21, v24;
	v60 =	vsel vm4, v13, v12  }
0x22e: {  	v53 =	vsel vm2, v21, v24;
	v56 =	vsel vm2, v13, v12;
	v47 =	vld.idx.msk [tilespmem:v61+s18+$0x0], $0xffff;
	v61 =	vsel vm5, v21, v24  }
0x22f: {  	v21 =	vsel vm6, v13, v12;
	v24 =	vor.u32 $0x10, v54;
	vm2 =	vlt.f32 v52, v38;
	v46 =	vld.idx.msk [tilespmem:v62+s18+$0x0], $0xffff  }
0x230: {  	v8 =	vld.idx.msk [tilespmem:v8+s20+$0x0], $0xffff;
	v52 =	vor.u32 $0x10, v51;
	[tilespmem:s11+$0xFFFFFF70] =	vst v6;
	v6 =	vsel vm1, v50, v48;
	vm3 =	vlt.f32 v56, v39  }
0x231: {  	v10 =	vld.idx.msk [tilespmem:v10+s20+$0x0], $0xffff;
	v56 =	vor.u32 $0x10, v53;
	v24 =	vsel vm0, v24, v54;
	v48 =	vsel vm2, v52, v51  }
0x232: {  	v45 =	vld.idx.msk [tilespmem:v15+s18+$0x0], $0xffff;
	[tilespmem:s11+$0xFFFFFF80] =	vst v7;
	vm0 =	vlt.f32 v21, v35;
	v21 =	vor.u32 $0x10, v55;
	v7 =	vadd.s32 $0x7, v48  }
0x233: {  	v63 =	vld.idx.msk [tilespmem:v14+s18+$0x0], $0xffff;
	v62 =	vsel vm5, v13, v12;
	vm4 =	vlt.f32 v47, v29;
	v47 =	vadd.s32 $0x8, v2  }
0x234: {  	v5 =	vld.idx.msk [tilespmem:v5+s20+$0x0], $0xffff;
	v2 =	vsel vm4, v47, v2;
	vm5 =	vlt.f32 v46, v31;
	v46 =	vadd.s32 $0x8, v0  }
0x235: {  	v49 =	vld.idx.msk [tilespmem:v49+s20+$0x0], $0xffff;
	v54 =	vadd.s32 $0x7, v6;
	v0 =	vsel vm5, v46, v0;
	v46 =	vadd.s32 $0x3, v2  }
0x236: {  	[tilespmem:$0x1FF00] =	vst v23;
	v4 =	vld.idx.msk [tilespmem:v4+s20+$0x0], $0xffff;
	vm2 =	vlt.f32 v43, v16;
	vm4 =	vlt.f32 v58, v40;
	v58 =	vadd.s32 $0x3, v0  }
0x237: {  	v23 =	vld.idx.msk [tilespmem:v23+s18+$0x0], $0xffff;
	[tilespmem:s11+$0xFFFFFF90] =	vst v8;
	v50 =	vsel vm3, v56, v53;
	v53 =	vadd.s32 $0x7, v24;
	v21 =	vsel vm0, v21, v55  }
0x238: {  	v1 =	vld.idx.msk [tilespmem:v1+s20+$0x0], $0xffff;
	[tilespmem:s11+$0xFFFFFFA0] =	vst v10;
	v10 =	vadd.s32 $0x8, v24;
	vm3 =	vlt.f32 v63, v19;
	v56 =	vadd.s32 $0x7, v50  }
0x239: {  	[tilespmem:s11+$0xFFFFFFE0] =	vst v5;
	v47 =	vor.u32 $0x10, v57;
	vm6 =	vlt.f32 v62, v42;
	v62 =	vor.u32 $0x10, v61;
	v5 =	vld.idx.msk [tilespmem:v7+s18+$0x0], $0xffff  }
0x23a: {  	[tilespmem:s11+$0xFFFFFFB0] =	vst v49;
	v49 =	vadd.s32 $0x8, v50;
	v47 =	vsel vm4, v47, v57;
	v52 =	vsel vm6, v62, v61;
	v46 =	vld.idx.msk [tilespmem:v46+s18+$0x0], $0xffff  }
0x23b: {  	v61 =	vadd.s32 $0x8, v48;
	v7 =	vadd.s32 $0x8, v21;
	vm4 =	vlt.f32 v45, v18;
	v55 =	vld.idx.msk [tilespmem:v58+s18+$0x0], $0xffff  }
0x23c: {  	[tilespmem:$0x1FEF0] =	vst v25;
	v25 =	vld.idx.msk [tilespmem:v28+s18+$0x0], $0xffff;
	v57 =	vadd.s32 $0x7, v47;
	vm5 =	vlt.f32 v60, v41;
	v60 =	vor.u32 $0x10, v59  }
0x23d: {  	[tilespmem:s11+$0xFFFFFFC0] =	vst v1;
	v1 =	vld.idx.msk [tilespmem:v53+s18+$0x0], $0xffff;
	v62 =	vadd.s32 $0x8, v47;
	v53 =	vadd.s32 $0x8, v52;
	v51 =	vsel vm5, v60, v59  }
0x23e: {  	[tilespmem:s11+$0xFFFFFFD0] =	vst v4;
	v4 =	vld.idx.msk [tilespmem:v54+s18+$0x0], $0xffff;
	v59 =	vadd.s32 $0x7, v21;
	v60 =	vadd.s32 $0x8, v6;
	v54 =	vadd.s32 $0x4, v0  }
0x23f: {  	v8 =	vadd.s32 $0x7, v51;
	vm0 =	vlt.f32 v46, v29;
	v46 =	vadd.s32 $0x4, v2  }
0x240: {  	v58 =	vadd.s32 $0x7, v52;
	vm1 =	vlt.f32 v55, v31;
	v2 =	vsel vm0, v46, v2  }
0x241: {  	[tilespmem:$0x1FEE0] =	vst v26;
	vm5 =	vlt.f32 v44, v17;
	v0 =	vsel vm1, v54, v0;
	v46 =	vadd.s32 $0x1, v2  }
0x242: {  	v17 =	vmovc v38;
	vm0 =	vlt.f32 v33, v3;
	v54 =	vld.idx.msk [tilespmem:v56+s18+$0x0], $0xffff;
	vm1 =	vlt.f32 v36, v9;
	v55 =	vadd.s32 $0x1, v0  }
0x243: {  	v26 =	vadd.s32 $0x8, v51;
	v9 =	vmovc v30;
	v56 =	vld.idx.msk [tilespmem:v57+s18+$0x0], $0xffff;
	v30 =	vsel vm0, v34, v32;
	vm0 =	vlt.f32 v23, v20  }
0x244: {  	v8 =	vld.idx.msk [tilespmem:v8+s18+$0x0], $0xffff;
	v57 =	vmovc v37;
	v36 =	vsel vm2, $0x1, v27;
	vm2 =	vlt.f32 v5, v17;
	vm6 =	vlt.f32 v1, v9  }
0x245: {  	v63 =	vld.idx.msk [tilespmem:v58+s18+$0x0], $0xffff;
	v33 =	vsel vm1, $0x1, v27;
	v10 =	vsel vm6, v10, v24;
	vm6 =	vlt.f32 v4, v57  }
0x246: {  	v16 =	vmovc v39;
	vm1 =	vlt.f32 v25, v11;
	v23 =	vadd.s32 $0x3, v10;
	v6 =	vsel vm6, v60, v6;
	v44 =	vld.idx.msk [tilespmem:v46+s18+$0x0], $0xffff  }
0x247: {  	v18 =	vmovc v40;
	v25 =	vsel vm2, v61, v48;
	v24 =	vadd.s32 $0x3, v6;
	vm2 =	vlt.f32 v54, v16;
	v45 =	vld.idx.msk [tilespmem:v55+s18+$0x0], $0xffff  }
0x248: {  	v20 =	vmovc v41;
	v48 =	vadd.s32 $0x3, v25;
	v37 =	vsel vm2, v49, v50;
	vm2 =	vlt.f32 v56, v18  }
0x249: {  	v19 =	vmovc v42;
	v46 =	vld.idx.msk [tilespmem:v59+s18+$0x0], $0xffff;
	v50 =	vadd.s32 $0x3, v37;
	v40 =	vsel vm2, v62, v47;
	vm2 =	vlt.f32 v8, v20  }
0x24a: {  	v8 =	vadd.s32 $0x3, v40;
	v26 =	vsel vm2, v26, v51;
	vm2 =	vlt.f32 v63, v19  }
0x24b: {  	v51 =	vld.idx.msk [tilespmem:v23+s18+$0x0], $0xffff;
	v23 =	vsel vm2, v53, v52;
	v52 =	vadd.s32 $0x2, v2;
	vm2 =	vlt.f32 v44, v29  }
0x24c: {  	v24 =	vld.idx.msk [tilespmem:v24+s18+$0x0], $0xffff;
	v53 =	vadd.s32 $0x2, v0;
	vm6 =	vlt.f32 v45, v31;
	v2 =	vsel vm2, v52, v2  }
0x24d: {  	v59 =	vadd.s32 $0x4, v10;
	v54 =	vld.idx.msk [tilespmem:v48+s18+$0x0], $0xffff;
	v62 =	vadd.s32 $0x4, v25;
	v0 =	vsel vm6, v53, v0  }
0x24e: {  	v48 =	vadd.s32 $0x4, v37;
	v55 =	vadd.s32 $0x3, v26;
	vm2 =	vlt.f32 v46, v35;
	v60 =	vld.idx.msk [tilespmem:v50+s18+$0x0], $0xffff  }
0x24f: {  	v38 =	vld.idx.msk [tilespmem:v30+s18+$0x0], $0xffff;
	v49 =	vadd.s32 $0x4, v40;
	v61 =	vadd.s32 $0x3, v23;
	v7 =	vsel vm2, v7, v21  }
0x250: {  	v21 =	vadd.s32 $0x4, v6;
	v50 =	vadd.s32 $0x4, v26;
	v8 =	vld.idx.msk [tilespmem:v8+s18+$0x0], $0xffff;
	vm2 =	vlt.f32 v51, v9  }
0x251: {  	v63 =	vadd.s32 $0x3, v7;
	v5 =	vsel vm2, v59, v10;
	vm6 =	vlt.f32 v24, v57;
	v53 =	vld.idx.msk [tilespmem:v2+s18+$0x0], $0xffff  }
0x252: {  	v24 =	vadd.s32 $0x1, v5;
	v6 =	vsel vm6, v21, v6;
	vm6 =	vlt.f32 v54, v17;
	v10 =	vld.idx.msk [tilespmem:v0+s18+$0x0], $0xffff  }
0x253: {  	v54 =	vld.idx.msk [tilespmem:v55+s18+$0x0], $0xffff;
	v21 =	vadd.s32 $0x1, v6;
	v25 =	vsel vm6, v62, v25;
	vm6 =	vlt.f32 v60, v16  }
0x254: {  	v56 =	vmovc v14;
	v14 =	vmovc v35;
	v51 =	vadd.s32 $0x4, v23;
	v59 =	vadd.s32 $0x1, v25;
	v35 =	vsel vm6, v48, v37  }
0x255: {  	v52 =	vadd.s32 $0x4, v7;
	v55 =	vld.idx.msk [tilespmem:v61+s18+$0x0], $0xffff;
	vm6 =	vlt.f32 v8, v18;
	v37 =	vadd.s32 $0x1, v35  }
0x256: {  	vm2 =	vlt.f32 v38, v3;
	v8 =	vld.idx.msk [tilespmem:v63+s18+$0x0], $0xffff;
	v38 =	vsel vm6, v49, v40;
	vm6 =	vlt.f32 v53, v29  }
0x257: {  	v40 =	vadd.s32 $0x1, v38;
	v24 =	vld.idx.msk [tilespmem:v24+s18+$0x0], $0xffff;
	vm7 =	vlt.f32 v10, v31;
	v10 =	vsel vm6, $0x1, v27  }
0x258: {  	v21 =	vld.idx.msk [tilespmem:v21+s18+$0x0], $0xffff;
	vm6 =	vlt.f32 v54, v20;
	v62 =	vsel vm7, $0x1, v27;
	v2 =	vadd.s32 v10, v2  }
0x259: {  	v61 =	vadd.s32 $0x2, v6;
	v10 =	vld.idx.msk [tilespmem:v59+s18+$0x0], $0xffff;
	v41 =	vsel vm6, v50, v26;
	v0 =	vadd.s32 v62, v0  }
0x25a: {  	v60 =	vadd.s32 $0x2, v5;
	vm6 =	vlt.f32 v55, v19;
	v63 =	vld.idx.msk [tilespmem:v37+s18+$0x0], $0xffff;
	v26 =	vadd.s32 $0x1, v41  }
0x25b: {  	s21 =	sadd.s32 $0xA, s21;
	v29 =	vadd.s32 $0x2, v25;
	v53 =	vsel vm3, $0x1, v27;
	v45 =	vsel vm6, v51, v23;
	v23 =	vld [tilespmem:$0x1FEE0]  }
0x25c: {  	p0 =	slt.u32 s21, $0x3DE;
	v31 =	vadd.s32 $0x2, v38;
	v50 =	vsel vm5, $0x1, v27;
	v49 =	vld.idx.msk [tilespmem:v40+s18+$0x0], $0xffff;
	v1 =	vadd.s32 $0x1, v45  }
.Ltmp1:
0x25d: {  	vm6 =	vlt.f32 v8, v14;
	v37 =	vadd.s32 $0x2, v35;
	v47 =	vadd.s32 $0x2, v41;
	v40 =	vld.idx.msk [tilespmem:v2+s20+$0x0], $0xffff;
	(pc) =	sbr.rel @p0 .LBB2_4-.Ltmp1, $4  }
0x25e: {  	v51 =	vsel vm4, $0x1, v27;
	v32 =	vsel vm6, v52, v7;
	vm6 =	vlt.f32 v24, v9;
	v39 =	vld.idx.msk [tilespmem:v0+s20+$0x0], $0xffff  }
0x25f: {  	v48 =	vadd.s32 $0x2, v45;
	v46 =	vadd.s32 $0x1, v32;
	vm5 =	vlt.f32 v10, v17;
	v54 =	vld.idx.msk [tilespmem:v26+s18+$0x0], $0xffff  }
0x260: {  	v42 =	vsel vm6, v60, v5;
	vm6 =	vlt.f32 v21, v57;
	v44 =	vsel vm5, v29, v25;
	v25 =	vld [tilespmem:$0x1FEF0]  }
0x261: {  	s2 =	smov.u32 s25;
	s23 =	sadd.s32 $0xA0, s23;
	s11 =	smov.u32 s12;
	v58 =	vmovc v22;
	v34 =	vadd.s32 $0x2, v32;
	v43 =	vsel vm6, v61, v6;
	vm4 =	vlt.f32 v63, v16;
	v52 =	vld.idx.msk [tilespmem:v1+s18+$0x0], $0xffff  }
0x262: {  	_ =	sdelay $0x3  }
0x263: {  	v0 =	vsel vm4, v37, v35;
	v2 =	vld.idx.msk [tilespmem:v46+s18+$0x0], $0xffff  }
0x264: {  	v5 =	vld.idx.msk [tilespmem:v42+s18+$0x0], $0xffff;
	v8 =	vadd.s32 v33, v23  }
0x265: {  	v7 =	vld.idx.msk [tilespmem:v43+s18+$0x0], $0xffff;
	v24 =	vadd.s32 v50, v58  }
0x266: {  	vm3 =	vlt.f32 v49, v18;
	v10 =	vld.idx.msk [tilespmem:v44+s18+$0x0], $0xffff;
	v26 =	vadd.s32 v51, v15  }
0x267: {  	v3 =	vld [tilespmem:$0x1FF00];
	v1 =	vsel vm3, v31, v38  }
0x268: {  	v31 =	vadd.s32 v53, v56;
	vm3 =	vlt.f32 v54, v20;
	v23 =	vld.idx.msk [tilespmem:v0+s18+$0x0], $0xffff  }
0x269: {  	v4 =	vsel vm3, v47, v41;
	vm3 =	vlt.f32 v52, v19;
	v8 =	vld.idx.msk [tilespmem:v8+s20+$0x0], $0xffff  }
0x26a: {  	v55 =	vimm.s32 $0x0;
	v6 =	vsel vm3, v48, v45;
	vm3 =	vlt.f32 v2, v14;
	v24 =	vld.idx.msk [tilespmem:v24+s20+$0x0], $0xffff  }
0x26b: {  	v29 =	vsel vm0, $0x1, v55;
	v22 =	vld.idx.msk [tilespmem:v26+s20+$0x0], $0xffff;
	v34 =	vsel vm3, v34, v32  }
0x26c: {  	v21 =	vadd.s32 v36, v25;
	v47 =	vsel vm2, $0x1, v55;
	vm0 =	vlt.f32 v5, v9;
	v25 =	vld.idx.msk [tilespmem:v1+s18+$0x0], $0xffff  }
0x26d: {  	v29 =	vadd.s32 v29, v3;
	v49 =	vsel vm0, $0x1, v55;
	vm0 =	vlt.f32 v10, v17;
	v17 =	vld.idx.msk [tilespmem:v31+s20+$0x0], $0xffff  }
0x26e: {  	v46 =	vsel vm1, $0x1, v55;
	v48 =	vadd.s32 v47, v30;
	v27 =	vld.idx.msk [tilespmem:v4+s18+$0x0], $0xffff  }
0x26f: {  	s10 =	sadd.s32 $0xA0, s12;
	vm1 =	vlt.f32 v7, v57;
	v32 =	vadd.s32 v46, v28;
	v45 =	vld.idx.msk [tilespmem:v6+s18+$0x0], $0xffff  }
0x270: {  	[tilespmem:s10+$0x0] =	vst v40;
	v50 =	vsel vm1, $0x1, v55;
	v7 =	vadd.s32 v49, v42;
	v15 =	vld.idx.msk [tilespmem:v34+s18+$0x0], $0xffff  }
0x271: {  	[tilespmem:s2+$0x7D80] =	vst v39;
	v10 =	vadd.s32 v50, v43;
	v21 =	vld.idx.msk [tilespmem:v21+s20+$0x0], $0xffff;
	vm1 =	vlt.f32 v23, v16;
	v16 =	vsel vm0, $0x1, v55  }
0x272: {  	v23 =	vld.idx.msk [tilespmem:v29+s20+$0x0], $0xffff;
	[tilespmem:s11+$0xFFFFFF70] =	vst v8;
	vm0 =	vlt.f32 v25, v18;
	v51 =	vsel vm1, $0x1, v55;
	v16 =	vadd.s32 v16, v44  }
0x273: {  	v5 =	vld.idx.msk [tilespmem:v48+s20+$0x0], $0xffff;
	[tilespmem:s11+$0xFFFFFF90] =	vst v24;
	v0 =	vadd.s32 v51, v0;
	vm1 =	vlt.f32 v27, v20;
	v20 =	vsel vm0, $0x1, v55  }
0x274: {  	[tilespmem:s11+$0xFFFFFFA0] =	vst v22;
	v18 =	vld.idx.msk [tilespmem:v32+s20+$0x0], $0xffff;
	v52 =	vsel vm1, $0x1, v55;
	v1 =	vadd.s32 v20, v1;
	vm0 =	vlt.f32 v45, v19  }
0x275: {  	[tilespmem:s11+$0xFFFFFFB0] =	vst v17;
	v54 =	vld.idx.msk [tilespmem:v7+s20+$0x0], $0xffff;
	v2 =	vadd.s32 v52, v4;
	vm1 =	vlt.f32 v15, v14;
	v53 =	vsel vm0, $0x1, v55  }
0x276: {  	v57 =	vld.idx.msk [tilespmem:v10+s20+$0x0], $0xffff;
	[tilespmem:s11+$0xFFFFFF80] =	vst v21;
	v56 =	vsel vm1, $0x1, v55;
	v6 =	vadd.s32 v53, v6  }
0x277: {  	[tilespmem:s11+$0xFFFFFFC0] =	vst v23;
	v58 =	vld.idx.msk [tilespmem:v16+s20+$0x0], $0xffff;
	v7 =	vadd.s32 v56, v34  }
0x278: {  	[tilespmem:s11+$0xFFFFFFE0] =	vst v5;
	v0 =	vld.idx.msk [tilespmem:v0+s20+$0x0], $0xffff  }
0x279: {  	[tilespmem:s11+$0xFFFFFFD0] =	vst v18;
	v1 =	vld.idx.msk [tilespmem:v1+s20+$0x0], $0xffff  }
0x27a: {  	[tilespmem:s10+$0xFFFFFF70] =	vst v54;
	v2 =	vld.idx.msk [tilespmem:v2+s20+$0x0], $0xffff  }
0x27b: {  	[tilespmem:s10+$0xFFFFFF80] =	vst v57;
	v59 =	vld.idx.msk [tilespmem:v6+s20+$0x0], $0xffff  }
0x27c: {  	[tilespmem:s10+$0xFFFFFF90] =	vst v58;
	v60 =	vld.idx.msk [tilespmem:v7+s20+$0x0], $0xffff  }
0x27d: {  	[tilespmem:s10+$0xFFFFFFA0] =	vst v0  }
0x27e: {  	[tilespmem:s10+$0xFFFFFFB0] =	vst v1  }
0x27f: {  	[tilespmem:s10+$0xFFFFFFC0] =	vst v2  }
0x280: {  	[tilespmem:s10+$0xFFFFFFD0] =	vst v59  }
0x281: {  	s23 =	simm.s32 $0x9C40;
	[tilespmem:s10+$0xFFFFFFE0] =	vst v60  }
0x282: {  	[hbm4b:s9+s3] =	stream.linear.scatter [tilespmem:s23], [sflag:$0x6], $0x1F40, $0x38;
	[tilespmem:$0x10380] =	vst v63  }
0x283: {  	_ =	swait.ge [sflag:s24], $0x1F40  }
0x284: {  	[sflag:s24] =	ssyncset.done $0x0;
	v11 =	vld [tilespmem:$0x1FF60]  }
0x285: {  	s25 =	simm.s32 $0x3E80;
	v28 =	vld [tilespmem:$0x1FFE0];
	[sflag:s24] =	ssyncadd.s32 $0xFFFFE0C0  }
0x286: {  	s28 =	sand.u32 $0x7FE0, s25;
	v15 =	vld [tilespmem:s25+$0x90]  }
0x287: {  	v14 =	vld [tilespmem:s28+$0x80]  }
0x288: {  	v33 =	vld [tilespmem:s25+$0x30]  }
0x289: {  	v32 =	vld [tilespmem:s25+$0x40]  }
0x28a: {  	v30 =	vld [tilespmem:s25+$0x50]  }
0x28b: {  	v31 =	vld [tilespmem:s25+$0x60]  }
0x28c: {  	v36 =	vld [tilespmem:s25+$0x0]  }
0x28d: {  	v9 =	vld [tilespmem:$0x1FFF0];
	_ =	sdelay $0x1  }
0x28e: {  	vm0 =	vlt.f32 v11, v15  }
0x28f: {  	vm1 =	vlt.f32 v11, v14;
	vm2 =	vlt.f32 v11, v33;
	vm3 =	vlt.f32 v11, v32  }
0x290: {  	vm4 =	vlt.f32 v11, v30;
	vm5 =	vlt.f32 v11, v31;
	vm6 =	vlt.f32 v11, v36  }
0x291: {  	v61 =	vsel vm0, v13, v12;
	v62 =	vsel vm0, v28, v9;
	v63 =	vsel vm1, v28, v9  }
0x292: {  	v8 =	vsel vm1, v13, v12;
	v47 =	vsel vm2, v28, v9;
	v16 =	vsel vm6, v28, v9  }
0x293: {  	v17 =	vsel vm6, v13, v12;
	vm1 =	vlt.f32 v8, v14;
	v40 =	vor.u32 $0x10, v63  }
0x294: {  	vm0 =	vlt.f32 v61, v15;
	v10 =	vor.u32 $0x10, v62;
	v0 =	vsel vm1, v40, v63  }
0x295: {  	v35 =	vld [tilespmem:s25+$0x10];
	v18 =	vsel vm2, v13, v12;
	v1 =	vsel vm0, v10, v62;
	v42 =	vadd.s32 $0x7, v0  }
0x296: {  	v34 =	vld [tilespmem:s25+$0x20];
	v19 =	vsel vm3, v28, v9;
	v20 =	vsel vm3, v13, v12;
	v41 =	vadd.s32 $0x7, v1  }
0x297: {  	v29 =	vld [tilespmem:s25+$0x70];
	v21 =	vsel vm4, v28, v9;
	v22 =	vsel vm4, v13, v12;
	v23 =	vsel vm5, v28, v9  }
0x298: {  	v24 =	vsel vm5, v13, v12;
	v26 =	vor.u32 $0x10, v16;
	vm4 =	vlt.f32 v20, v32  }
0x299: {  	v20 =	vor.u32 $0x10, v19;
	vm5 =	vlt.f32 v22, v30;
	v22 =	vor.u32 $0x10, v21  }
0x29a: {  	vm6 =	vlt.f32 v24, v31;
	v24 =	vor.u32 $0x10, v23;
	vm0 =	vlt.f32 v11, v35;
	v4 =	vld.idx.msk [tilespmem:v42+s18+$0x0], $0xffff  }
0x29b: {  	vm1 =	vlt.f32 v11, v34;
	v43 =	vsel vm0, v28, v9;
	v44 =	vsel vm0, v13, v12;
	v2 =	vld.idx.msk [tilespmem:v41+s18+$0x0], $0xffff  }
0x29c: {  	v45 =	vsel vm1, v28, v9;
	vm0 =	vlt.f32 v11, v29;
	v46 =	vsel vm1, v13, v12  }
0x29d: {  	vm1 =	vlt.f32 v17, v36;
	v48 =	vadd.s32 $0x8, v1;
	v49 =	vadd.s32 $0x8, v0  }
0x29e: {  	v17 =	vsel vm0, v28, v9;
	v25 =	vsel vm0, v13, v12;
	vm0 =	vlt.f32 v44, v35  }
0x29f: {  	v50 =	vor.u32 $0x10, v43;
	v52 =	vor.u32 $0x10, v45;
	vm3 =	vlt.f32 v4, v14  }
0x2a0: {  	v16 =	vsel vm1, v26, v16;
	vm2 =	vlt.f32 v2, v15;
	v0 =	vsel vm3, v49, v0  }
0x2a1: {  	vm1 =	vlt.f32 v25, v29;
	v1 =	vsel vm2, v48, v1;
	v53 =	vadd.s32 $0x3, v0  }
0x2a2: {  	v54 =	vadd.s32 $0x7, v16;
	v25 =	vor.u32 $0x10, v17;
	v51 =	vadd.s32 $0x3, v1  }
0x2a3: {  	s10 =	simm.s32 $0x3F20;
	v2 =	vsel vm0, v50, v43;
	vm2 =	vlt.f32 v46, v34;
	vm3 =	vlt.f32 v18, v33  }
0x2a4: {  	s2 =	sand.u32 $0x7FE0, s10;
	v18 =	vor.u32 $0x10, v47;
	v56 =	vadd.s32 $0x7, v2;
	v6 =	vsel vm2, v52, v45  }
0x2a5: {  	v40 =	vld [tilespmem:s2+$0x80];
	v10 =	vsel vm3, v18, v47;
	v18 =	vsel vm4, v20, v19;
	v19 =	vadd.s32 $0x7, v6  }
0x2a6: {  	v26 =	vadd.s32 $0x8, v16;
	v20 =	vsel vm5, v22, v21;
	v22 =	vadd.s32 $0x7, v10;
	v8 =	vld.idx.msk [tilespmem:v53+s18+$0x0], $0xffff  }
0x2a7: {  	v17 =	vsel vm1, v25, v17;
	v21 =	vsel vm6, v24, v23;
	v23 =	vadd.s32 $0x7, v18;
	v4 =	vld.idx.msk [tilespmem:v51+s18+$0x0], $0xffff  }
0x2a8: {  	v59 =	vadd.s32 $0x7, v17;
	v5 =	vld.idx.msk [tilespmem:v54+s18+$0x0], $0xffff;
	v27 =	vadd.s32 $0x8, v2;
	v57 =	vadd.s32 $0x4, v1  }
0x2a9: {  	v58 =	vadd.s32 $0x4, v0;
	v47 =	vadd.s32 $0x8, v17;
	v24 =	vadd.s32 $0x7, v20;
	v7 =	vld.idx.msk [tilespmem:v56+s18+$0x0], $0xffff  }
0x2aa: {  	vm4 =	vlt.f32 v11, v40;
	v25 =	vadd.s32 $0x7, v21;
	v62 =	vadd.s32 $0x8, v6;
	v19 =	vld.idx.msk [tilespmem:v19+s18+$0x0], $0xffff  }
0x2ab: {  	v63 =	vadd.s32 $0x8, v10;
	v44 =	vadd.s32 $0x8, v18;
	v22 =	vld.idx.msk [tilespmem:v22+s18+$0x0], $0xffff;
	vm1 =	vlt.f32 v8, v14  }
0x2ac: {  	v45 =	vadd.s32 $0x8, v20;
	v23 =	vld.idx.msk [tilespmem:v23+s18+$0x0], $0xffff;
	vm0 =	vlt.f32 v4, v15;
	v0 =	vsel vm1, v58, v0  }
0x2ad: {  	v1 =	vsel vm0, v57, v1;
	vm0 =	vlt.f32 v5, v36;
	v61 =	vadd.s32 $0x1, v0  }
0x2ae: {  	v24 =	vld.idx.msk [tilespmem:v24+s18+$0x0], $0xffff;
	v60 =	vadd.s32 $0x1, v1;
	v16 =	vsel vm0, v26, v16;
	vm0 =	vlt.f32 v7, v35  }
0x2af: {  	v46 =	vadd.s32 $0x8, v21;
	v25 =	vld.idx.msk [tilespmem:v25+s18+$0x0], $0xffff;
	v2 =	vsel vm0, v27, v2;
	vm0 =	vlt.f32 v19, v34  }
0x2b0: {  	v49 =	vadd.s32 $0x3, v16;
	v6 =	vsel vm0, v62, v6;
	vm0 =	vlt.f32 v22, v33  }
0x2b1: {  	v26 =	vadd.s32 $0x3, v2;
	v10 =	vsel vm0, v63, v10;
	vm0 =	vlt.f32 v23, v32  }
0x2b2: {  	v53 =	vadd.s32 $0x4, v16;
	v22 =	vadd.s32 $0x3, v6;
	v18 =	vsel vm0, v44, v18;
	v19 =	vld.idx.msk [tilespmem:v61+s18+$0x0], $0xffff  }
0x2b3: {  	v23 =	vadd.s32 $0x3, v10;
	vm0 =	vlt.f32 v24, v30;
	v48 =	vld.idx.msk [tilespmem:v60+s18+$0x0], $0xffff;
	v24 =	vadd.s32 $0x3, v18  }
0x2b4: {  	v4 =	vld.idx.msk [tilespmem:v59+s18+$0x0], $0xffff;
	v20 =	vsel vm0, v45, v20;
	vm0 =	vlt.f32 v25, v31;
	v25 =	vadd.s32 $0x2, v1  }
0x2b5: {  	v27 =	vadd.s32 $0x4, v18;
	v45 =	vsel vm4, v28, v9;
	v8 =	vld.idx.msk [tilespmem:v49+s18+$0x0], $0xffff;
	v21 =	vsel vm0, v46, v21  }
0x2b6: {  	v50 =	vadd.s32 $0x3, v20;
	v54 =	vadd.s32 $0x4, v20;
	v46 =	vsel vm4, v13, v12;
	v26 =	vld.idx.msk [tilespmem:v26+s18+$0x0], $0xffff  }
0x2b7: {  	v52 =	vadd.s32 $0x3, v21;
	v51 =	vld.idx.msk [tilespmem:v22+s18+$0x0], $0xffff;
	vm1 =	vlt.f32 v19, v14;
	v19 =	vadd.s32 $0x2, v0  }
0x2b8: {  	v22 =	vadd.s32 $0x4, v6;
	vm0 =	vlt.f32 v48, v15;
	v37 =	vsel vm1, v19, v0;
	v19 =	vld.idx.msk [tilespmem:v23+s18+$0x0], $0xffff  }
0x2b9: {  	v38 =	vsel vm0, v25, v1;
	vm0 =	vlt.f32 v4, v29;
	v25 =	vadd.s32 $0x4, v10  }
0x2ba: {  	v23 =	vld.idx.msk [tilespmem:v24+s18+$0x0], $0xffff;
	v5 =	vsel vm0, v47, v17;
	v17 =	vadd.s32 $0x4, v2;
	vm0 =	vlt.f32 v8, v36  }
0x2bb: {  	v7 =	vld.idx.msk [tilespmem:v50+s18+$0x0], $0xffff;
	v24 =	vadd.s32 $0x3, v5;
	v0 =	vsel vm0, v53, v16;
	vm0 =	vlt.f32 v26, v35  }
0x2bc: {  	v39 =	vld [tilespmem:s10+$0x90];
	v16 =	vadd.s32 $0x1, v0;
	v2 =	vsel vm0, v17, v2;
	vm0 =	vlt.f32 v51, v34  }
0x2bd: {  	v56 =	vld.idx.msk [tilespmem:v52+s18+$0x0], $0xffff;
	v57 =	vadd.s32 $0x1, v2;
	v6 =	vsel vm0, v22, v6;
	vm0 =	vlt.f32 v19, v33  }
0x2be: {  	vm4 =	vlt.f32 v46, v40;
	v17 =	vld.idx.msk [tilespmem:v38+s18+$0x0], $0xffff;
	v19 =	vadd.s32 $0x1, v6;
	v10 =	vsel vm0, v25, v10  }
0x2bf: {  	v48 =	vor.u32 $0x10, v45;
	v22 =	vld.idx.msk [tilespmem:v37+s18+$0x0], $0xffff;
	vm0 =	vlt.f32 v23, v32;
	v23 =	vadd.s32 $0x1, v10  }
0x2c0: {  	v25 =	vadd.s32 $0x2, v0;
	v18 =	vsel vm0, v27, v18;
	vm0 =	vlt.f32 v7, v30;
	v58 =	vld.idx.msk [tilespmem:v24+s18+$0x0], $0xffff  }
0x2c1: {  	v27 =	vadd.s32 $0x2, v2;
	v60 =	vadd.s32 $0x2, v10;
	v24 =	vadd.s32 $0x1, v18;
	v16 =	vld.idx.msk [tilespmem:v16+s18+$0x0], $0xffff  }
0x2c2: {  	v8 =	vsel vm0, v54, v20;
	v20 =	vadd.s32 $0x4, v21;
	vm0 =	vlt.f32 v56, v31;
	v4 =	vld.idx.msk [tilespmem:v57+s18+$0x0], $0xffff  }
0x2c3: {  	v61 =	vadd.s32 $0x2, v18;
	v59 =	vadd.s32 $0x1, v8;
	v26 =	vsel vm0, v20, v21;
	v19 =	vld.idx.msk [tilespmem:v19+s18+$0x0], $0xffff  }
0x2c4: {  	v20 =	vadd.s32 $0x1, v26;
	vm1 =	vlt.f32 v17, v15;
	v17 =	vadd.s32 $0x2, v6;
	v21 =	vld.idx.msk [tilespmem:v23+s18+$0x0], $0xffff  }
0x2c5: {  	vm2 =	vlt.f32 v22, v14;
	v23 =	vadd.s32 $0x4, v5;
	vm0 =	vlt.f32 v58, v29;
	v58 =	vld [tilespmem:s10+$0x10]  }
0x2c6: {  	v22 =	vadd.s32 $0x2, v8;
	v24 =	vld.idx.msk [tilespmem:v24+s18+$0x0], $0xffff;
	v41 =	vsel vm0, v23, v5;
	vm0 =	vlt.f32 v16, v36  }
0x2c7: {  	v63 =	vadd.s32 $0x2, v26;
	v16 =	vld [tilespmem:s10+$0x30];
	v43 =	vadd.s32 $0x1, v41;
	v23 =	vsel vm0, v25, v0  }
0x2c8: {  	v3 =	vld [tilespmem:s10+$0x0];
	vm0 =	vlt.f32 v4, v35;
	v0 =	vsel vm4, v48, v45;
	vm3 =	vlt.f32 v19, v34  }
0x2c9: {  	v1 =	vld.idx.msk [tilespmem:v59+s18+$0x0], $0xffff;
	v15 =	vsel vm0, v27, v2;
	v25 =	vsel vm3, v17, v6;
	vm3 =	vlt.f32 v11, v39  }
0x2ca: {  	v62 =	vld.idx.msk [tilespmem:v20+s18+$0x0], $0xffff;
	v50 =	vadd.s32 $0x7, v0;
	vm0 =	vlt.f32 v21, v33;
	v7 =	vsel vm3, v13, v12  }
0x2cb: {  	v20 =	vld [tilespmem:s10+$0x50];
	vm5 =	vlt.f32 v11, v58;
	v56 =	vsel vm0, v60, v10;
	vm0 =	vlt.f32 v24, v32  }
0x2cc: {  	v19 =	vld [tilespmem:s10+$0x60];
	v10 =	vsel vm3, v28, v9;
	vm3 =	vlt.f32 v7, v39;
	vm7 =	vlt.f32 v11, v16  }
0x2cd: {  	v5 =	vsel vm5, v28, v9;
	v51 =	vsel vm5, v13, v12;
	vm5 =	vlt.f32 v11, v3  }
0x2ce: {  	v17 =	vld [tilespmem:s10+$0x20];
	v57 =	vsel vm0, v61, v18;
	vm0 =	vlt.f32 v1, v30;
	v47 =	vor.u32 $0x10, v10  }
0x2cf: {  	v14 =	vld [tilespmem:s10+$0x70];
	v42 =	vsel vm5, v28, v9;
	v53 =	vsel vm5, v13, v12;
	v60 =	vsel vm7, v13, v12  }
0x2d0: {  	v1 =	vsel vm3, v47, v10;
	v22 =	vsel vm0, v22, v8;
	vm0 =	vlt.f32 v62, v31  }
0x2d1: {  	v18 =	vld [tilespmem:s10+$0x40];
	vm4 =	vlt.f32 v11, v20;
	vm3 =	vlt.f32 v11, v19;
	v10 =	vsel vm7, v28, v9  }
0x2d2: {  	v4 =	vld.idx.msk [tilespmem:v50+s18+$0x0], $0xffff;
	vm5 =	vlt.f32 v53, v3;
	vm9 =	vlt.f32 v60, v16;
	v50 =	vor.u32 $0x10, v5  }
0x2d3: {  	v49 =	vadd.s32 $0x7, v1;
	v59 =	vsel vm0, v63, v26;
	vm6 =	vlt.f32 v11, v17  }
0x2d4: {  	vm0 =	vlt.f32 v11, v14;
	v62 =	vsel vm4, v13, v12;
	v63 =	vsel vm3, v13, v12  }
0x2d5: {  	v48 =	vadd.s32 $0x8, v1;
	v7 =	vsel vm6, v28, v9;
	v52 =	vsel vm6, v13, v12  }
0x2d6: {  	vm6 =	vlt.f32 v51, v58;
	v46 =	vsel vm0, v13, v12;
	v51 =	vadd.s32 $0x8, v0  }
0x2d7: {  	v54 =	vld.idx.msk [tilespmem:v23+s18+$0x0], $0xffff;
	vm11 =	vlt.f32 v62, v20;
	vm12 =	vlt.f32 v63, v19;
	vm8 =	vlt.f32 v11, v18  }
0x2d8: {  	v53 =	vor.u32 $0x10, v7;
	vm15 =	vlt.f32 v46, v14;
	v47 =	vsel vm8, v28, v9;
	v2 =	vld.idx.msk [tilespmem:v49+s18+$0x0], $0xffff  }
0x2d9: {  	v61 =	vsel vm8, v13, v12;
	vm8 =	vlt.f32 v52, v17;
	vm10 =	vlt.f32 v4, v40;
	v52 =	vld.idx.msk [tilespmem:v15+s18+$0x0], $0xffff  }
0x2da: {  	v11 =	vor.u32 $0x10, v10;
	v0 =	vsel vm10, v51, v0;
	vm10 =	vlt.f32 v61, v18;
	v61 =	vld.idx.msk [tilespmem:v56+s18+$0x0], $0xffff  }
0x2db: {  	v63 =	vld.idx.msk [tilespmem:v57+s18+$0x0], $0xffff;
	v10 =	vsel vm9, v11, v10;
	v49 =	vor.u32 $0x10, v42;
	v62 =	vadd.s32 $0x3, v0  }
0x2dc: {  	v7 =	vsel vm8, v53, v7;
	v4 =	vsel vm5, v49, v42;
	v49 =	vor.u32 $0x10, v47  }
0x2dd: {  	v51 =	vadd.s32 $0x7, v4;
	vm7 =	vlt.f32 v2, v39;
	v2 =	vsel vm6, v50, v5  }
0x2de: {  	vm6 =	vlt.f32 v52, v35;
	v1 =	vsel vm7, v48, v1;
	vm7 =	vlt.f32 v54, v36;
	v54 =	vld.idx.msk [tilespmem:v25+s18+$0x0], $0xffff  }
0x2df: {  	v50 =	vld.idx.msk [tilespmem:v22+s18+$0x0], $0xffff;
	v52 =	vsel vm3, v28, v9;
	vm5 =	vlt.f32 v61, v33;
	v60 =	vadd.s32 $0x3, v1  }
0x2e0: {  	vm3 =	vlt.f32 v63, v32;
	v48 =	vsel vm4, v28, v9;
	v5 =	vld.idx.msk [tilespmem:v62+s18+$0x0], $0xffff;
	v62 =	vadd.s32 $0x7, v10  }
0x2e1: {  	v36 =	vsel vm10, v49, v47;
	v53 =	vadd.s32 $0x7, v2;
	v61 =	vor.u32 $0x10, v48  }
0x2e2: {  	v35 =	vld.idx.msk [tilespmem:v51+s18+$0x0], $0xffff;
	v49 =	vadd.s32 $0x7, v36;
	v33 =	vsel vm11, v61, v48;
	v48 =	vadd.s32 $0x2, v41  }
0x2e3: {  	v63 =	vld.idx.msk [tilespmem:v43+s18+$0x0], $0xffff;
	vm4 =	vlt.f32 v54, v34;
	v54 =	vsel vm0, v28, v9;
	v9 =	vor.u32 $0x10, v52  }
0x2e4: {  	vm0 =	vlt.f32 v50, v30;
	v50 =	vadd.s32 $0x7, v33;
	v42 =	vld.idx.msk [tilespmem:v60+s18+$0x0], $0xffff;
	v60 =	vadd.s32 $0x7, v7  }
0x2e5: {  	v30 =	vadd.s32 $0x4, v1;
	vm14 =	vlt.f32 v5, v40;
	v8 =	vld.idx.msk [tilespmem:v62+s18+$0x0], $0xffff;
	v62 =	vadd.s32 $0x8, v2  }
0x2e6: {  	v34 =	vld.idx.msk [tilespmem:v53+s18+$0x0], $0xffff;
	v11 =	vor.u32 $0x10, v54;
	v43 =	vsel vm12, v9, v52;
	v52 =	vadd.s32 $0x8, v4  }
0x2e7: {  	v53 =	vld.idx.msk [tilespmem:v59+s18+$0x0], $0xffff;
	vm12 =	vlt.f32 v35, v3;
	v44 =	vsel vm15, v11, v54;
	v6 =	vadd.s32 $0x7, v43  }
0x2e8: {  	vm15 =	vlt.f32 v63, v29;
	v4 =	vsel vm12, v52, v4;
	v63 =	vadd.s32 $0x8, v7  }
0x2e9: {  	v52 =	vsel vm2, $0x1, v55;
	v35 =	vadd.s32 $0x7, v44;
	vm13 =	vlt.f32 v42, v39;
	v51 =	vld.idx.msk [tilespmem:v60+s18+$0x0], $0xffff  }
0x2ea: {  	v61 =	vld.idx.msk [tilespmem:v49+s18+$0x0], $0xffff;
	v32 =	vadd.s32 v52, v37;
	v1 =	vsel vm13, v30, v1;
	v30 =	vadd.s32 $0x4, v0  }
0x2eb: {  	v52 =	vadd.s32 $0x8, v43;
	v0 =	vsel vm14, v30, v0;
	v54 =	vadd.s32 $0x1, v1  }
0x2ec: {  	v49 =	vld.idx.msk [tilespmem:v50+s18+$0x0], $0xffff;
	v50 =	vsel vm1, $0x1, v55;
	vm1 =	vlt.f32 v53, v31;
	v60 =	vadd.s32 $0x1, v0  }
0x2ed: {  	v31 =	vadd.s32 $0x3, v4;
	v53 =	vadd.s32 $0x8, v36;
	v30 =	vsel vm15, v48, v41  }
0x2ee: {  	vm15 =	vlt.f32 v8, v16;
	v48 =	vadd.s32 $0x8, v10;
	vm14 =	vlt.f32 v51, v17  }
0x2ef: {  	vm2 =	vlt.f32 v61, v18;
	v35 =	vld.idx.msk [tilespmem:v35+s18+$0x0], $0xffff;
	v5 =	vsel vm14, v63, v7;
	v7 =	vsel vm15, v48, v10  }
0x2f0: {  	vm13 =	vlt.f32 v34, v58;
	v34 =	vsel vm2, v53, v36;
	v51 =	vld.idx.msk [tilespmem:v54+s18+$0x0], $0xffff;
	v63 =	vadd.s32 $0x3, v7  }
0x2f1: {  	v61 =	vadd.s32 $0x8, v33;
	v2 =	vsel vm13, v62, v2;
	v48 =	vadd.s32 $0x3, v34;
	v54 =	vld.idx.msk [tilespmem:v60+s18+$0x0], $0xffff  }
0x2f2: {  	v6 =	vld.idx.msk [tilespmem:v6+s18+$0x0], $0xffff;
	v36 =	vsel vm6, $0x1, v55;
	v8 =	vadd.s32 v50, v38;
	v60 =	vadd.s32 $0x3, v2  }
0x2f3: {  	v47 =	vadd.s32 $0x4, v2;
	vm2 =	vlt.f32 v49, v20;
	v31 =	vld.idx.msk [tilespmem:v31+s18+$0x0], $0xffff;
	v62 =	vadd.s32 $0x3, v5  }
0x2f4: {  	v49 =	vadd.s32 $0x2, v1;
	v45 =	vsel vm2, v61, v33;
	v33 =	vsel vm7, $0x1, v55;
	v50 =	vld.idx.msk [tilespmem:v30+s18+$0x0], $0xffff  }
0x2f5: {  	v61 =	vadd.s32 $0x3, v45;
	vm7 =	vlt.f32 v35, v14;
	vm2 =	vlt.f32 v51, v39;
	v37 =	vld.idx.msk [tilespmem:v63+s18+$0x0], $0xffff  }
0x2f6: {  	v51 =	vadd.s32 $0x2, v0;
	v63 =	vld.idx.msk [tilespmem:v48+s18+$0x0], $0xffff;
	v1 =	vsel vm2, v49, v1;
	vm2 =	vlt.f32 v54, v40  }
0x2f7: {  	v48 =	vadd.s32 $0x4, v5;
	v53 =	vld.idx.msk [tilespmem:v60+s18+$0x0], $0xffff;
	v0 =	vsel vm2, v51, v0;
	vm2 =	vlt.f32 v6, v19  }
0x2f8: {  	v54 =	vadd.s32 $0x8, v44;
	v60 =	vld.idx.msk [tilespmem:v62+s18+$0x0], $0xffff;
	v62 =	vadd.s32 $0x4, v4;
	v42 =	vsel vm2, v52, v43  }
0x2f9: {  	v43 =	vsel vm7, v54, v44;
	vm7 =	vlt.f32 v31, v3;
	vm2 =	vlt.f32 v50, v29  }
0x2fa: {  	v50 =	vadd.s32 $0x4, v7;
	v31 =	vadd.s32 $0x3, v42;
	v4 =	vsel vm7, v62, v4  }
0x2fb: {  	v49 =	vadd.s32 $0x3, v43;
	v62 =	vadd.s32 $0x4, v42;
	v52 =	vadd.s32 $0x1, v4;
	v29 =	vld.idx.msk [tilespmem:v1+s18+$0x0], $0xffff  }
0x2fc: {  	vm6 =	vlt.f32 v63, v18;
	v63 =	vadd.s32 $0x4, v43;
	vm7 =	vlt.f32 v53, v58  }
0x2fd: {  	v41 =	vld.idx.msk [tilespmem:v61+s18+$0x0], $0xffff;
	v2 =	vsel vm7, v47, v2;
	vm7 =	vlt.f32 v60, v17;
	v60 =	vadd.s32 $0x4, v34  }
0x2fe: {  	v51 =	vld.idx.msk [tilespmem:v0+s18+$0x0], $0xffff;
	v5 =	vsel vm7, v48, v5;
	vm7 =	vlt.f32 v37, v16;
	v53 =	vadd.s32 $0x1, v2  }
0x2ff: {  	v38 =	vsel vm6, v60, v34;
	v46 =	vadd.s32 $0x2, v2;
	v31 =	vld.idx.msk [tilespmem:v31+s18+$0x0], $0xffff;
	v61 =	vadd.s32 $0x1, v5  }
0x300: {  	v35 =	vsel vm7, v50, v7;
	v6 =	vld.idx.msk [tilespmem:v49+s18+$0x0], $0xffff;
	v60 =	vadd.s32 $0x2, v5;
	vm7 =	vlt.f32 v29, v39  }
0x301: {  	v10 =	vld.idx.msk [tilespmem:v32+s20+$0x0], $0xffff;
	v54 =	vadd.s32 $0x1, v35;
	v29 =	vadd.s32 $0x4, v45;
	v39 =	vsel vm7, $0x1, v55  }
0x302: {  	v44 =	vld.idx.msk [tilespmem:v52+s18+$0x0], $0xffff;
	vm7 =	vlt.f32 v41, v20;
	v1 =	vadd.s32 v39, v1;
	v39 =	vadd.s32 $0x1, v38  }
0x303: {  	v50 =	vsel vm4, $0x1, v55;
	vm6 =	vlt.f32 v51, v40;
	v7 =	vld.idx.msk [tilespmem:v53+s18+$0x0], $0xffff;
	v41 =	vsel vm7, v29, v45  }
0x304: {  	vm7 =	vlt.f32 v31, v19;
	v31 =	vsel vm6, $0x1, v55;
	v48 =	vld.idx.msk [tilespmem:v61+s18+$0x0], $0xffff;
	v61 =	vadd.s32 $0x1, v41  }
0x305: {  	v8 =	vld.idx.msk [tilespmem:v8+s20+$0x0], $0xffff;
	vm6 =	vlt.f32 v6, v14;
	v0 =	vadd.s32 v31, v0;
	v45 =	vsel vm7, v62, v42  }
0x306: {  	v37 =	vadd.s32 $0x2, v35;
	v62 =	vld.idx.msk [tilespmem:v54+s18+$0x0], $0xffff;
	v32 =	vsel vm6, v63, v43;
	v63 =	vadd.s32 $0x1, v45  }
0x307: {  	v51 =	vsel vm5, $0x1, v55;
	v29 =	vadd.s32 $0x2, v4;
	v53 =	vsel vm3, $0x1, v55;
	v49 =	vld.idx.msk [tilespmem:v39+s18+$0x0], $0xffff  }
0x308: {  	v47 =	vadd.s32 $0x2, v41;
	vm6 =	vlt.f32 v44, v3;
	v31 =	vadd.s32 $0x2, v38;
	v40 =	vld.idx.msk [tilespmem:v1+s20+$0x0], $0xffff  }
0x309: {  	v28 =	vmovc v3;
	v42 =	vsel vm6, v29, v4;
	v34 =	vadd.s32 $0x2, v32;
	vm7 =	vlt.f32 v7, v58;
	v54 =	vld.idx.msk [tilespmem:v61+s18+$0x0], $0xffff  }
0x30a: {  	s12 =	simm.s32 $0xBC10;
	[tilespmem:s28+$0x7D80] =	vst v10;
	v43 =	vsel vm7, v46, v2;
	v46 =	vadd.s32 $0x1, v32;
	vm6 =	vlt.f32 v48, v17;
	v39 =	vld.idx.msk [tilespmem:v0+s20+$0x0], $0xffff  }
0x30b: {  	s21 =	simm.s32 $0x3F2;
	s11 =	simm.s32 $0xBC10;
	s23 =	simm.s32 $0x3FC0;
	[tilespmem:s12+$0x0] =	vst v8;
	v48 =	vadd.s32 $0x2, v45;
	v44 =	vsel vm6, v60, v5;
	vm4 =	vlt.f32 v62, v16;
	v52 =	vld.idx.msk [tilespmem:v63+s18+$0x0], $0xffff  }
.LBB2_6:
0x30c: {  	v29 =	vld [tilespmem:s23+$0x90]  }
0x30d: {  	v0 =	vsel vm4, v37, v35;
	v37 =	vld [tilespmem:s23+$0x10]  }
0x30e: {  	v3 =	vld [tilespmem:$0x1FF60]  }
0x30f: {  	v24 =	vmov v42;
	v42 =	vld [tilespmem:s23+$0x60]  }
0x310: {  	v27 =	vimm.s32 $0x0;
	v21 =	vld [tilespmem:$0x1FFE0]  }
0x311: {  	v7 =	vadd.s32 v36, v15;
	v35 =	vld [tilespmem:s23+$0x70];
	v5 =	vsel vm2, $0x1, v27  }
0x312: {  	s12 =	sadd.s32 $0xA0, s12;
	v1 =	vsel vm0, $0x1, v27;
	v4 =	vsel vm1, $0x1, v27;
	v5 =	vadd.s32 v5, v30;
	v30 =	vld [tilespmem:s23+$0x0]  }
0x313: {  	s10 =	sadd.s32 $0xA0, s10;
	v1 =	vadd.s32 v1, v22;
	v4 =	vadd.s32 v4, v59;
	vm3 =	vlt.f32 v49, v18;
	[tilespmem:s12+$0x0] =	vst v40;
	v40 =	vld [tilespmem:s23+$0x40]  }
0x314: {  	s25 =	sand.u32 $0x7FE0, s10;
	v6 =	vadd.s32 v33, v23;
	v8 =	vadd.s32 v50, v25;
	v10 =	vadd.s32 v51, v56;
	v23 =	vld [tilespmem:$0x1FFF0]  }
0x315: {  	v49 =	vadd.s32 v53, v57;
	vm0 =	vlt.f32 v54, v20;
	v2 =	vsel vm3, v31, v38;
	v31 =	vld [tilespmem:s25+$0x80]  }
0x316: {  	[tilespmem:$0x1FEA0] =	vst v14;
	vm2 =	vlt.f32 v52, v19;
	vm1 =	vlt.f32 v3, v29;
	v22 =	vsel vm0, v47, v41  }
0x317: {  	v15 =	vmovc v43;
	vm0 =	vlt.f32 v3, v37;
	v9 =	vsel vm2, v48, v45;
	vm5 =	vlt.f32 v3, v42  }
0x318: {  	v11 =	vmovc v44;
	v41 =	vld [tilespmem:s23+$0x50];
	vm6 =	vlt.f32 v3, v35;
	v55 =	vsel vm1, v13, v12;
	v50 =	vsel vm0, v13, v12  }
0x319: {  	v43 =	vld.idx.msk [tilespmem:v43+s18+$0x0], $0xffff;
	v56 =	vsel vm1, v21, v23;
	vm1 =	vlt.f32 v55, v29;
	vm3 =	vlt.f32 v3, v40  }
0x31a: {  	[tilespmem:$0x1FED0] =	vst v11;
	v38 =	vld [tilespmem:s23+$0x20];
	v48 =	vsel vm0, v21, v23;
	vm0 =	vlt.f32 v3, v30;
	vm2 =	vlt.f32 v3, v31  }
0x31b: {  	v11 =	vmovc v19;
	v25 =	vmovc v0;
	v60 =	vor.u32 $0x10, v56;
	v57 =	vsel vm2, v21, v23;
	v59 =	vsel vm2, v13, v12  }
0x31c: {  	v33 =	vld.idx.msk [tilespmem:v46+s18+$0x0], $0xffff;
	v14 =	vmovc v2;
	v2 =	vsel vm1, v60, v56;
	vm2 =	vlt.f32 v59, v31;
	v61 =	vor.u32 $0x10, v57  }
0x31d: {  	v19 =	vmovc v18;
	v18 =	vmovc v16;
	vm4 =	vlt.f32 v3, v41;
	v62 =	vadd.s32 $0x7, v2;
	v0 =	vsel vm2, v61, v57  }
0x31e: {  	v16 =	vmovc v58;
	[tilespmem:s2+$0x7D80] =	vst v39;
	v39 =	vld [tilespmem:s23+$0x30];
	v54 =	vsel vm0, v21, v23;
	v55 =	vsel vm0, v13, v12;
	v63 =	vadd.s32 $0x7, v0  }
0x31f: {  	v36 =	vld.idx.msk [tilespmem:v24+s18+$0x0], $0xffff;
	v58 =	vsel vm3, v13, v12;
	vm1 =	vlt.f32 v3, v38;
	v60 =	vsel vm4, v13, v12  }
0x320: {  	[tilespmem:$0x1FEC0] =	vst v24;
	v6 =	vld.idx.msk [tilespmem:v6+s20+$0x0], $0xffff;
	vm0 =	vlt.f32 v55, v30;
	v55 =	vsel vm6, v21, v23;
	v24 =	vor.u32 $0x10, v54  }
0x321: {  	v10 =	vld.idx.msk [tilespmem:v10+s20+$0x0], $0xffff;
	v51 =	vsel vm1, v21, v23;
	v52 =	vsel vm1, v13, v12;
	v59 =	vsel vm4, v21, v23  }
0x322: {  	vm1 =	vlt.f32 v50, v37;
	v50 =	vor.u32 $0x10, v48;
	v24 =	vsel vm0, v24, v54;
	v47 =	vld.idx.msk [tilespmem:v62+s18+$0x0], $0xffff  }
0x323: {  	vm2 =	vlt.f32 v3, v39;
	v57 =	vsel vm3, v21, v23;
	v61 =	vsel vm5, v21, v23;
	v46 =	vld.idx.msk [tilespmem:v63+s18+$0x0], $0xffff  }
0x324: {  	v44 =	vld.idx.msk [tilespmem:v44+s18+$0x0], $0xffff;
	v53 =	vsel vm2, v21, v23;
	v3 =	vsel vm2, v13, v12;
	v21 =	vsel vm6, v13, v12  }
0x325: {  	v7 =	vld.idx.msk [tilespmem:v7+s20+$0x0], $0xffff;
	vm2 =	vlt.f32 v52, v38;
	v52 =	vor.u32 $0x10, v51;
	[tilespmem:s11+$0xFFFFFF70] =	vst v6;
	v6 =	vsel vm1, v50, v48  }
0x326: {  	v45 =	vld.idx.msk [tilespmem:v25+s18+$0x0], $0xffff;
	[tilespmem:s11+$0xFFFFFFA0] =	vst v10;
	v10 =	vadd.s32 $0x8, v24;
	vm3 =	vlt.f32 v3, v39;
	v56 =	vor.u32 $0x10, v53  }
0x327: {  	v1 =	vld.idx.msk [tilespmem:v1+s20+$0x0], $0xffff;
	v3 =	vadd.s32 $0x8, v2;
	v62 =	vsel vm5, v13, v12;
	vm4 =	vlt.f32 v47, v29  }
0x328: {  	v4 =	vld.idx.msk [tilespmem:v4+s20+$0x0], $0xffff;
	v2 =	vsel vm4, v3, v2;
	vm5 =	vlt.f32 v46, v31;
	v46 =	vadd.s32 $0x8, v0  }
0x329: {  	v8 =	vld.idx.msk [tilespmem:v8+s20+$0x0], $0xffff;
	vm0 =	vlt.f32 v21, v35;
	v0 =	vsel vm5, v46, v0;
	v46 =	vadd.s32 $0x3, v2  }
0x32a: {  	v49 =	vld.idx.msk [tilespmem:v49+s20+$0x0], $0xffff;
	v48 =	vsel vm2, v52, v51;
	vm4 =	vlt.f32 v58, v40;
	v58 =	vadd.s32 $0x3, v0  }
0x32b: {  	v5 =	vld.idx.msk [tilespmem:v5+s20+$0x0], $0xffff;
	[tilespmem:s11+$0xFFFFFF80] =	vst v7;
	v21 =	vor.u32 $0x10, v55;
	v54 =	vadd.s32 $0x7, v6;
	v7 =	vadd.s32 $0x7, v48  }
0x32c: {  	v23 =	vld.idx.msk [tilespmem:v22+s18+$0x0], $0xffff;
	vm2 =	vlt.f32 v43, v16;
	v50 =	vsel vm3, v56, v53;
	v3 =	vadd.s32 $0x7, v24  }
0x32d: {  	v21 =	vsel vm0, v21, v55;
	vm6 =	vlt.f32 v62, v42;
	v62 =	vor.u32 $0x10, v61;
	v63 =	vld.idx.msk [tilespmem:v14+s18+$0x0], $0xffff  }
0x32e: {  	[tilespmem:s11+$0xFFFFFF90] =	vst v8;
	v56 =	vadd.s32 $0x7, v50;
	v52 =	vsel vm6, v62, v61;
	v61 =	vadd.s32 $0x8, v48;
	v46 =	vld.idx.msk [tilespmem:v46+s18+$0x0], $0xffff  }
0x32f: {  	[tilespmem:s11+$0xFFFFFFB0] =	vst v49;
	v49 =	vadd.s32 $0x8, v50;
	v53 =	vadd.s32 $0x8, v52;
	v47 =	vor.u32 $0x10, v57;
	v55 =	vld.idx.msk [tilespmem:v58+s18+$0x0], $0xffff  }
0x330: {  	[tilespmem:s11+$0xFFFFFFE0] =	vst v5;
	v5 =	vld.idx.msk [tilespmem:v7+s18+$0x0], $0xffff;
	v7 =	vadd.s32 $0x8, v21;
	v47 =	vsel vm4, v47, v57;
	vm4 =	vlt.f32 v45, v18  }
0x331: {  	[tilespmem:s11+$0xFFFFFFC0] =	vst v1;
	vm5 =	vlt.f32 v60, v41;
	v60 =	vor.u32 $0x10, v59;
	v1 =	vld.idx.msk [tilespmem:v3+s18+$0x0], $0xffff;
	v58 =	vadd.s32 $0x7, v52  }
0x332: {  	[tilespmem:$0x1FEB0] =	vst v25;
	v25 =	vld.idx.msk [tilespmem:v9+s18+$0x0], $0xffff;
	vm3 =	vlt.f32 v63, v19;
	v57 =	vadd.s32 $0x7, v47;
	v51 =	vsel vm5, v60, v59  }
0x333: {  	[tilespmem:s11+$0xFFFFFFD0] =	vst v4;
	v4 =	vld.idx.msk [tilespmem:v54+s18+$0x0], $0xffff;
	v62 =	vadd.s32 $0x8, v47;
	v54 =	vadd.s32 $0x4, v0;
	v8 =	vadd.s32 $0x7, v51  }
0x334: {  	vm0 =	vlt.f32 v46, v29;
	v46 =	vadd.s32 $0x4, v2;
	vm1 =	vlt.f32 v55, v31  }
0x335: {  	v3 =	vmovc v30;
	v2 =	vsel vm0, v46, v2;
	v0 =	vsel vm1, v54, v0;
	vm1 =	vlt.f32 v36, v28;
	v28 =	vld [tilespmem:$0x1FEA0]  }
0x336: {  	v59 =	vadd.s32 $0x7, v21;
	vm6 =	vlt.f32 v1, v3;
	v1 =	vld.idx.msk [tilespmem:v58+s18+$0x0], $0xffff;
	v46 =	vadd.s32 $0x1, v2  }
0x337: {  	v60 =	vadd.s32 $0x8, v6;
	vm5 =	vlt.f32 v44, v17;
	v58 =	vmovc v37;
	v54 =	vld.idx.msk [tilespmem:v56+s18+$0x0], $0xffff;
	v55 =	vadd.s32 $0x1, v0  }
0x338: {  	v17 =	vmovc v38;
	v26 =	vadd.s32 $0x8, v51;
	v10 =	vsel vm6, v10, v24;
	v56 =	vld.idx.msk [tilespmem:v57+s18+$0x0], $0xffff;
	vm6 =	vlt.f32 v4, v58  }
0x339: {  	v8 =	vld.idx.msk [tilespmem:v8+s18+$0x0], $0xffff;
	v36 =	vsel vm2, $0x1, v27;
	vm2 =	vlt.f32 v5, v17;
	v6 =	vsel vm6, v60, v6  }
0x33a: {  	v16 =	vmovc v39;
	v24 =	vadd.s32 $0x3, v6;
	vm0 =	vlt.f32 v33, v28;
	v33 =	vsel vm1, $0x1, v27  }
0x33b: {  	v18 =	vmovc v40;
	v4 =	vld.idx.msk [tilespmem:v46+s18+$0x0], $0xffff;
	v30 =	vsel vm0, v34, v32;
	vm0 =	vlt.f32 v23, v20;
	v23 =	vadd.s32 $0x3, v10  }
0x33c: {  	vm1 =	vlt.f32 v25, v11;
	v25 =	vsel vm2, v61, v48;
	vm2 =	vlt.f32 v54, v16;
	v63 =	vld.idx.msk [tilespmem:v55+s18+$0x0], $0xffff  }
0x33d: {  	v45 =	vadd.s32 $0x3, v25;
	v37 =	vsel vm2, v49, v50;
	vm2 =	vlt.f32 v56, v18;
	v20 =	vmovc v41  }
0x33e: {  	v19 =	vmovc v42;
	v44 =	vld.idx.msk [tilespmem:v59+s18+$0x0], $0xffff;
	v46 =	vadd.s32 $0x3, v37;
	v40 =	vsel vm2, v62, v47;
	vm2 =	vlt.f32 v8, v20  }
0x33f: {  	v48 =	vadd.s32 $0x2, v2;
	v24 =	vld.idx.msk [tilespmem:v24+s18+$0x0], $0xffff;
	v26 =	vsel vm2, v26, v51;
	vm2 =	vlt.f32 v1, v19  }
0x340: {  	v47 =	vadd.s32 $0x3, v40;
	v1 =	vld.idx.msk [tilespmem:v23+s18+$0x0], $0xffff;
	v23 =	vsel vm2, v53, v52;
	vm2 =	vlt.f32 v4, v29  }
0x341: {  	v49 =	vadd.s32 $0x2, v0;
	vm6 =	vlt.f32 v63, v31;
	v2 =	vsel vm2, v48, v2  }
0x342: {  	v55 =	vadd.s32 $0x4, v25;
	v61 =	vadd.s32 $0x4, v37;
	v50 =	vld.idx.msk [tilespmem:v45+s18+$0x0], $0xffff;
	v0 =	vsel vm6, v49, v0  }
0x343: {  	v62 =	vadd.s32 $0x4, v40;
	v51 =	vadd.s32 $0x3, v26;
	v52 =	vadd.s32 $0x4, v10;
	v53 =	vld.idx.msk [tilespmem:v46+s18+$0x0], $0xffff  }
0x344: {  	v38 =	vld.idx.msk [tilespmem:v30+s18+$0x0], $0xffff;
	v63 =	vadd.s32 $0x4, v26;
	vm2 =	vlt.f32 v44, v35;
	v54 =	vadd.s32 $0x3, v23  }
0x345: {  	vm6 =	vlt.f32 v24, v58;
	v7 =	vsel vm2, v7, v21;
	v21 =	vadd.s32 $0x4, v6;
	v8 =	vld.idx.msk [tilespmem:v47+s18+$0x0], $0xffff  }
0x346: {  	v60 =	vadd.s32 $0x3, v7;
	v6 =	vsel vm6, v21, v6;
	vm2 =	vlt.f32 v1, v3;
	v48 =	vld.idx.msk [tilespmem:v2+s18+$0x0], $0xffff  }
0x347: {  	v21 =	vadd.s32 $0x1, v6;
	vm6 =	vlt.f32 v50, v17;
	v5 =	vsel vm2, v52, v10;
	v49 =	vld.idx.msk [tilespmem:v0+s18+$0x0], $0xffff  }
0x348: {  	v56 =	vld [tilespmem:$0x1FEB0];
	v25 =	vsel vm6, v55, v25;
	vm6 =	vlt.f32 v53, v16;
	v24 =	vadd.s32 $0x1, v5  }
0x349: {  	v57 =	vmovc v14;
	v14 =	vmovc v35;
	v46 =	vadd.s32 $0x4, v7;
	v50 =	vld.idx.msk [tilespmem:v51+s18+$0x0], $0xffff;
	v52 =	vadd.s32 $0x1, v25;
	v35 =	vsel vm6, v61, v37  }
0x34a: {  	v1 =	vadd.s32 $0x4, v23;
	v51 =	vld.idx.msk [tilespmem:v54+s18+$0x0], $0xffff;
	vm6 =	vlt.f32 v8, v18;
	v37 =	vadd.s32 $0x1, v35  }
0x34b: {  	vm2 =	vlt.f32 v38, v28;
	v53 =	vld.idx.msk [tilespmem:v60+s18+$0x0], $0xffff;
	v38 =	vsel vm6, v62, v40;
	vm6 =	vlt.f32 v48, v29  }
0x34c: {  	v40 =	vadd.s32 $0x1, v38;
	v21 =	vld.idx.msk [tilespmem:v21+s18+$0x0], $0xffff;
	vm7 =	vlt.f32 v49, v31;
	v60 =	vsel vm6, $0x1, v27  }
0x34d: {  	v55 =	vadd.s32 $0x2, v6;
	v24 =	vld.idx.msk [tilespmem:v24+s18+$0x0], $0xffff;
	v61 =	vsel vm7, $0x1, v27;
	v2 =	vadd.s32 v60, v2  }
0x34e: {  	v54 =	vadd.s32 $0x2, v5;
	vm6 =	vlt.f32 v50, v20;
	v62 =	vld.idx.msk [tilespmem:v52+s18+$0x0], $0xffff;
	v0 =	vadd.s32 v61, v0  }
0x34f: {  	v29 =	vadd.s32 $0x2, v25;
	v41 =	vsel vm6, v63, v26;
	vm6 =	vlt.f32 v51, v19;
	v63 =	vld.idx.msk [tilespmem:v37+s18+$0x0], $0xffff  }
0x350: {  	s21 =	sadd.s32 $0xA, s21;
	v31 =	vadd.s32 $0x2, v38;
	v26 =	vadd.s32 $0x1, v41;
	v45 =	vsel vm6, v1, v23;
	v23 =	vld [tilespmem:$0x1FEC0]  }
0x351: {  	p0 =	slt.u32 s21, $0x5D2;
	v50 =	vsel vm5, $0x1, v27;
	v37 =	vadd.s32 $0x2, v35;
	v49 =	vld.idx.msk [tilespmem:v40+s18+$0x0], $0xffff;
	v1 =	vadd.s32 $0x1, v45  }
.Ltmp2:
0x352: {  	v51 =	vsel vm4, $0x1, v27;
	vm6 =	vlt.f32 v53, v14;
	v47 =	vadd.s32 $0x2, v41;
	v40 =	vld.idx.msk [tilespmem:v2+s20+$0x0], $0xffff;
	(pc) =	sbr.rel @p0 .LBB2_6-.Ltmp2, $4  }
0x353: {  	v53 =	vsel vm3, $0x1, v27;
	v32 =	vsel vm6, v46, v7;
	vm5 =	vlt.f32 v62, v17;
	v39 =	vld.idx.msk [tilespmem:v0+s20+$0x0], $0xffff  }
0x354: {  	v48 =	vadd.s32 $0x2, v45;
	vm6 =	vlt.f32 v24, v3;
	v44 =	vsel vm5, v29, v25;
	v25 =	vld [tilespmem:$0x1FED0]  }
0x355: {  	v59 =	vmovc v9;
	v46 =	vadd.s32 $0x1, v32;
	v42 =	vsel vm6, v54, v5;
	vm6 =	vlt.f32 v21, v58;
	v54 =	vld.idx.msk [tilespmem:v26+s18+$0x0], $0xffff  }
0x356: {  	s2 =	smov.u32 s25;
	s23 =	sadd.s32 $0xA0, s23;
	s11 =	smov.u32 s12;
	v28 =	vmovc v3;
	v34 =	vadd.s32 $0x2, v32;
	vm4 =	vlt.f32 v63, v16;
	v43 =	vsel vm6, v55, v6;
	v52 =	vld.idx.msk [tilespmem:v1+s18+$0x0], $0xffff  }
0x357: {  	_ =	sdelay $0x2  }
0x358: {  	v0 =	vsel vm4, v37, v35  }
0x359: {  	v2 =	vld.idx.msk [tilespmem:v46+s18+$0x0], $0xffff;
	v8 =	vadd.s32 v33, v23  }
0x35a: {  	v5 =	vld.idx.msk [tilespmem:v42+s18+$0x0], $0xffff;
	v21 =	vadd.s32 v36, v15  }
0x35b: {  	vm3 =	vlt.f32 v49, v18;
	v7 =	vld.idx.msk [tilespmem:v43+s18+$0x0], $0xffff;
	v26 =	vadd.s32 v51, v56  }
0x35c: {  	v10 =	vld.idx.msk [tilespmem:v44+s18+$0x0], $0xffff;
	v1 =	vsel vm3, v31, v38  }
0x35d: {  	v31 =	vadd.s32 v53, v57;
	vm3 =	vlt.f32 v54, v20;
	v23 =	vld.idx.msk [tilespmem:v0+s18+$0x0], $0xffff  }
0x35e: {  	v61 =	vimm.s32 $0x0;
	v4 =	vsel vm3, v47, v41;
	vm3 =	vlt.f32 v52, v19;
	v8 =	vld.idx.msk [tilespmem:v8+s20+$0x0], $0xffff  }
0x35f: {  	v29 =	vsel vm0, $0x1, v61;
	v6 =	vsel vm3, v48, v45;
	vm3 =	vlt.f32 v2, v14;
	v21 =	vld.idx.msk [tilespmem:v21+s20+$0x0], $0xffff  }
0x360: {  	v29 =	vadd.s32 v29, v22;
	v22 =	vld.idx.msk [tilespmem:v26+s20+$0x0], $0xffff;
	v9 =	vsel vm3, v34, v32  }
0x361: {  	v24 =	vadd.s32 v50, v25;
	vm0 =	vlt.f32 v5, v28;
	v25 =	vld.idx.msk [tilespmem:v1+s18+$0x0], $0xffff  }
0x362: {  	v63 =	vsel vm2, $0x1, v61;
	v35 =	vsel vm0, $0x1, v61;
	vm0 =	vlt.f32 v10, v17;
	v17 =	vld.idx.msk [tilespmem:v31+s20+$0x0], $0xffff  }
0x363: {  	v62 =	vsel vm1, $0x1, v61;
	v5 =	vadd.s32 v63, v30;
	v27 =	vld.idx.msk [tilespmem:v4+s18+$0x0], $0xffff  }
0x364: {  	s10 =	sadd.s32 $0xA0, s12;
	vm1 =	vlt.f32 v7, v58;
	v32 =	vadd.s32 v62, v59;
	v2 =	vld.idx.msk [tilespmem:v6+s18+$0x0], $0xffff  }
0x365: {  	[tilespmem:s10+$0x0] =	vst v40;
	v10 =	vsel vm1, $0x1, v61;
	v7 =	vadd.s32 v35, v42;
	v3 =	vld.idx.msk [tilespmem:v9+s18+$0x0], $0xffff  }
0x366: {  	[tilespmem:s2+$0x7D80] =	vst v39;
	v24 =	vld.idx.msk [tilespmem:v24+s20+$0x0], $0xffff;
	v10 =	vadd.s32 v10, v43;
	vm1 =	vlt.f32 v23, v16;
	v16 =	vsel vm0, $0x1, v61  }
0x367: {  	v23 =	vld.idx.msk [tilespmem:v29+s20+$0x0], $0xffff;
	[tilespmem:s11+$0xFFFFFF70] =	vst v8;
	vm0 =	vlt.f32 v25, v18;
	v8 =	vsel vm1, $0x1, v61;
	v16 =	vadd.s32 v16, v44  }
0x368: {  	[tilespmem:s11+$0xFFFFFF80] =	vst v21;
	v5 =	vld.idx.msk [tilespmem:v5+s20+$0x0], $0xffff;
	v0 =	vadd.s32 v8, v0;
	vm1 =	vlt.f32 v27, v20;
	v20 =	vsel vm0, $0x1, v61  }
0x369: {  	[tilespmem:s11+$0xFFFFFFA0] =	vst v22;
	v18 =	vld.idx.msk [tilespmem:v32+s20+$0x0], $0xffff;
	vm0 =	vlt.f32 v2, v19;
	v2 =	vsel vm1, $0x1, v61;
	v1 =	vadd.s32 v20, v1  }
0x36a: {  	[tilespmem:s11+$0xFFFFFFB0] =	vst v17;
	vm1 =	vlt.f32 v3, v14;
	v8 =	vsel vm0, $0x1, v61;
	v2 =	vadd.s32 v2, v4;
	v4 =	vld.idx.msk [tilespmem:v7+s20+$0x0], $0xffff  }
0x36b: {  	[tilespmem:s11+$0xFFFFFF90] =	vst v24;
	v36 =	vsel vm1, $0x1, v61;
	v6 =	vadd.s32 v8, v6;
	v8 =	vld.idx.msk [tilespmem:v10+s20+$0x0], $0xffff  }
0x36c: {  	[tilespmem:s11+$0xFFFFFFC0] =	vst v23;
	v10 =	vld.idx.msk [tilespmem:v16+s20+$0x0], $0xffff;
	v7 =	vadd.s32 v36, v9  }
0x36d: {  	[tilespmem:s11+$0xFFFFFFE0] =	vst v5;
	v0 =	vld.idx.msk [tilespmem:v0+s20+$0x0], $0xffff  }
0x36e: {  	[tilespmem:s11+$0xFFFFFFD0] =	vst v18;
	v1 =	vld.idx.msk [tilespmem:v1+s20+$0x0], $0xffff  }
0x36f: {  	v2 =	vld.idx.msk [tilespmem:v2+s20+$0x0], $0xffff;
	[tilespmem:s10+$0xFFFFFF70] =	vst v4  }
0x370: {  	v4 =	vld.idx.msk [tilespmem:v6+s20+$0x0], $0xffff;
	[tilespmem:s10+$0xFFFFFF80] =	vst v8  }
0x371: {  	[tilespmem:s10+$0xFFFFFF90] =	vst v10;
	v5 =	vld.idx.msk [tilespmem:v7+s20+$0x0], $0xffff  }
0x372: {  	[tilespmem:s10+$0xFFFFFFA0] =	vst v0  }
0x373: {  	[tilespmem:s10+$0xFFFFFFB0] =	vst v1  }
0x374: {  	[tilespmem:s10+$0xFFFFFFC0] =	vst v2  }
0x375: {  	[tilespmem:s10+$0xFFFFFFD0] =	vst v4  }
0x376: {  	s25 =	simm.s32 $0x0;
	s4 =	simm.s32 $0xBB80;
	[tilespmem:s10+$0xFFFFFFE0] =	vst v5  }
0x377: {  	[hbm4b:s15+s25] =	stream.linear.scatter [tilespmem:s4], [sflag:$0x7], $0x1F40, $0x38;
	[tilespmem:$0x10380] =	vst v63  }
0x378: {  	_ =	swait.ge [sflag:s26], $0x1F40  }
0x379: {  	[sflag:s26] =	ssyncset.done $0x0;
	v15 =	vld [tilespmem:$0x1FF60]  }
0x37a: {  	s2 =	simm.s32 $0x0;
	v9 =	vld [tilespmem:$0x1FFE0];
	[sflag:s26] =	ssyncadd.s32 $0xFFFFE0C0  }
0x37b: {  	v20 =	vld [tilespmem:s2+$0x5E50]  }
0x37c: {  	v21 =	vld [tilespmem:s2+$0x5E00]  }
0x37d: {  	v3 =	vld [tilespmem:$0x1FFF0];
	_ =	sdelay $0x3  }
0x37e: {  	vm0 =	vlt.f32 v15, v20;
	vm1 =	vlt.f32 v15, v21  }
0x37f: {  	v28 =	vld [tilespmem:s2+$0x5E20];
	v0 =	vsel vm0, v13, v12;
	v1 =	vsel vm1, v9, v3;
	v2 =	vsel vm1, v13, v12  }
0x380: {  	v29 =	vld [tilespmem:s2+$0x5DE0];
	v4 =	vsel vm0, v9, v3;
	vm0 =	vlt.f32 v2, v21;
	v2 =	vor.u32 $0x10, v1  }
0x381: {  	v1 =	vsel vm0, v2, v1  }
0x382: {  	vm1 =	vlt.f32 v0, v20;
	v0 =	vor.u32 $0x10, v4;
	v2 =	vadd.s32 $0x7, v1  }
0x383: {  	v24 =	vld [tilespmem:s2+$0x5E30];
	v0 =	vsel vm1, v0, v4  }
0x384: {  	s28 =	simm.s32 $0x5DC0;
	vm0 =	vlt.f32 v15, v28;
	v4 =	vadd.s32 $0x7, v0  }
0x385: {  	s10 =	sand.u32 $0x7FE0, s28;
	v62 =	vld [tilespmem:s2+$0x5E10];
	v5 =	vsel vm0, v9, v3;
	v37 =	vsel vm0, v13, v12;
	vm0 =	vlt.f32 v15, v29  }
0x386: {  	v30 =	vld [tilespmem:s10+$0x80];
	vm1 =	vlt.f32 v37, v28;
	v38 =	vor.u32 $0x10, v5;
	v39 =	vsel vm0, v13, v12  }
0x387: {  	v8 =	vsel vm0, v9, v3;
	v5 =	vsel vm1, v38, v5;
	vm0 =	vlt.f32 v39, v29;
	v2 =	vld.idx.msk [tilespmem:v2+s18+$0x0], $0xffff  }
0x388: {  	v40 =	vor.u32 $0x10, v8;
	vm1 =	vlt.f32 v15, v24;
	v41 =	vadd.s32 $0x7, v5  }
0x389: {  	v6 =	vsel vm0, v40, v8;
	v8 =	vsel vm1, v9, v3;
	v10 =	vsel vm1, v13, v12;
	v4 =	vld.idx.msk [tilespmem:v4+s18+$0x0], $0xffff  }
0x38a: {  	v14 =	vld [tilespmem:s2+$0x5DD0];
	v17 =	vadd.s32 $0x7, v6;
	vm0 =	vlt.f32 v10, v24;
	v10 =	vor.u32 $0x10, v8  }
0x38b: {  	v16 =	vld [tilespmem:s2+$0x5DF0];
	vm2 =	vlt.f32 v15, v30;
	vm1 =	vlt.f32 v15, v62;
	v8 =	vsel vm0, v10, v8  }
0x38c: {  	v10 =	vadd.s32 $0x7, v8;
	vm0 =	vlt.f32 v2, v21;
	v2 =	vadd.s32 $0x8, v1  }
0x38d: {  	v31 =	vsel vm2, v9, v3;
	v25 =	vsel vm1, v9, v3;
	v7 =	vld.idx.msk [tilespmem:v41+s18+$0x0], $0xffff;
	v1 =	vsel vm0, v2, v1  }
0x38e: {  	vm0 =	vlt.f32 v4, v20;
	v2 =	vadd.s32 $0x8, v0;
	v18 =	vadd.s32 $0x3, v1  }
0x38f: {  	v17 =	vld.idx.msk [tilespmem:v17+s18+$0x0], $0xffff;
	v4 =	vadd.s32 $0x8, v5;
	v0 =	vsel vm0, v2, v0;
	vm0 =	vlt.f32 v15, v14  }
0x390: {  	v2 =	vsel vm1, v13, v12;
	vm1 =	vlt.f32 v15, v16;
	v19 =	vadd.s32 $0x3, v0  }
0x391: {  	v10 =	vld.idx.msk [tilespmem:v10+s18+$0x0], $0xffff;
	v43 =	vadd.s32 $0x4, v1;
	v22 =	vsel vm0, v9, v3;
	v23 =	vsel vm0, v13, v12  }
0x392: {  	vm0 =	vlt.f32 v2, v62;
	v2 =	vor.u32 $0x10, v25;
	vm3 =	vlt.f32 v7, v28  }
0x393: {  	v44 =	vadd.s32 $0x4, v0;
	v2 =	vsel vm0, v2, v25;
	vm0 =	vlt.f32 v23, v14;
	v42 =	vld.idx.msk [tilespmem:v18+s18+$0x0], $0xffff  }
0x394: {  	v23 =	vadd.s32 $0x8, v6;
	vm9 =	vlt.f32 v17, v29;
	v4 =	vsel vm3, v4, v5  }
0x395: {  	v26 =	vor.u32 $0x10, v22;
	v6 =	vsel vm9, v23, v6;
	v5 =	vld.idx.msk [tilespmem:v19+s18+$0x0], $0xffff;
	v19 =	vadd.s32 $0x3, v4  }
0x396: {  	v25 =	vadd.s32 $0x8, v8;
	v23 =	vadd.s32 $0x3, v6;
	vm3 =	vlt.f32 v10, v24  }
0x397: {  	v17 =	vsel vm2, v13, v12;
	v10 =	vadd.s32 $0x7, v2;
	v8 =	vsel vm3, v25, v8  }
0x398: {  	vm10 =	vlt.f32 v17, v30;
	v25 =	vadd.s32 $0x3, v8;
	vm3 =	vlt.f32 v42, v21  }
0x399: {  	v17 =	vld [tilespmem:s2+$0x5DC0];
	v22 =	vsel vm0, v26, v22;
	v18 =	vsel vm1, v13, v12;
	v1 =	vsel vm3, v43, v1  }
0x39a: {  	vm3 =	vlt.f32 v5, v20;
	v5 =	vsel vm1, v9, v3;
	v19 =	vld.idx.msk [tilespmem:v19+s18+$0x0], $0xffff;
	vm1 =	vlt.f32 v18, v16  }
0x39b: {  	v18 =	vld.idx.msk [tilespmem:v23+s18+$0x0], $0xffff;
	v27 =	vadd.s32 $0x1, v1;
	v0 =	vsel vm3, v44, v0;
	v45 =	vor.u32 $0x10, v5  }
0x39c: {  	v46 =	vld.idx.msk [tilespmem:v10+s18+$0x0], $0xffff;
	v10 =	vor.u32 $0x10, v31;
	v23 =	vadd.s32 $0x1, v0;
	v5 =	vsel vm1, v45, v5  }
0x39d: {  	v47 =	vadd.s32 $0x8, v2;
	v10 =	vsel vm10, v10, v31;
	v25 =	vld.idx.msk [tilespmem:v25+s18+$0x0], $0xffff;
	v26 =	vadd.s32 $0x7, v5  }
0x39e: {  	v48 =	vadd.s32 $0x4, v4;
	v55 =	vadd.s32 $0x8, v22;
	v49 =	vadd.s32 $0x7, v10  }
0x39f: {  	vm0 =	vlt.f32 v15, v17;
	v31 =	vadd.s32 $0x7, v22;
	vm1 =	vlt.f32 v19, v28  }
0x3a0: {  	vm2 =	vlt.f32 v18, v29;
	v18 =	vadd.s32 $0x4, v6;
	v50 =	vld.idx.msk [tilespmem:v27+s18+$0x0], $0xffff;
	v4 =	vsel vm1, v48, v4  }
0x3a1: {  	v27 =	vsel vm2, v18, v6;
	vm1 =	vlt.f32 v46, v62;
	v18 =	vadd.s32 $0x4, v8;
	v19 =	vld.idx.msk [tilespmem:v23+s18+$0x0], $0xffff  }
0x3a2: {  	v51 =	vadd.s32 $0x1, v4;
	v2 =	vsel vm1, v47, v2;
	vm1 =	vlt.f32 v25, v24;
	v52 =	vld.idx.msk [tilespmem:v26+s18+$0x0], $0xffff  }
0x3a3: {  	v57 =	vadd.s32 $0x8, v10;
	v26 =	vadd.s32 $0x3, v2;
	v8 =	vsel vm1, v18, v8;
	v18 =	vld.idx.msk [tilespmem:v49+s18+$0x0], $0xffff  }
0x3a4: {  	v54 =	vadd.s32 $0x2, v0;
	v56 =	vadd.s32 $0x8, v5;
	v23 =	vld.idx.msk [tilespmem:v31+s18+$0x0], $0xffff;
	v25 =	vsel vm0, v9, v3  }
0x3a5: {  	v31 =	vadd.s32 $0x2, v1;
	v53 =	vadd.s32 $0x1, v8;
	vm1 =	vlt.f32 v50, v21  }
0x3a6: {  	v1 =	vsel vm1, v31, v1;
	vm1 =	vlt.f32 v19, v20;
	v19 =	vsel vm0, v13, v12  }
0x3a7: {  	v31 =	vor.u32 $0x10, v25;
	v6 =	vld.idx.msk [tilespmem:v51+s18+$0x0], $0xffff;
	v0 =	vsel vm1, v54, v0;
	vm0 =	vlt.f32 v19, v17  }
0x3a8: {  	vm1 =	vlt.f32 v52, v16;
	v19 =	vld.idx.msk [tilespmem:v26+s18+$0x0], $0xffff;
	vm2 =	vlt.f32 v18, v30;
	v37 =	vsel vm0, v31, v25  }
0x3a9: {  	vm0 =	vlt.f32 v23, v14;
	v31 =	vsel vm1, v56, v5;
	v5 =	vsel vm2, v57, v10  }
0x3aa: {  	v23 =	vld.idx.msk [tilespmem:v53+s18+$0x0], $0xffff;
	v32 =	vsel vm0, v55, v22;
	v59 =	vadd.s32 $0x3, v5  }
0x3ab: {  	v36 =	vadd.s32 $0x1, v27;
	v60 =	vadd.s32 $0x2, v4;
	v25 =	vadd.s32 $0x3, v32;
	v58 =	vld.idx.msk [tilespmem:v1+s18+$0x0], $0xffff  }
0x3ac: {  	s11 =	simm.s32 $0xA0;
	v10 =	vadd.s32 $0x2, v27;
	v26 =	vadd.s32 $0x3, v31;
	vm0 =	vlt.f32 v6, v28;
	v22 =	vld.idx.msk [tilespmem:v0+s18+$0x0], $0xffff  }
0x3ad: {  	v18 =	vld [tilespmem:s11+$0x5E20];
	v33 =	vsel vm0, v60, v4;
	vm0 =	vlt.f32 v19, v62;
	v4 =	vadd.s32 $0x4, v2  }
0x3ae: {  	v7 =	vadd.s32 $0x8, v37;
	v45 =	vadd.s32 $0x4, v5;
	v19 =	vld [tilespmem:s11+$0x5DE0];
	v34 =	vsel vm0, v4, v2  }
0x3af: {  	v2 =	vadd.s32 $0x2, v8;
	v4 =	vadd.s32 $0x7, v37;
	vm0 =	vlt.f32 v23, v24;
	v38 =	vld.idx.msk [tilespmem:v59+s18+$0x0], $0xffff  }
0x3b0: {  	v6 =	vadd.s32 $0x1, v34;
	v35 =	vadd.s32 $0x2, v34;
	v23 =	vld.idx.msk [tilespmem:v25+s18+$0x0], $0xffff;
	vm1 =	vlt.f32 v58, v21  }
0x3b1: {  	v2 =	vsel vm0, v2, v8;
	v21 =	vld [tilespmem:s11+$0x5E10];
	vm0 =	vlt.f32 v22, v20;
	v8 =	vsel vm1, $0x1, v61  }
0x3b2: {  	v58 =	vld.idx.msk [tilespmem:v36+s18+$0x0], $0xffff;
	vm1 =	vlt.f32 v15, v18;
	v63 =	vsel vm0, $0x1, v61;
	v1 =	vadd.s32 v8, v1  }
0x3b3: {  	v22 =	vld [tilespmem:s11+$0x5E50];
	v8 =	vsel vm1, v13, v12;
	v25 =	vsel vm1, v9, v3;
	vm0 =	vlt.f32 v15, v19  }
0x3b4: {  	v20 =	vld [tilespmem:s11+$0x5DD0];
	vm1 =	vlt.f32 v8, v18;
	v8 =	vsel vm0, v9, v3;
	v52 =	vor.u32 $0x10, v25  }
0x3b5: {  	v53 =	vsel vm0, v13, v12;
	v0 =	vadd.s32 v63, v0;
	vm13 =	vlt.f32 v38, v30  }
0x3b6: {  	v40 =	vsel vm1, v52, v25;
	vm2 =	vlt.f32 v53, v19;
	v42 =	vor.u32 $0x10, v8  }
0x3b7: {  	v54 =	vld.idx.msk [tilespmem:v2+s18+$0x0], $0xffff;
	vm0 =	vlt.f32 v23, v14;
	v5 =	vsel vm13, v45, v5;
	vm1 =	vlt.f32 v15, v21  }
0x3b8: {  	v25 =	vld [tilespmem:s11+$0x5E00];
	v43 =	vadd.s32 $0x8, v40;
	v44 =	vadd.s32 $0x7, v40;
	v8 =	vsel vm2, v42, v8  }
0x3b9: {  	v4 =	vld.idx.msk [tilespmem:v4+s18+$0x0], $0xffff;
	vm15 =	vlt.f32 v58, v29;
	vm3 =	vlt.f32 v15, v22;
	vm11 =	vlt.f32 v15, v20  }
0x3ba: {  	v57 =	vsel vm1, v13, v12;
	v38 =	vadd.s32 $0x7, v8;
	v45 =	vadd.s32 $0x8, v8  }
0x3bb: {  	v10 =	vsel vm15, v10, v27;
	v55 =	vsel vm3, v13, v12;
	v23 =	vsel vm3, v9, v3  }
0x3bc: {  	v56 =	vld.idx.msk [tilespmem:v26+s18+$0x0], $0xffff;
	v39 =	vsel vm11, v9, v3;
	vm3 =	vlt.f32 v55, v22;
	v26 =	vor.u32 $0x10, v23  }
0x3bd: {  	vm12 =	vlt.f32 v54, v24;
	vm5 =	vlt.f32 v15, v25;
	v48 =	vsel vm3, v26, v23  }
0x3be: {  	vm3 =	vlt.f32 v4, v17;
	v23 =	vld [tilespmem:s11+$0x5E30];
	v4 =	vsel vm5, v9, v3;
	v26 =	vsel vm5, v13, v12  }
0x3bf: {  	s21 =	simm.s32 $0x5E60;
	v63 =	vadd.s32 $0x7, v48;
	vm6 =	vlt.f32 v26, v25;
	v24 =	vor.u32 $0x10, v4;
	v26 =	vld [tilespmem:s11+$0x5DF0]  }
0x3c0: {  	s12 =	sand.u32 $0x7FE0, s21;
	v59 =	vsel vm11, v13, v12;
	vm2 =	vlt.f32 v57, v21;
	v38 =	vld.idx.msk [tilespmem:v38+s18+$0x0], $0xffff;
	v4 =	vsel vm6, v24, v4  }
0x3c1: {  	v55 =	vsel vm1, v9, v3;
	vm1 =	vlt.f32 v56, v16;
	v24 =	vld [tilespmem:s12+$0x80];
	v60 =	vadd.s32 $0x7, v4  }
0x3c2: {  	vm14 =	vlt.f32 v59, v20;
	v56 =	vor.u32 $0x10, v55;
	v41 =	vsel vm12, $0x1, v61  }
0x3c3: {  	v36 =	vsel vm2, v56, v55;
	v7 =	vsel vm3, v7, v37;
	vm2 =	vlt.f32 v15, v23  }
0x3c4: {  	v2 =	vadd.s32 v41, v2;
	v59 =	vld.idx.msk [tilespmem:v63+s18+$0x0], $0xffff;
	v63 =	vsel vm2, v13, v12;
	vm7 =	vlt.f32 v15, v26  }
0x3c5: {  	v6 =	vld.idx.msk [tilespmem:v6+s18+$0x0], $0xffff;
	vm11 =	vlt.f32 v63, v23;
	v63 =	vadd.s32 $0x8, v48;
	vm13 =	vlt.f32 v38, v19  }
0x3c6: {  	vm8 =	vlt.f32 v15, v24;
	v57 =	vsel vm7, v13, v12;
	v56 =	vsel vm7, v9, v3;
	v42 =	vld.idx.msk [tilespmem:v60+s18+$0x0], $0xffff  }
0x3c7: {  	v58 =	vsel vm8, v13, v12;
	v60 =	vsel vm2, v9, v3;
	vm3 =	vlt.f32 v57, v26  }
0x3c8: {  	v57 =	vor.u32 $0x10, v56;
	vm2 =	vlt.f32 v58, v24;
	v55 =	vor.u32 $0x10, v60  }
0x3c9: {  	v44 =	vld.idx.msk [tilespmem:v44+s18+$0x0], $0xffff;
	v41 =	vsel vm3, v57, v56;
	v47 =	vsel vm11, v55, v60;
	vm3 =	vlt.f32 v59, v22  }
0x3ca: {  	v58 =	vadd.s32 $0x8, v4;
	v59 =	vadd.s32 $0x7, v47;
	v38 =	vsel vm3, v63, v48  }
0x3cb: {  	v60 =	vld.idx.msk [tilespmem:v33+s18+$0x0], $0xffff;
	vm3 =	vlt.f32 v6, v62;
	v6 =	vsel vm13, v45, v8;
	vm12 =	vlt.f32 v42, v25  }
0x3cc: {  	v50 =	vor.u32 $0x10, v39;
	v4 =	vsel vm12, v58, v4;
	v58 =	vadd.s32 $0x3, v6  }
0x3cd: {  	v27 =	vld [tilespmem:s11+$0x5DC0];
	v39 =	vsel vm14, v50, v39;
	v57 =	vadd.s32 $0x4, v31;
	v37 =	vadd.s32 $0x3, v4  }
0x3ce: {  	vm14 =	vlt.f32 v44, v18;
	v44 =	vsel vm1, v57, v31;
	v8 =	vadd.s32 $0x3, v38  }
0x3cf: {  	v54 =	vadd.s32 $0x2, v5;
	v50 =	vadd.s32 $0x7, v36;
	v45 =	vadd.s32 $0x1, v44  }
0x3d0: {  	v43 =	vsel vm14, v43, v40;
	v40 =	vadd.s32 $0x3, v7;
	vm15 =	vlt.f32 v60, v28;
	v28 =	vld.idx.msk [tilespmem:v59+s18+$0x0], $0xffff  }
0x3d1: {  	v51 =	vadd.s32 $0x3, v43;
	v49 =	vadd.s32 $0x4, v43;
	v56 =	vadd.s32 $0x1, v5;
	v48 =	vld.idx.msk [tilespmem:v58+s18+$0x0], $0xffff  }
0x3d2: {  	v46 =	vsel vm8, v9, v3;
	vm1 =	vlt.f32 v15, v27;
	v53 =	vadd.s32 $0x2, v44;
	v37 =	vld.idx.msk [tilespmem:v37+s18+$0x0], $0xffff  }
0x3d3: {  	v63 =	vadd.s32 $0x4, v32;
	v31 =	vsel vm3, v35, v34;
	v35 =	vadd.s32 $0x8, v47;
	v8 =	vld.idx.msk [tilespmem:v8+s18+$0x0], $0xffff  }
0x3d4: {  	v42 =	vadd.s32 $0x8, v36;
	v60 =	vor.u32 $0x10, v46;
	v59 =	vsel vm15, $0x1, v61;
	v45 =	vld.idx.msk [tilespmem:v45+s18+$0x0], $0xffff  }
0x3d5: {  	v1 =	vld.idx.msk [tilespmem:v1+s20+$0x0], $0xffff;
	v55 =	vsel vm2, v60, v46;
	v46 =	vadd.s32 $0x7, v41;
	v33 =	vadd.s32 v59, v33  }
0x3d6: {  	v34 =	vld.idx.msk [tilespmem:v56+s18+$0x0], $0xffff;
	v59 =	vadd.s32 $0x4, v4;
	v56 =	vadd.s32 $0x7, v55;
	vm3 =	vlt.f32 v48, v19  }
0x3d7: {  	v0 =	vld.idx.msk [tilespmem:v0+s20+$0x0], $0xffff;
	vm2 =	vlt.f32 v37, v25;
	v37 =	vsel vm0, v63, v32;
	v63 =	vadd.s32 $0x7, v39  }
0x3d8: {  	v2 =	vld.idx.msk [tilespmem:v2+s20+$0x0], $0xffff;
	vm0 =	vlt.f32 v8, v22;
	v8 =	vadd.s32 $0x4, v38;
	v4 =	vsel vm2, v59, v4  }
0x3d9: {  	v60 =	vld.idx.msk [tilespmem:v40+s18+$0x0], $0xffff;
	vm2 =	vlt.f32 v28, v23;
	v8 =	vsel vm0, v8, v38;
	vm0 =	vlt.f32 v45, v16  }
0x3da: {  	v45 =	vld.idx.msk [tilespmem:v10+s18+$0x0], $0xffff;
	v58 =	vadd.s32 $0x1, v37;
	v28 =	vadd.s32 $0x4, v6;
	v48 =	vadd.s32 $0x2, v37  }
0x3db: {  	v59 =	vld.idx.msk [tilespmem:v33+s20+$0x0], $0xffff;
	v57 =	vsel vm2, v35, v47;
	v35 =	vadd.s32 $0x1, v4;
	vm2 =	vlt.f32 v34, v30  }
0x3dc: {  	v47 =	vld.idx.msk [tilespmem:v51+s18+$0x0], $0xffff;
	v28 =	vsel vm3, v28, v6;
	v51 =	vadd.s32 $0x1, v8;
	v40 =	vsel vm0, v53, v44  }
0x3dd: {  	[tilespmem:s2+$0xDB00] =	vst v1;
	v6 =	vld.idx.msk [tilespmem:v46+s18+$0x0], $0xffff;
	v44 =	vsel vm1, v9, v3;
	v1 =	vadd.s32 $0x2, v8;
	v34 =	vadd.s32 $0x3, v57  }
0x3de: {  	v38 =	vsel vm2, v54, v5;
	v5 =	vadd.s32 $0x4, v7;
	vm2 =	vlt.f32 v60, v17;
	v60 =	vld.idx.msk [tilespmem:v50+s18+$0x0], $0xffff  }
0x3df: {  	v33 =	vadd.s32 $0x1, v28;
	v50 =	vadd.s32 $0x8, v39;
	v54 =	vld.idx.msk [tilespmem:v56+s18+$0x0], $0xffff;
	v46 =	vsel vm2, v5, v7  }
0x3e0: {  	v5 =	vld.idx.msk [tilespmem:v63+s18+$0x0], $0xffff;
	v63 =	vsel vm1, v13, v12;
	vm0 =	vlt.f32 v45, v29;
	v29 =	vor.u32 $0x10, v44  }
0x3e1: {  	v45 =	vadd.s32 $0x1, v46;
	vm2 =	vlt.f32 v63, v27;
	v52 =	vld.idx.msk [tilespmem:v35+s18+$0x0], $0xffff;
	vm1 =	vlt.f32 v47, v18  }
0x3e2: {  	v35 =	vsel vm2, v29, v44;
	v29 =	vsel vm0, $0x1, v61;
	v34 =	vld.idx.msk [tilespmem:v34+s18+$0x0], $0xffff;
	v43 =	vsel vm1, v49, v43  }
0x3e3: {  	vm1 =	vlt.f32 v6, v26;
	vm3 =	vlt.f32 v60, v21;
	v60 =	vld.idx.msk [tilespmem:v51+s18+$0x0], $0xffff;
	v6 =	vadd.s32 $0x1, v43  }
0x3e4: {  	v56 =	vadd.s32 $0x8, v55;
	v7 =	vadd.s32 $0x8, v41;
	v44 =	vld.idx.msk [tilespmem:v38+s18+$0x0], $0xffff;
	v10 =	vadd.s32 v29, v10  }
0x3e5: {  	v49 =	vld.idx.msk [tilespmem:v58+s18+$0x0], $0xffff;
	vm2 =	vlt.f32 v54, v24;
	v47 =	vsel vm3, v42, v36;
	v32 =	vsel vm1, v7, v41  }
0x3e6: {  	v36 =	vadd.s32 $0x2, v4;
	v61 =	vadd.s32 $0x3, v47;
	vm0 =	vlt.f32 v5, v20;
	v42 =	vld.idx.msk [tilespmem:v45+s18+$0x0], $0xffff  }
0x3e7: {  	v51 =	vld.idx.msk [tilespmem:v40+s18+$0x0], $0xffff;
	v5 =	vadd.s32 $0x4, v57;
	v29 =	vsel vm0, v50, v39;
	vm1 =	vlt.f32 v34, v23  }
0x3e8: {  	[tilespmem:s2+$0xDB50] =	vst v0;
	v39 =	vadd.s32 $0x3, v32;
	vm0 =	vlt.f32 v52, v25;
	v45 =	vsel vm1, v5, v57;
	v50 =	vld.idx.msk [tilespmem:v6+s18+$0x0], $0xffff  }
0x3e9: {  	[tilespmem:s2+$0xDB30] =	vst v2;
	v52 =	vld.idx.msk [tilespmem:v31+s18+$0x0], $0xffff;
	v41 =	vsel vm0, v36, v4;
	vm0 =	vlt.f32 v44, v30;
	v53 =	vadd.s32 $0x1, v45  }
0x3ea: {  	[tilespmem:s2+$0xDB20] =	vst v59;
	v30 =	vadd.s32 $0x2, v46;
	v44 =	vld.idx.msk [tilespmem:v10+s20+$0x0], $0xffff;
	v34 =	vadd.s32 $0x2, v28;
	vm1 =	vlt.f32 v60, v22  }
0x3eb: {  	s23 =	simm.s32 $0x5E6;
	s25 =	simm.s32 $0x500;
	v36 =	vsel vm1, v1, v8;
	v54 =	vld.idx.msk [tilespmem:v61+s18+$0x0], $0xffff;
	vm1 =	vlt.f32 v42, v17;
	v42 =	vsel vm2, v56, v55  }
.LBB2_8:
0x3ec: {  	v0 =	vadd.s32 $0x3, v42  }
0x3ed: {  	s28 =	sshra.s32 s25, $0x2;
	s23 =	sadd.s32 $0xA, s23;
	v1 =	vsel vm1, v30, v46;
	vm1 =	vlt.f32 v49, v14;
	vm2 =	vlt.f32 v50, v18  }
0x3ee: {  	v2 =	vadd.s32 $0x2, v43;
	vm3 =	vlt.f32 v51, v16;
	v16 =	vmovc v26;
	v60 =	vimm.s32 $0x0;
	p0 =	slt.u32 s23, $0x7C6;
	v4 =	vld.idx.msk [tilespmem:v53+s18+$0x0], $0xffff  }
0x3ef: {  	v5 =	vadd.s32 $0x3, v29;
	v7 =	vsel vm1, v48, v37;
	v8 =	vsel vm0, $0x1, v60;
	v6 =	vld.idx.msk [tilespmem:v41+s18+$0x0], $0xffff  }
0x3f0: {  	s21 =	sadd.s32 $0xA0, s21;
	v37 =	vsel vm2, v2, v43;
	v10 =	vsel vm3, $0x1, v60;
	v8 =	vadd.s32 v8, v38;
	v2 =	vld.idx.msk [tilespmem:v36+s18+$0x0], $0xffff  }
0x3f1: {  	s4 =	sand.u32 $0x7FE0, s21;
	v10 =	vadd.s32 v10, v40;
	vm0 =	vlt.f32 v52, v62;
	v62 =	vmov v21;
	v30 =	vld [tilespmem:s28+$0x5DE0];
	[tilespmem:s2+$0xDAE0] =	vst v44  }
0x3f2: {  	v21 =	vadd.s32 $0x4, v47;
	v43 =	vsel vm0, $0x1, v60;
	vm1 =	vlt.f32 v54, v62;
	v26 =	vld.idx.msk [tilespmem:v1+s18+$0x0], $0xffff  }
0x3f3: {  	v46 =	vadd.s32 $0x2, v45;
	v38 =	vsel vm1, v21, v47;
	v47 =	vadd.s32 v43, v31;
	v40 =	vld [tilespmem:s28+$0x5E20]  }
0x3f4: {  	v43 =	vadd.s32 $0x7, v35;
	v44 =	vadd.s32 $0x1, v38;
	v48 =	vld.idx.msk [tilespmem:v7+s18+$0x0], $0xffff  }
0x3f5: {  	v31 =	vadd.s32 $0x2, v38;
	vm0 =	vlt.f32 v4, v23;
	v4 =	vld.idx.msk [tilespmem:v8+s20+$0x0], $0xffff  }
0x3f6: {  	vm1 =	vlt.f32 v6, v25;
	v45 =	vsel vm0, v46, v45;
	vm0 =	vlt.f32 v2, v22;
	v21 =	vld [tilespmem:s28+$0x5E10]  }
0x3f7: {  	v2 =	vadd.s32 $0x8, v35;
	v6 =	vsel vm1, $0x1, v60;
	v8 =	vsel vm0, $0x1, v60;
	v5 =	vld.idx.msk [tilespmem:v5+s18+$0x0], $0xffff  }
0x3f8: {  	v6 =	vadd.s32 v6, v41;
	vm1 =	vlt.f32 v26, v17;
	v17 =	vmovc v27;
	vm0 =	vlt.f32 v15, v40;
	v22 =	vld [tilespmem:s28+$0x5E50]  }
0x3f9: {  	v41 =	vsel vm1, $0x1, v60;
	v25 =	vsel vm0, v9, v3;
	v26 =	vsel vm0, v13, v12;
	v27 =	vld.idx.msk [tilespmem:v43+s18+$0x0], $0xffff  }
0x3fa: {  	vm0 =	vlt.f32 v15, v30;
	vm2 =	vlt.f32 v48, v14;
	vm1 =	vlt.f32 v26, v40;
	v10 =	vld.idx.msk [tilespmem:v10+s20+$0x0], $0xffff  }
0x3fb: {  	v14 =	vmovc v20;
	v48 =	vsel vm0, v9, v3;
	v26 =	vor.u32 $0x10, v25;
	v46 =	vsel vm2, $0x1, v60;
	v49 =	vld.idx.msk [tilespmem:v45+s18+$0x0], $0xffff;
	[tilespmem:s10+$0x7D80] =	vst v4;
	s10 =	smov.u32 s12;
	s12 =	smov.u32 s4  }
0x3fc: {  	v1 =	vadd.s32 v41, v1;
	v4 =	vsel vm0, v13, v12;
	v43 =	vsel vm1, v26, v25;
	v20 =	vld [tilespmem:s28+$0x5DD0]  }
0x3fd: {  	vm2 =	vlt.f32 v4, v30;
	v4 =	vadd.s32 v46, v7;
	v25 =	vld [tilespmem:s28+$0x5E00];
	vm3 =	vlt.f32 v15, v22  }
0x3fe: {  	vm1 =	vlt.f32 v15, v21;
	v7 =	vor.u32 $0x10, v48;
	v46 =	vadd.s32 $0x8, v43;
	v26 =	vld.idx.msk [tilespmem:v47+s20+$0x0], $0xffff  }
0x3ff: {  	vm0 =	vlt.f32 v5, v14;
	v47 =	vadd.s32 $0x7, v43;
	v41 =	vsel vm3, v13, v12;
	v5 =	vld.idx.msk [tilespmem:v39+s18+$0x0], $0xffff  }
0x400: {  	v39 =	vsel vm3, v9, v3;
	vm3 =	vlt.f32 v41, v22;
	v41 =	vadd.s32 $0x4, v42;
	v0 =	vld.idx.msk [tilespmem:v0+s18+$0x0], $0xffff;
	[tilespmem:s2+$0xDAF0] =	vst v10  }
0x401: {  	v10 =	vsel vm1, v13, v12;
	v50 =	vor.u32 $0x10, v39;
	vm5 =	vlt.f32 v15, v20;
	v1 =	vld.idx.msk [tilespmem:v1+s20+$0x0], $0xffff  }
0x402: {  	v50 =	vsel vm3, v50, v39;
	vm3 =	vlt.f32 v27, v17;
	vm4 =	vlt.f32 v15, v25;
	v4 =	vld.idx.msk [tilespmem:v4+s20+$0x0], $0xffff  }
0x403: {  	v27 =	vsel vm4, v9, v3;
	v39 =	vsel vm4, v13, v12;
	vm4 =	vlt.f32 v49, v23;
	v23 =	vld [tilespmem:s28+$0x5E30]  }
0x404: {  	v8 =	vadd.s32 v8, v36;
	vm6 =	vlt.f32 v39, v25;
	v39 =	vor.u32 $0x10, v27;
	v33 =	vld.idx.msk [tilespmem:v33+s18+$0x0], $0xffff;
	[tilespmem:s2+$0xDB10] =	vst v26  }
0x405: {  	v51 =	vsel vm5, v13, v12;
	v49 =	vsel vm5, v9, v3;
	v26 =	vld [tilespmem:s28+$0x5DF0];
	v27 =	vsel vm6, v39, v27  }
0x406: {  	v54 =	vadd.s32 $0x7, v50;
	v52 =	vor.u32 $0x10, v49;
	v53 =	vadd.s32 $0x7, v27;
	v39 =	vld [tilespmem:s12+$0x80]  }
0x407: {  	v36 =	vsel vm1, v9, v3;
	vm1 =	vlt.f32 v5, v16;
	vm5 =	vlt.f32 v0, v24;
	[tilespmem:s2+$0xDAC0] =	vst v1  }
0x408: {  	v0 =	vsel vm2, v7, v48;
	vm2 =	vlt.f32 v10, v21;
	v1 =	vor.u32 $0x10, v36;
	v5 =	vld.idx.msk [tilespmem:v6+s20+$0x0], $0xffff;
	[tilespmem:s2+$0xDAD0] =	vst v4;
	s2 =	smov.u32 s11;
	s11 =	smov.u32 s28  }
0x409: {  	v36 =	vsel vm2, v1, v36;
	vm2 =	vlt.f32 v15, v23;
	v1 =	vsel vm5, v41, v42;
	v4 =	vld.idx.msk [tilespmem:v8+s20+$0x0], $0xffff  }
0x40a: {  	vm6 =	vlt.f32 v51, v20;
	v6 =	vadd.s32 $0x7, v0;
	vm5 =	vlt.f32 v33, v19  }
0x40b: {  	v8 =	vsel vm4, $0x1, v60;
	vm7 =	vlt.f32 v15, v26;
	v7 =	vld.idx.msk [tilespmem:v53+s18+$0x0], $0xffff;
	vm8 =	vlt.f32 v15, v39  }
0x40c: {  	v10 =	vadd.s32 $0x8, v0;
	v33 =	vsel vm7, v13, v12;
	v41 =	vsel vm8, v13, v12;
	v48 =	vld.idx.msk [tilespmem:v54+s18+$0x0], $0xffff  }
0x40d: {  	v42 =	vsel vm2, v9, v3;
	v51 =	vsel vm2, v13, v12;
	vm2 =	vlt.f32 v41, v39  }
0x40e: {  	v2 =	vsel vm3, v2, v35;
	vm4 =	vlt.f32 v51, v23;
	v41 =	vor.u32 $0x10, v42;
	[tilespmem:s2+$0xDB00] =	vst v5;
	v5 =	vld.idx.msk [tilespmem:v44+s18+$0x0], $0xffff  }
0x40f: {  	v8 =	vadd.s32 v8, v45;
	v35 =	vsel vm7, v9, v3;
	v44 =	vsel vm4, v41, v42;
	v6 =	vld.idx.msk [tilespmem:v6+s18+$0x0], $0xffff  }
0x410: {  	vm3 =	vlt.f32 v33, v26;
	v33 =	vor.u32 $0x10, v35;
	v45 =	vsel vm8, v9, v3;
	[tilespmem:s2+$0xDB50] =	vst v4  }
0x411: {  	v41 =	vsel vm6, v52, v49;
	vm4 =	vlt.f32 v7, v25;
	v4 =	vadd.s32 $0x8, v27;
	v7 =	vld.idx.msk [tilespmem:v47+s18+$0x0], $0xffff  }
0x412: {  	v42 =	vsel vm3, v33, v35;
	v4 =	vsel vm4, v4, v27;
	vm3 =	vlt.f32 v48, v22  }
0x413: {  	v34 =	vsel vm5, v34, v28;
	v35 =	vadd.s32 $0x7, v44;
	v33 =	vadd.s32 $0x3, v4;
	v28 =	vld.idx.msk [tilespmem:v37+s18+$0x0], $0xffff  }
0x414: {  	v49 =	vadd.s32 $0x1, v1;
	v47 =	vadd.s32 $0x7, v36;
	v48 =	vadd.s32 $0x8, v50;
	v8 =	vld.idx.msk [tilespmem:v8+s20+$0x0], $0xffff  }
0x415: {  	vm4 =	vlt.f32 v6, v30;
	v6 =	vsel vm3, v48, v50;
	vm3 =	vlt.f32 v5, v62;
	v27 =	vld [tilespmem:s11+$0x5DC0]  }
0x416: {  	v0 =	vsel vm4, v10, v0;
	v5 =	vadd.s32 $0x3, v6;
	v10 =	vadd.s32 $0x4, v32  }
0x417: {  	v48 =	vadd.s32 $0x3, v0;
	vm4 =	vlt.f32 v7, v40;
	v7 =	vsel vm1, v10, v32  }
0x418: {  	v32 =	vsel vm4, v46, v43;
	v43 =	vadd.s32 $0x1, v7;
	v10 =	vld.idx.msk [tilespmem:v33+s18+$0x0], $0xffff;
	v33 =	vadd.s32 $0x3, v2  }
0x419: {  	v50 =	vadd.s32 $0x2, v7;
	v46 =	vadd.s32 $0x3, v32;
	vm4 =	vlt.f32 v28, v18;
	v18 =	vmovc v40;
	v35 =	vld.idx.msk [tilespmem:v35+s18+$0x0], $0xffff  }
0x41a: {  	v31 =	vsel vm3, v31, v38;
	v28 =	vsel vm4, $0x1, v60;
	vm1 =	vlt.f32 v15, v27;
	[tilespmem:s2+$0xDB30] =	vst v8  }
0x41b: {  	v38 =	vadd.s32 $0x8, v44;
	v8 =	vadd.s32 $0x8, v36;
	v28 =	vadd.s32 v28, v37;
	v40 =	vld.idx.msk [tilespmem:v49+s18+$0x0], $0xffff  }
0x41c: {  	v51 =	vadd.s32 $0x2, v1;
	v37 =	vor.u32 $0x10, v45;
	v49 =	vadd.s32 $0x4, v29;
	v5 =	vld.idx.msk [tilespmem:v5+s18+$0x0], $0xffff  }
0x41d: {  	v52 =	vadd.s32 $0x7, v42;
	v53 =	vadd.s32 $0x4, v32;
	v55 =	vsel vm2, v37, v45;
	v43 =	vld.idx.msk [tilespmem:v43+s18+$0x0], $0xffff  }
0x41e: {  	vm2 =	vlt.f32 v10, v25;
	v10 =	vadd.s32 $0x4, v4;
	v45 =	vld.idx.msk [tilespmem:v48+s18+$0x0], $0xffff;
	v48 =	vadd.s32 $0x7, v55  }
0x41f: {  	v37 =	vsel vm0, v49, v29;
	v4 =	vsel vm2, v10, v4;
	vm2 =	vlt.f32 v35, v23;
	v10 =	vld.idx.msk [tilespmem:v33+s18+$0x0], $0xffff  }
0x420: {  	v29 =	vadd.s32 $0x7, v41;
	v35 =	vadd.s32 $0x1, v4;
	v44 =	vsel vm2, v38, v44;
	v54 =	vld.idx.msk [tilespmem:v28+s20+$0x0], $0xffff  }
0x421: {  	v49 =	vadd.s32 $0x1, v37;
	v56 =	vadd.s32 $0x3, v44;
	v28 =	vadd.s32 $0x4, v6;
	v47 =	vld.idx.msk [tilespmem:v47+s18+$0x0], $0xffff  }
0x422: {  	vm2 =	vlt.f32 v40, v24;
	vm0 =	vlt.f32 v5, v22;
	v5 =	vadd.s32 $0x4, v2;
	v57 =	vld.idx.msk [tilespmem:v46+s18+$0x0], $0xffff  }
0x423: {  	v38 =	vsel vm2, v51, v1;
	v6 =	vsel vm0, v28, v6;
	vm0 =	vlt.f32 v43, v16;
	v52 =	vld.idx.msk [tilespmem:v52+s18+$0x0], $0xffff  }
0x424: {  	v1 =	vadd.s32 $0x4, v0;
	vm2 =	vlt.f32 v45, v30;
	v45 =	vadd.s32 $0x1, v6;
	v51 =	vld.idx.msk [tilespmem:v34+s18+$0x0], $0xffff  }
0x425: {  	v40 =	vsel vm0, v50, v7;
	v28 =	vsel vm2, v1, v0;
	vm2 =	vlt.f32 v10, v17;
	v29 =	vld.idx.msk [tilespmem:v29+s18+$0x0], $0xffff  }
0x426: {  	v0 =	vsel vm1, v9, v3;
	v33 =	vadd.s32 $0x1, v28;
	v46 =	vsel vm2, v5, v2;
	v49 =	vld.idx.msk [tilespmem:v49+s18+$0x0], $0xffff;
	[tilespmem:s2+$0xDB20] =	vst v54  }
0x427: {  	v1 =	vsel vm1, v13, v12;
	v2 =	vor.u32 $0x10, v0;
	v7 =	vadd.s32 $0x1, v46;
	v5 =	vld.idx.msk [tilespmem:v35+s18+$0x0], $0xffff  }
0x428: {  	v50 =	vadd.s32 $0x8, v42;
	v10 =	vadd.s32 $0x8, v41;
	vm0 =	vlt.f32 v57, v18;
	v54 =	vld.idx.msk [tilespmem:v56+s18+$0x0], $0xffff  }
0x429: {  	vm1 =	vlt.f32 v1, v27;
	v43 =	vsel vm0, v53, v32;
	v1 =	vld.idx.msk [tilespmem:v48+s18+$0x0], $0xffff;
	v48 =	vadd.s32 $0x2, v37  }
0x42a: {  	vm0 =	vlt.f32 v52, v26;
	v56 =	vadd.s32 $0x8, v55;
	v52 =	vadd.s32 $0x1, v43;
	v57 =	vld.idx.msk [tilespmem:v45+s18+$0x0], $0xffff  }
0x42b: {  	v58 =	vadd.s32 $0x2, v4;
	vm2 =	vlt.f32 v47, v21;
	vm3 =	vlt.f32 v51, v19;
	v19 =	vmovc v30;
	v59 =	vld.idx.msk [tilespmem:v38+s18+$0x0], $0xffff  }
0x42c: {  	v35 =	vsel vm1, v2, v0;
	v47 =	vsel vm2, v8, v36;
	v2 =	vsel vm3, $0x1, v60;
	v0 =	vld.idx.msk [tilespmem:v7+s18+$0x0], $0xffff  }
0x42d: {  	v32 =	vsel vm0, v50, v42;
	v2 =	vadd.s32 v2, v34;
	v7 =	vadd.s32 $0x3, v47;
	v51 =	vld.idx.msk [tilespmem:v40+s18+$0x0], $0xffff  }
0x42e: {  	v8 =	vadd.s32 $0x4, v44;
	vm0 =	vlt.f32 v29, v20;
	vm1 =	vlt.f32 v54, v23  }
.Ltmp3:
0x42f: {  	v29 =	vsel vm0, v10, v41;
	v45 =	vsel vm1, v8, v44;
	v8 =	vadd.s32 $0x2, v6;
	v50 =	vld.idx.msk [tilespmem:v52+s18+$0x0], $0xffff;
	(pc) =	sbr.rel @p0 .LBB2_8-.Ltmp3, $4  }
0x430: {  	vm0 =	vlt.f32 v5, v25;
	vm2 =	vlt.f32 v1, v39;
	v53 =	vadd.s32 $0x1, v45  }
0x431: {  	v41 =	vsel vm0, v58, v4;
	vm1 =	vlt.f32 v57, v22;
	vm0 =	vlt.f32 v59, v24;
	v52 =	vld.idx.msk [tilespmem:v31+s18+$0x0], $0xffff  }
0x432: {  	v30 =	vadd.s32 $0x2, v46;
	v36 =	vsel vm1, v8, v6;
	v24 =	vmovc v39;
	vm1 =	vlt.f32 v0, v17;
	v44 =	vld.idx.msk [tilespmem:v2+s20+$0x0], $0xffff  }
0x433: {  	s25 =	sadd.s32 $0x280, s25;
	v34 =	vadd.s32 $0x2, v28;
	v42 =	vsel vm2, v56, v55;
	v39 =	vadd.s32 $0x3, v32;
	v54 =	vld.idx.msk [tilespmem:v7+s18+$0x0], $0xffff  }
0x434: {  	v0 =	vadd.s32 $0x7, v35;
	_ =	sdelay $0x4  }
0x435: {  	v0 =	vld.idx.msk [tilespmem:v0+s18+$0x0], $0xffff;
	_ =	sdelay $0x3  }
0x436: {  	v1 =	vadd.s32 $0x3, v42  }
0x437: {  	v2 =	vadd.s32 $0x8, v35;
	v4 =	vadd.s32 $0x3, v29;
	vm2 =	vlt.f32 v0, v27  }
0x438: {  	v0 =	vsel vm2, v2, v35  }
0x439: {  	v5 =	vld.idx.msk [tilespmem:v39+s18+$0x0], $0xffff;
	v2 =	vadd.s32 $0x3, v0;
	_ =	sdelay $0x1  }
0x43a: {  	v1 =	vld.idx.msk [tilespmem:v1+s18+$0x0], $0xffff  }
0x43b: {  	v6 =	vsel vm1, v30, v46;
	vm12 =	vlt.f32 v49, v14;
	v4 =	vld.idx.msk [tilespmem:v4+s18+$0x0], $0xffff  }
0x43c: {  	v8 =	vadd.s32 $0x4, v42;
	v11 =	vadd.s32 $0x4, v32;
	vm9 =	vlt.f32 v50, v18  }
0x43d: {  	v57 =	vadd.s32 $0x2, v43;
	v7 =	vsel vm12, v48, v37;
	vm15 =	vlt.f32 v5, v26;
	v2 =	vld.idx.msk [tilespmem:v2+s18+$0x0], $0xffff  }
0x43e: {  	v59 =	vsel vm9, v57, v43;
	vm14 =	vlt.f32 v54, v21;
	v11 =	vsel vm15, v11, v32  }
0x43f: {  	v33 =	vld.idx.msk [tilespmem:v33+s18+$0x0], $0xffff;
	v63 =	vadd.s32 $0x1, v11;
	vm13 =	vlt.f32 v1, v24;
	v1 =	vadd.s32 $0x4, v47  }
0x440: {  	v10 =	vld.idx.msk [tilespmem:v53+s18+$0x0], $0xffff;
	vm5 =	vlt.f32 v4, v20;
	v4 =	vadd.s32 $0x4, v29;
	v1 =	vsel vm14, v1, v47  }
0x441: {  	v12 =	vld.idx.msk [tilespmem:v41+s18+$0x0], $0xffff;
	v8 =	vsel vm13, v8, v42;
	v4 =	vsel vm5, v4, v29;
	v47 =	vadd.s32 $0x1, v1  }
0x442: {  	v46 =	vld.idx.msk [tilespmem:v6+s18+$0x0], $0xffff;
	v5 =	vadd.s32 $0x1, v8;
	v13 =	vadd.s32 $0x4, v0;
	vm4 =	vlt.f32 v2, v27  }
0x443: {  	v48 =	vld.idx.msk [tilespmem:v7+s18+$0x0], $0xffff;
	v53 =	vadd.s32 $0x1, v4;
	v0 =	vsel vm4, v13, v0  }
0x444: {  	vm10 =	vlt.f32 v33, v19;
	v43 =	vld.idx.msk [tilespmem:v59+s18+$0x0], $0xffff;
	v49 =	vadd.s32 $0x1, v0  }
0x445: {  	vm8 =	vlt.f32 v10, v23;
	v28 =	vsel vm10, v34, v28;
	v42 =	vimm.s32 $0x0;
	v10 =	vld.idx.msk [tilespmem:v63+s18+$0x0], $0xffff  }
0x446: {  	vm6 =	vlt.f32 v51, v16;
	v55 =	vadd.s32 $0x2, v45;
	v51 =	vsel vm0, $0x1, v42;
	v32 =	vld.idx.msk [tilespmem:v47+s18+$0x0], $0xffff  }
0x447: {  	vm7 =	vlt.f32 v52, v62;
	v15 =	vadd.s32 v51, v38;
	v38 =	vsel vm8, v55, v45;
	v5 =	vld.idx.msk [tilespmem:v5+s18+$0x0], $0xffff  }
0x448: {  	vm13 =	vlt.f32 v46, v17;
	v56 =	vsel vm7, $0x1, v42;
	v61 =	vld.idx.msk [tilespmem:v53+s18+$0x0], $0xffff  }
0x449: {  	vm5 =	vlt.f32 v48, v14;
	v54 =	vsel vm6, $0x1, v42;
	v30 =	vadd.s32 v56, v31;
	v58 =	vld.idx.msk [tilespmem:v49+s18+$0x0], $0xffff  }
0x44a: {  	v63 =	vadd.s32 $0x2, v11;
	v16 =	vadd.s32 v54, v40;
	vm12 =	vlt.f32 v10, v26;
	v47 =	vld.idx.msk [tilespmem:v28+s18+$0x0], $0xffff  }
0x44b: {  	v60 =	vadd.s32 $0x2, v1;
	v11 =	vsel vm12, v63, v11;
	v2 =	vld.idx.msk [tilespmem:v36+s18+$0x0], $0xffff;
	vm14 =	vlt.f32 v32, v21  }
0x44c: {  	v62 =	vadd.s32 $0x2, v8;
	v10 =	vld.idx.msk [tilespmem:v38+s18+$0x0], $0xffff;
	vm11 =	vlt.f32 v5, v24;
	v1 =	vsel vm14, v60, v1  }
0x44d: {  	v45 =	vadd.s32 $0x2, v4;
	v15 =	vld.idx.msk [tilespmem:v15+s20+$0x0], $0xffff;
	v8 =	vsel vm11, v62, v8;
	vm4 =	vlt.f32 v61, v20  }
0x44e: {  	v37 =	vld.idx.msk [tilespmem:v30+s20+$0x0], $0xffff;
	v40 =	vadd.s32 $0x2, v0;
	v4 =	vsel vm4, v45, v4;
	vm15 =	vlt.f32 v58, v27  }
0x44f: {  	vm9 =	vlt.f32 v43, v18;
	v46 =	vsel vm13, $0x1, v42;
	v5 =	vld.idx.msk [tilespmem:v16+s20+$0x0], $0xffff;
	v0 =	vsel vm15, v40, v0  }
0x450: {  	v48 =	vsel vm5, $0x1, v42;
	v6 =	vadd.s32 v46, v6;
	v50 =	vld.idx.msk [tilespmem:v11+s18+$0x0], $0xffff;
	vm7 =	vlt.f32 v2, v22  }
0x451: {  	v7 =	vadd.s32 v48, v7;
	vm8 =	vlt.f32 v10, v23;
	v22 =	vsel vm7, $0x1, v42;
	v10 =	vld.idx.msk [tilespmem:v1+s18+$0x0], $0xffff  }
0x452: {  	vm6 =	vlt.f32 v12, v25;
	v53 =	vsel vm9, $0x1, v42;
	v49 =	vld.idx.msk [tilespmem:v8+s18+$0x0], $0xffff;
	v22 =	vadd.s32 v22, v36  }
0x453: {  	v55 =	vadd.s32 v53, v59;
	vm10 =	vlt.f32 v47, v19;
	v2 =	vsel vm6, $0x1, v42;
	v54 =	vld.idx.msk [tilespmem:v4+s18+$0x0], $0xffff  }
0x454: {  	v56 =	vsel vm10, $0x1, v42;
	v2 =	vadd.s32 v2, v41;
	v51 =	vld.idx.msk [tilespmem:v0+s18+$0x0], $0xffff  }
0x455: {  	v6 =	vld.idx.msk [tilespmem:v6+s20+$0x0], $0xffff;
	v23 =	vsel vm8, $0x1, v42;
	v57 =	vadd.s32 v56, v28;
	vm12 =	vlt.f32 v50, v26  }
0x456: {  	[tilespmem:s2+$0xDAE0] =	vst v44;
	v7 =	vld.idx.msk [tilespmem:v7+s20+$0x0], $0xffff;
	v52 =	vadd.s32 v23, v38;
	v59 =	vsel vm12, $0x1, v42;
	vm13 =	vlt.f32 v10, v21  }
0x457: {  	[tilespmem:s2+$0xDAF0] =	vst v5;
	v10 =	vadd.s32 v59, v11;
	vm11 =	vlt.f32 v49, v24;
	v5 =	vld.idx.msk [tilespmem:v22+s20+$0x0], $0xffff;
	v11 =	vsel vm13, $0x1, v42  }
0x458: {  	[tilespmem:s10+$0x7D80] =	vst v15;
	v61 =	vld.idx.msk [tilespmem:v55+s20+$0x0], $0xffff;
	v58 =	vsel vm11, $0x1, v42;
	v1 =	vadd.s32 v11, v1;
	vm15 =	vlt.f32 v54, v20  }
0x459: {  	[tilespmem:s2+$0xDB10] =	vst v37;
	v2 =	vld.idx.msk [tilespmem:v2+s20+$0x0], $0xffff;
	v8 =	vadd.s32 v58, v8;
	v62 =	vsel vm15, $0x1, v42;
	vm14 =	vlt.f32 v51, v27  }
0x45a: {  	[tilespmem:s2+$0xDAC0] =	vst v6;
	v63 =	vld.idx.msk [tilespmem:v57+s20+$0x0], $0xffff;
	v4 =	vadd.s32 v62, v4;
	v11 =	vsel vm14, $0x1, v42  }
0x45b: {  	[tilespmem:s2+$0xDAD0] =	vst v7;
	v60 =	vld.idx.msk [tilespmem:v52+s20+$0x0], $0xffff;
	v0 =	vadd.s32 v11, v0  }
0x45c: {  	[tilespmem:s11+$0xDB50] =	vst v5;
	v5 =	vld.idx.msk [tilespmem:v10+s20+$0x0], $0xffff  }
0x45d: {  	[tilespmem:s11+$0xDB20] =	vst v61;
	v1 =	vld.idx.msk [tilespmem:v1+s20+$0x0], $0xffff  }
0x45e: {  	[tilespmem:s11+$0xDB00] =	vst v2;
	v2 =	vld.idx.msk [tilespmem:v8+s20+$0x0], $0xffff  }
0x45f: {  	[tilespmem:s11+$0xDAE0] =	vst v63;
	v4 =	vld.idx.msk [tilespmem:v4+s20+$0x0], $0xffff  }
0x460: {  	[tilespmem:s11+$0xDB30] =	vst v60;
	v0 =	vld.idx.msk [tilespmem:v0+s20+$0x0], $0xffff  }
0x461: {  	[tilespmem:s11+$0xDAF0] =	vst v5  }
0x462: {  	[tilespmem:s11+$0xDB10] =	vst v1  }
0x463: {  	[tilespmem:s12+$0x7D80] =	vst v2  }
0x464: {  	[tilespmem:s11+$0xDAD0] =	vst v4  }
0x465: {  	s28 =	simm.s32 $0xDAC0;
	[tilespmem:s11+$0xDAC0] =	vst v0  }
0x466: {  	[hbm4b:s16+s3] =	stream.linear.scatter [tilespmem:s28], [sflag:$0x8], $0x1F40, $0x38;
	[tilespmem:$0x10380] =	vst v63  }
0x467: {  	_ =	swait.ge [sflag:s29], $0x1F40  }
0x468: {  	[sflag:s29] =	ssyncset.done $0x0  }
0x469: {  	[sflag:s29] =	ssyncadd.s32 $0xFFFFE0C0  }
0x46a: {  	_ =	swait.ge [sflag:s30], $0x1F40  }
0x46b: {  	[sflag:s30] =	ssyncset.done $0x0  }
0x46c: {  	s0 =	sadd.s32 $0x1, s0;
	[sflag:s30] =	ssyncadd.s32 $0xFFFFE0C0  }
0x46d: {  	p0 =	sne.s32 s0, s17;
	_ =	swait.ge [sflag:s31], $0x1F40  }
.Ltmp4:
0x46e: {  	[sflag:s31] =	ssyncset.done $0x0;
	(pc) =	sbr.rel @p0 .LBB2_1-.Ltmp4, $4  }
0x46f: {  	[sflag:s31] =	ssyncadd.s32 $0xFFFFE0C0  }
0x470: {  	_ =	swait.ge [sflag:s1], $0x1F40  }
0x471: {  	[sflag:s1] =	ssyncset.done $0x0  }
0x472: {  	[sflag:s1] =	ssyncadd.s32 $0xFFFFE0C0  }
0x473: {  	_ =	sfence.sel $0x180000  }
0x474: {  	[bflag:$0x0] =	sbarrier.arrive $0xFFFF  }
0x475: {  	_ =	strace $0x90000047  }
0x476: {  	s0 =	stileid.u32;
	[bflag:$0x2] =	sbarrier.arrive $0xFFFF  }
0x477: {  	p0 =	sne.s32 s0, $0x0;
	s0 =	rddreg [dreg:$0x3]  }
0x478: {  	s0 =	sadd.s32 @!p0 $0x100000, s0  }
0x479: {  	[sflag:s0] =	ssyncadd.tile.s32 @!p0 $0x1;
	_ =	shalt  }
.Lfunc_end2:
_tile_overlayer_lowered:
.L_overlay_start_2:
0x47a: {  	(tag) =	ssettag $0x2  }
0x47b: {  	s0 =	rddreg [dreg:$0x0];
	s2 =	stileid.u32  }
0x47c: {  	s1 =	rddreg [dreg:$0x1];
	p0 =	sne.s32 s2, $0x0  }
0x47d: {  	s3 =	rddreg [dreg:$0x2];
	[bflag:$0x3] =	sbarrier.arrive $0xFFFF;
	s2 =	simm.s32 @!p0 $0x1C09  }
0x47e: {  	[timem:s3], [sflag:s2] =	dma.local @!p0 [hbm:s0], s1  }
0x47f: {  	s0 =	simm.s32 @!p0 $0x9  }
0x480: {  	_ =	swait.ge @!p0 [sflag:s0], s1  }
0x481: {  	s1 =	ssub.s32 @!p0 $0x0, s1;
	[sflag:s0] =	ssyncset.done @!p0 $0x0  }
0x482: {  	[sflag:s0] =	ssyncadd.s32 @!p0 s1  }
0x483: {  	[bflag:$0x3] =	sbarrier.arrive $0xFFFF  }
0x484: {  	_ =	shalt  }

</sc_bundles>
